<compile_context>
chip_gen: v7x
topology: tpu7x:2x2x1
jax: 0.10.2.dev20260603
libtpu: 0.0.44.dev20260713+nightly
codegen_flags: <defaults>
</compile_context>

<pallas_src>
import functools

import jax
import jax.numpy as jnp
from jax import lax
from jax.experimental import pallas as pl
from jax.experimental.pallas import tpu as pltpu
from jax.experimental.pallas import tpu_sc as plsc

N = 10000
E = 320000
H = 128
BN_EPS = 1e-5

NC = 2
NS = 16
NW = NC * NS
EDGES_PER_W = E // NW
CHUNK = 125
CHUNKS = EDGES_PER_W // CHUNK
HALF = CHUNKS // 2
N_PAD = 10240
ROWS_PER_TILE = N_PAD // NS

_mesh = plsc.VectorSubcoreMesh(core_axis_name="c", subcore_axis_name="s")


@functools.partial(
    pl.kernel,
    out_type=jax.ShapeDtypeStruct((NC, N_PAD, H), jnp.float32),
    mesh=_mesh,
    scratch_types=[
        pltpu.VMEM((HALF, CHUNK), jnp.int32),
        pltpu.VMEM((HALF, CHUNK), jnp.int32),
        pltpu.VMEM((CHUNK, H), jnp.float32),
        pltpu.VMEM((CHUNK, H), jnp.float32),
        pltpu.VMEM_SHARED((N_PAD, H), jnp.float32),
        pltpu.SemaphoreType.DMA,
        pltpu.SemaphoreType.DMA,
        pltpu.SemaphoreType.DMA,
    ],
)
def _sc_segment_sum(h_hbm, idx_hbm, zeros_hbm, out_hbm,
                    src_v, dst_v, rows0_v, rows1_v, acc_sh,
                    sem_g0, sem_g1, sem_z):
    cid = lax.axis_index("c")
    sid = lax.axis_index("s")
    wid = sid * NC + cid

    base = sid * ROWS_PER_TILE

    @pl.when(jnp.logical_and(cid == 0, sid < NS - 1))
    def _():
        pltpu.async_copy(h_hbm.at[pl.ds(base, ROWS_PER_TILE)],
                         acc_sh.at[pl.ds(base, ROWS_PER_TILE)], sem_z)

    @pl.when(jnp.logical_and(cid == 0, sid == NS - 1))
    def _():
        pltpu.async_copy(h_hbm.at[pl.ds(base, N - (NS - 1) * ROWS_PER_TILE)],
                         acc_sh.at[pl.ds(base, N - (NS - 1) * ROWS_PER_TILE)],
                         sem_z)

    @pl.when(cid == 1)
    def _():
        pltpu.async_copy(zeros_hbm,
                         acc_sh.at[pl.ds(base, ROWS_PER_TILE)], sem_z)

    for p in range(2):
        pltpu.sync_copy(idx_hbm.at[0, wid, p], src_v)
        pltpu.sync_copy(idx_hbm.at[1, wid, p], dst_v)
        pltpu.async_copy(h_hbm.at[src_v.at[0]], rows0_v, sem_g0)
        pltpu.async_copy(h_hbm.at[src_v.at[1]], rows1_v, sem_g1)
        if p == 0:
            @pl.when(jnp.logical_and(cid == 0, sid < NS - 1))
            def _():
                pltpu.make_async_copy(
                    h_hbm.at[pl.ds(base, ROWS_PER_TILE)],
                    acc_sh.at[pl.ds(base, ROWS_PER_TILE)], sem_z).wait()

            @pl.when(jnp.logical_and(cid == 0, sid == NS - 1))
            def _():
                pltpu.make_async_copy(
                    h_hbm.at[pl.ds(base, N - (NS - 1) * ROWS_PER_TILE)],
                    acc_sh.at[pl.ds(base, N - (NS - 1) * ROWS_PER_TILE)],
                    sem_z).wait()

            @pl.when(cid == 1)
            def _():
                pltpu.make_async_copy(
                    zeros_hbm,
                    acc_sh.at[pl.ds(base, ROWS_PER_TILE)], sem_z).wait()

            plsc.subcore_barrier()

        def body(i, carry):
            j = i * 2
            pltpu.make_async_copy(h_hbm.at[src_v.at[0]], rows0_v, sem_g0).wait()
            pltpu.sync_copy(rows0_v, acc_sh.at[dst_v.at[j]], add=True)

            @pl.when(j + 2 < HALF)
            def _():
                pltpu.async_copy(h_hbm.at[src_v.at[j + 2]], rows0_v, sem_g0)

            pltpu.make_async_copy(h_hbm.at[src_v.at[0]], rows1_v, sem_g1).wait()
            pltpu.sync_copy(rows1_v, acc_sh.at[dst_v.at[j + 1]], add=True)

            @pl.when(j + 3 < HALF)
            def _():
                pltpu.async_copy(h_hbm.at[src_v.at[j + 3]], rows1_v, sem_g1)

            return carry

        lax.fori_loop(0, HALF // 2, body, 0)

    plsc.subcore_barrier()
    pltpu.sync_copy(acc_sh.at[pl.ds(sid * ROWS_PER_TILE, ROWS_PER_TILE)],
                    out_hbm.at[cid, pl.ds(sid * ROWS_PER_TILE, ROWS_PER_TILE)])


ROW_BLK = 5000


def _mlp_body(agg_ref, w1_ref, b1_ref, w2_ref, b2_ref, o_ref):
    z = agg_ref[0] + agg_ref[1]
    t = jnp.dot(z, w1_ref[...], preferred_element_type=jnp.float32) + b1_ref[...]
    t = jnp.maximum(t, 0.0)
    t = jnp.dot(t, w2_ref[...], preferred_element_type=jnp.float32) + b2_ref[...]
    o_ref[...] = jnp.maximum(t, 0.0)


def _tc_mlp(agg, W1, b1, W2, b2):
    return pl.pallas_call(
        _mlp_body,
        grid=(N // ROW_BLK,),
        in_specs=[
            pl.BlockSpec((NC, ROW_BLK, H), lambda i: (0, i, 0)),
            pl.BlockSpec((H, H), lambda i: (0, 0)),
            pl.BlockSpec((1, H), lambda i: (0, 0)),
            pl.BlockSpec((H, H), lambda i: (0, 0)),
            pl.BlockSpec((1, H), lambda i: (0, 0)),
        ],
        out_specs=pl.BlockSpec((ROW_BLK, H), lambda i: (i, 0)),
        out_shape=jax.ShapeDtypeStruct((N, H), jnp.float32),
    )(agg, W1, b1.reshape(1, H), W2, b2.reshape(1, H))


def _mlp3_head_body(agg_ref, w1_ref, b1_ref, w2_ref, b2_ref,
                    h1_ref, h2_ref, wjk_ref, bjk_ref, wc1_ref, bc1_ref,
                    gam_ref, bet_ref, mu_ref, var_ref, wc2_ref, bc2_ref, o_ref):
    z = agg_ref[0] + agg_ref[1]
    t = jnp.dot(z, w1_ref[...], preferred_element_type=jnp.float32) + b1_ref[...]
    t = jnp.maximum(t, 0.0)
    t = jnp.dot(t, w2_ref[...], preferred_element_type=jnp.float32) + b2_ref[...]
    h3 = jnp.maximum(t, 0.0)
    t = jnp.dot(h1_ref[...], wjk_ref[0:H, :], preferred_element_type=jnp.float32)
    t += jnp.dot(h2_ref[...], wjk_ref[H:2 * H, :], preferred_element_type=jnp.float32)
    t += jnp.dot(h3, wjk_ref[2 * H:3 * H, :], preferred_element_type=jnp.float32)
    t += bjk_ref[...]
    u = jnp.dot(t, wc1_ref[...], preferred_element_type=jnp.float32) + bc1_ref[...]
    scale = gam_ref[...] * lax.rsqrt(var_ref[...] + BN_EPS)
    u = (u - mu_ref[...]) * scale + bet_ref[...]
    u = jnp.maximum(u, 0.0)
    o_ref[...] = jnp.dot(u, wc2_ref[...], preferred_element_type=jnp.float32) + bc2_ref[...]


def _tc_mlp3_head(agg, W1, b1, W2, b2, h1, h2, W_jk, b_jk, Wc1, bc1,
                  gam, bet, mu, var, Wc2, bc2):
    row = lambda v: v.reshape(1, H)
    full = lambda shape: pl.BlockSpec(shape, lambda i: (0,) * len(shape))
    blk = pl.BlockSpec((ROW_BLK, H), lambda i: (i, 0))
    return pl.pallas_call(
        _mlp3_head_body,
        grid=(N // ROW_BLK,),
        in_specs=[pl.BlockSpec((NC, ROW_BLK, H), lambda i: (0, i, 0)),
                  full((H, H)), full((1, H)), full((H, H)), full((1, H)),
                  blk, blk,
                  full((3 * H, H)), full((1, H)),
                  full((H, H)), full((1, H)),
                  full((1, H)), full((1, H)), full((1, H)), full((1, H)),
                  full((H, H)), full((1, H))],
        out_specs=blk,
        out_shape=jax.ShapeDtypeStruct((N, H), jnp.float32),
    )(agg, W1, row(b1), W2, row(b2), h1, h2, W_jk, row(b_jk), Wc1, row(bc1),
      row(gam), row(bet), row(mu), row(var), Wc2, row(bc2))


def kernel(x, edge_index, W1_0, b1_0, W2_0, b2_0, W1_1, b1_1, W2_1, b2_1,
           W1_2, b1_2, W2_2, b2_2, W_jk, b_jk, Wc1, bc1,
           bn_gamma, bn_beta, bn_mean, bn_var, Wc2, bc2):
    idx = edge_index.reshape(2, NW, 2, HALF, CHUNK)
    zeros = jnp.zeros((ROWS_PER_TILE, H), jnp.float32)

    h = x
    xs = []
    for (W1, b1, W2, b2) in ((W1_0, b1_0, W2_0, b2_0),
                             (W1_1, b1_1, W2_1, b2_1)):
        agg = _sc_segment_sum(h, idx, zeros)
        h = _tc_mlp(agg, W1, b1, W2, b2)
        xs.append(h)

    agg = _sc_segment_sum(h, idx, zeros)
    return _tc_mlp3_head(agg, W1_2, b1_2, W2_2, b2_2, xs[0], xs[1],
                         W_jk, b_jk, Wc1, bc1,
                         bn_gamma, bn_beta, bn_mean, bn_var, Wc2, bc2)

# --- scband reference (transcript-rebuilt; emitter-appended) ---
"""Pipeline reference for scband-gin-model-16088947491245 (READ-ONLY COPY).

The authoritative reference and input builder live on the scoring server;
editing this copy changes nothing except your own understanding.
"""

import jax, jax.numpy as jnp
import numpy as np

N = 10000
E = 320000
D_IN = 128
H = 128
L = 3
BN_EPS = 1e-5

def setup_inputs(seed: int = 0) -> dict:
    key = jax.random.key(seed)
    ks = jax.random.split(key, 20)
    inp = {}
    inp["x"] = jax.random.normal(ks[0], (N, D_IN), dtype=jnp.float32)
    inp["edge_index"] = jax.random.randint(ks[1], (2, E), 0, N, dtype=jnp.int32)
    dims = [D_IN] + [H] * (L - 1)
    k = 2
    for i in range(L):
        inp["W1_%d" % i] = jax.random.normal(ks[k], (dims[i], H), dtype=jnp.float32) / np.sqrt(dims[i]); k += 1
        inp["b1_%d" % i] = jnp.zeros((H,), jnp.float32)
        inp["W2_%d" % i] = jax.random.normal(ks[k], (H, H), dtype=jnp.float32) / np.sqrt(H); k += 1
        inp["b2_%d" % i] = jnp.zeros((H,), jnp.float32)
    inp["W_jk"] = jax.random.normal(ks[k], (L * H, H), dtype=jnp.float32) / np.sqrt(L * H); k += 1
    inp["b_jk"] = jnp.zeros((H,), jnp.float32)
    inp["Wc1"] = jax.random.normal(ks[k], (H, H), dtype=jnp.float32) / np.sqrt(H); k += 1
    inp["bc1"] = jnp.zeros((H,), jnp.float32)
    inp["bn_gamma"] = jnp.ones((H,), jnp.float32)
    inp["bn_beta"] = jnp.zeros((H,), jnp.float32)
    inp["bn_mean"] = jnp.zeros((H,), jnp.float32)
    inp["bn_var"] = jnp.ones((H,), jnp.float32)
    inp["Wc2"] = jax.random.normal(ks[k], (H, H), dtype=jnp.float32) / np.sqrt(H); k += 1
    inp["bc2"] = jnp.zeros((H,), jnp.float32)
    return inp

def _gin_conv(x, src, dst, W1, b1, W2, b2):
    # GINConv with eps=0: nn((1+eps)*x + sum_{j->i} x_j)
    agg = jax.ops.segment_sum(x[src], dst, num_segments=x.shape[0])
    z = x + agg
    h = jnp.dot(z, W1) + b1
    h = jax.nn.relu(h)
    h = jnp.dot(h, W2) + b2
    return h

def reference(x, edge_index, W1_0, b1_0, W2_0, b2_0, W1_1, b1_1, W2_1, b2_1, W1_2, b1_2, W2_2, b2_2, W_jk, b_jk, Wc1, bc1, bn_gamma, bn_beta, bn_mean, bn_var, Wc2, bc2):
    # Eval-mode forward: dropout = identity, batch norm uses running stats.
    src = edge_index[0]
    dst = edge_index[1]
    Ws = [(W1_0, b1_0, W2_0, b2_0), (W1_1, b1_1, W2_1, b2_1), (W1_2, b1_2, W2_2, b2_2)]
    h = x
    xs = []
    for (W1, b1, W2, b2) in Ws:
        h = _gin_conv(h, src, dst, W1, b1, W2, b2)
        h = jax.nn.relu(h)  # BasicGNN inter-layer activation (applied to all layers since jk='cat')
        xs.append(h)
    h = jnp.concatenate(xs, axis=-1)  # JumpingKnowledge 'cat'
    h = jnp.dot(h, W_jk) + b_jk       # BasicGNN final lin after jk
    # classifier MLP([H, H, out]) with batch_norm, plain_last=True
    h = jnp.dot(h, Wc1) + bc1
    h = (h - bn_mean) / jnp.sqrt(bn_var + BN_EPS) * bn_gamma + bn_beta
    h = jax.nn.relu(h)
    h = jnp.dot(h, Wc2) + bc2
    return h

if __name__ == "__main__":
    import jax
    _d = setup_inputs()
    print(jax.jit(kernel)(*tuple(_d.values())))

</pallas_src>

<mosaic_0001>
#map = affine_map<(d0, d1) -> (0, 0)>
#map1 = affine_map<(d0, d1) -> (0, 0, 0, 0, 0)>
#map2 = affine_map<(d0, d1) -> (0, 0, 0)>
module attributes {stable_mosaic.version = 14 : i64} {
  func.func @_sc_segment_sum(%arg0: i32, %arg1: i32, %arg2: memref<10000x128xf32, #tpu.memory_space<hbm>>, %arg3: memref<2x32x2x40x125xi32, #tpu.memory_space<hbm>>, %arg4: memref<640x128xf32, #tpu.memory_space<hbm>>, %arg5: memref<2x10240x128xf32, #tpu.memory_space<hbm>>, %arg6: memref<40x125xi32, #tpu.memory_space<vmem>>, %arg7: memref<40x125xi32, #tpu.memory_space<vmem>>, %arg8: memref<125x128xf32, #tpu.memory_space<vmem>>, %arg9: memref<125x128xf32, #tpu.memory_space<vmem>>, %arg10: memref<10240x128xf32, #tpu.memory_space<vmem_shared>>, %arg11: memref<!tpu.dma_semaphore, #tpu.memory_space<semaphore_mem>>, %arg12: memref<!tpu.dma_semaphore, #tpu.memory_space<semaphore_mem>>, %arg13: memref<!tpu.dma_semaphore, #tpu.memory_space<semaphore_mem>>) attributes {dimension_semantics = [#tpu.dimension_semantics<core_parallel>, #tpu.dimension_semantics<subcore_parallel>], iteration_bounds = array<i64: 2, 16>, scalar_prefetch = 0 : i64, scratch_operands = 8 : i64, tpu.core_type = #tpu.core_type<sc_vector_subcore>, window_params = [{transform_indices = #map}, {transform_indices = #map1}, {transform_indices = #map}, {transform_indices = #map2}]} {
    %mul3A = arith.constant 2 : i32
    %mul3A_0 = arith.muli %arg1, %mul3A : i32
    %add3A = arith.addi %mul3A_0, %arg0 : i32
    %mul3A_1 = arith.constant 640 : i32
    %mul3A_2 = arith.muli %arg1, %mul3A_1 : i32
    %eq3A = arith.constant 0 : i32
    %eq3A_3 = arith.cmpi eq, %arg0, %eq3A : i32
    %lt3A = arith.constant 15 : i32
    %lt3A_4 = arith.cmpi slt, %arg1, %lt3A : i32
    %and3A = arith.andi %eq3A_3, %lt3A_4 : i1
    %convert_element_type3A = arith.extui %and3A : i1 to i32
    %cond3A = arith.constant 0 : i32
    %cond3A_5 = arith.cmpi ne, %convert_element_type3A, %cond3A : i32
    scf.if %cond3A_5 {
      %dma_start3A_90 = arith.constant 0 : i32
      %dma_start3A_91 = tpu.memref_slice %arg10[%mul3A_2, %dma_start3A_90] : memref<10240x128xf32, #tpu.memory_space<vmem_shared>> -> memref<640x128xf32, #tpu.memory_space<vmem_shared>>
      %dma_start3A_92 = arith.constant 0 : i32
      %dma_start3A_93 = tpu.memref_slice %arg2[%mul3A_2, %dma_start3A_92] : memref<10000x128xf32, #tpu.memory_space<hbm>> -> memref<640x128xf32, #tpu.memory_space<hbm>>
      tpu.enqueue_dma source(%dma_start3A_93 : memref<640x128xf32, #tpu.memory_space<hbm>>) target(%dma_start3A_91 : memref<640x128xf32, #tpu.memory_space<vmem_shared>>) target_semaphore(%arg13 : memref<!tpu.dma_semaphore, #tpu.memory_space<semaphore_mem>>)
    } else {
    }
    %eq3A_6 = arith.constant 0 : i32
    %eq3A_7 = arith.cmpi eq, %arg0, %eq3A_6 : i32
    %eq3A_8 = arith.constant 15 : i32
    %eq3A_9 = arith.cmpi eq, %arg1, %eq3A_8 : i32
    %and3A_10 = arith.andi %eq3A_7, %eq3A_9 : i1
    %convert_element_type3A_11 = arith.extui %and3A_10 : i1 to i32
    %cond3A_12 = arith.constant 0 : i32
    %cond3A_13 = arith.cmpi ne, %convert_element_type3A_11, %cond3A_12 : i32
    scf.if %cond3A_13 {
      %dma_start3A_90 = arith.constant 0 : i32
      %dma_start3A_91 = tpu.memref_slice %arg10[%mul3A_2, %dma_start3A_90] : memref<10240x128xf32, #tpu.memory_space<vmem_shared>> -> memref<400x128xf32, #tpu.memory_space<vmem_shared>>
      %dma_start3A_92 = arith.constant 0 : i32
      %dma_start3A_93 = tpu.memref_slice %arg2[%mul3A_2, %dma_start3A_92] : memref<10000x128xf32, #tpu.memory_space<hbm>> -> memref<400x128xf32, #tpu.memory_space<hbm>>
      tpu.enqueue_dma source(%dma_start3A_93 : memref<400x128xf32, #tpu.memory_space<hbm>>) target(%dma_start3A_91 : memref<400x128xf32, #tpu.memory_space<vmem_shared>>) target_semaphore(%arg13 : memref<!tpu.dma_semaphore, #tpu.memory_space<semaphore_mem>>)
    } else {
    }
    %eq3A_14 = arith.constant 1 : i32
    %eq3A_15 = arith.cmpi eq, %arg0, %eq3A_14 : i32
    %convert_element_type3A_16 = arith.extui %eq3A_15 : i1 to i32
    %cond3A_17 = arith.constant 0 : i32
    %cond3A_18 = arith.cmpi ne, %convert_element_type3A_16, %cond3A_17 : i32
    scf.if %cond3A_18 {
      %dma_start3A_90 = arith.constant 0 : i32
      %dma_start3A_91 = tpu.memref_slice %arg10[%mul3A_2, %dma_start3A_90] : memref<10240x128xf32, #tpu.memory_space<vmem_shared>> -> memref<640x128xf32, #tpu.memory_space<vmem_shared>>
      tpu.enqueue_dma source(%arg4 : memref<640x128xf32, #tpu.memory_space<hbm>>) target(%dma_start3A_91 : memref<640x128xf32, #tpu.memory_space<vmem_shared>>) target_semaphore(%arg13 : memref<!tpu.dma_semaphore, #tpu.memory_space<semaphore_mem>>)
    } else {
    }
    %run_scoped3A = arith.constant 0 : i32
    %run_scoped3A_19 = arith.constant 0 : i32
    "tpu.region"() ({
      %run_scoped3A_90 = tpu.sem_alloc : memref<!tpu.dma_semaphore, #tpu.memory_space<semaphore_mem>>
      %dma_start3A_91 = arith.constant 0 : i32
      %dma_start3A_92 = arith.constant 0 : i32
      %dma_start3A_93 = tpu.memref_slice %arg3[%run_scoped3A, %add3A, %run_scoped3A_19, %dma_start3A_91, %dma_start3A_92] : memref<2x32x2x40x125xi32, #tpu.memory_space<hbm>> -> memref<1x1x1x40x125xi32, #tpu.memory_space<hbm>>
      %dma_start3A_94 = tpu.memref_squeeze %dma_start3A_93 : memref<1x1x1x40x125xi32, #tpu.memory_space<hbm>> -> memref<40x125xi32, #tpu.memory_space<hbm>>
      %dma_start3A_95 = arith.constant 0 : i32
      %dma_start3A_96 = arith.constant 0 : i32
      %dma_start3A_97 = tpu.memref_slice %arg3[%run_scoped3A, %add3A, %run_scoped3A_19, %dma_start3A_95, %dma_start3A_96] : memref<2x32x2x40x125xi32, #tpu.memory_space<hbm>> -> memref<1x1x1x40x125xi32, #tpu.memory_space<hbm>>
      %dma_start3A_98 = tpu.memref_squeeze %dma_start3A_97 : memref<1x1x1x40x125xi32, #tpu.memory_space<hbm>> -> memref<40x125xi32, #tpu.memory_space<hbm>>
      tpu.enqueue_dma source(%dma_start3A_98 : memref<40x125xi32, #tpu.memory_space<hbm>>) target(%arg6 : memref<40x125xi32, #tpu.memory_space<vmem>>) target_semaphore(%run_scoped3A_90 : memref<!tpu.dma_semaphore, #tpu.memory_space<semaphore_mem>>)
      %dma_wait3A = arith.constant 0 : i32
      %dma_wait3A_99 = arith.constant 0 : i32
      %dma_wait3A_100 = tpu.memref_slice %arg3[%run_scoped3A, %add3A, %run_scoped3A_19, %dma_wait3A, %dma_wait3A_99] : memref<2x32x2x40x125xi32, #tpu.memory_space<hbm>> -> memref<1x1x1x40x125xi32, #tpu.memory_space<hbm>>
      %dma_wait3A_101 = tpu.memref_squeeze %dma_wait3A_100 : memref<1x1x1x40x125xi32, #tpu.memory_space<hbm>> -> memref<40x125xi32, #tpu.memory_space<hbm>>
      %dma_wait3A_102 = arith.constant 0 : i32
      %dma_wait3A_103 = arith.constant 0 : i32
      %dma_wait3A_104 = tpu.memref_slice %arg3[%run_scoped3A, %add3A, %run_scoped3A_19, %dma_wait3A_102, %dma_wait3A_103] : memref<2x32x2x40x125xi32, #tpu.memory_space<hbm>> -> memref<1x1x1x40x125xi32, #tpu.memory_space<hbm>>
      %dma_wait3A_105 = tpu.memref_squeeze %dma_wait3A_104 : memref<1x1x1x40x125xi32, #tpu.memory_space<hbm>> -> memref<40x125xi32, #tpu.memory_space<hbm>>
      tpu.wait_dma2 semaphore(%run_scoped3A_90 : memref<!tpu.dma_semaphore, #tpu.memory_space<semaphore_mem>>) src(%dma_wait3A_105 : memref<40x125xi32, #tpu.memory_space<hbm>>) dst(%arg6 : memref<40x125xi32, #tpu.memory_space<vmem>>)
      tpu.yield
    }) : () -> ()
    %run_scoped3A_20 = arith.constant 1 : i32
    %run_scoped3A_21 = arith.constant 0 : i32
    "tpu.region"() ({
      %run_scoped3A_90 = tpu.sem_alloc : memref<!tpu.dma_semaphore, #tpu.memory_space<semaphore_mem>>
      %dma_start3A_91 = arith.constant 0 : i32
      %dma_start3A_92 = arith.constant 0 : i32
      %dma_start3A_93 = tpu.memref_slice %arg3[%run_scoped3A_20, %add3A, %run_scoped3A_21, %dma_start3A_91, %dma_start3A_92] : memref<2x32x2x40x125xi32, #tpu.memory_space<hbm>> -> memref<1x1x1x40x125xi32, #tpu.memory_space<hbm>>
      %dma_start3A_94 = tpu.memref_squeeze %dma_start3A_93 : memref<1x1x1x40x125xi32, #tpu.memory_space<hbm>> -> memref<40x125xi32, #tpu.memory_space<hbm>>
      %dma_start3A_95 = arith.constant 0 : i32
      %dma_start3A_96 = arith.constant 0 : i32
      %dma_start3A_97 = tpu.memref_slice %arg3[%run_scoped3A_20, %add3A, %run_scoped3A_21, %dma_start3A_95, %dma_start3A_96] : memref<2x32x2x40x125xi32, #tpu.memory_space<hbm>> -> memref<1x1x1x40x125xi32, #tpu.memory_space<hbm>>
      %dma_start3A_98 = tpu.memref_squeeze %dma_start3A_97 : memref<1x1x1x40x125xi32, #tpu.memory_space<hbm>> -> memref<40x125xi32, #tpu.memory_space<hbm>>
      tpu.enqueue_dma source(%dma_start3A_98 : memref<40x125xi32, #tpu.memory_space<hbm>>) target(%arg7 : memref<40x125xi32, #tpu.memory_space<vmem>>) target_semaphore(%run_scoped3A_90 : memref<!tpu.dma_semaphore, #tpu.memory_space<semaphore_mem>>)
      %dma_wait3A = arith.constant 0 : i32
      %dma_wait3A_99 = arith.constant 0 : i32
      %dma_wait3A_100 = tpu.memref_slice %arg3[%run_scoped3A_20, %add3A, %run_scoped3A_21, %dma_wait3A, %dma_wait3A_99] : memref<2x32x2x40x125xi32, #tpu.memory_space<hbm>> -> memref<1x1x1x40x125xi32, #tpu.memory_space<hbm>>
      %dma_wait3A_101 = tpu.memref_squeeze %dma_wait3A_100 : memref<1x1x1x40x125xi32, #tpu.memory_space<hbm>> -> memref<40x125xi32, #tpu.memory_space<hbm>>
      %dma_wait3A_102 = arith.constant 0 : i32
      %dma_wait3A_103 = arith.constant 0 : i32
      %dma_wait3A_104 = tpu.memref_slice %arg3[%run_scoped3A_20, %add3A, %run_scoped3A_21, %dma_wait3A_102, %dma_wait3A_103] : memref<2x32x2x40x125xi32, #tpu.memory_space<hbm>> -> memref<1x1x1x40x125xi32, #tpu.memory_space<hbm>>
      %dma_wait3A_105 = tpu.memref_squeeze %dma_wait3A_104 : memref<1x1x1x40x125xi32, #tpu.memory_space<hbm>> -> memref<40x125xi32, #tpu.memory_space<hbm>>
      tpu.wait_dma2 semaphore(%run_scoped3A_90 : memref<!tpu.dma_semaphore, #tpu.memory_space<semaphore_mem>>) src(%dma_wait3A_105 : memref<40x125xi32, #tpu.memory_space<hbm>>) dst(%arg7 : memref<40x125xi32, #tpu.memory_space<vmem>>)
      tpu.yield
    }) : () -> ()
    %dma_start3A = arith.constant 0 : i32
    %dma_start3A_22 = arith.constant 0 : i32
    %dma_start3A_23 = tpu.memref_slice %arg6[%dma_start3A, %dma_start3A_22] : memref<40x125xi32, #tpu.memory_space<vmem>> -> memref<1x125xi32, #tpu.memory_space<vmem>>
    %dma_start3A_24 = tpu.memref_squeeze %dma_start3A_23 : memref<1x125xi32, #tpu.memory_space<vmem>> -> memref<125xi32, #tpu.memory_space<vmem>>
    %dma_start3A_25 = arith.constant 0 : i32
    %dma_start3A_26 = arith.constant 0 : i32
    %dma_start3A_27 = tpu.memref_slice %arg2[%dma_start3A_25, %dma_start3A_26] : memref<10000x128xf32, #tpu.memory_space<hbm>> -> memref<10000x128xf32, #tpu.memory_space<hbm>>
    tpu.enqueue_indirect_dma source(%dma_start3A_27 : memref<10000x128xf32, #tpu.memory_space<hbm>>) target(%arg8 : memref<125x128xf32, #tpu.memory_space<vmem>>) offsets(%dma_start3A_24 : memref<125xi32, #tpu.memory_space<vmem>>) semaphore(%arg11 : memref<!tpu.dma_semaphore, #tpu.memory_space<semaphore_mem>>)
    %dma_start3A_28 = arith.constant 1 : i32
    %dma_start3A_29 = arith.constant 0 : i32
    %dma_start3A_30 = tpu.memref_slice %arg6[%dma_start3A_28, %dma_start3A_29] : memref<40x125xi32, #tpu.memory_space<vmem>> -> memref<1x125xi32, #tpu.memory_space<vmem>>
    %dma_start3A_31 = tpu.memref_squeeze %dma_start3A_30 : memref<1x125xi32, #tpu.memory_space<vmem>> -> memref<125xi32, #tpu.memory_space<vmem>>
    %dma_start3A_32 = arith.constant 0 : i32
    %dma_start3A_33 = arith.constant 0 : i32
    %dma_start3A_34 = tpu.memref_slice %arg2[%dma_start3A_32, %dma_start3A_33] : memref<10000x128xf32, #tpu.memory_space<hbm>> -> memref<10000x128xf32, #tpu.memory_space<hbm>>
    tpu.enqueue_indirect_dma source(%dma_start3A_34 : memref<10000x128xf32, #tpu.memory_space<hbm>>) target(%arg9 : memref<125x128xf32, #tpu.memory_space<vmem>>) offsets(%dma_start3A_31 : memref<125xi32, #tpu.memory_space<vmem>>) semaphore(%arg12 : memref<!tpu.dma_semaphore, #tpu.memory_space<semaphore_mem>>)
    %eq3A_35 = arith.constant 0 : i32
    %eq3A_36 = arith.cmpi eq, %arg0, %eq3A_35 : i32
    %lt3A_37 = arith.constant 15 : i32
    %lt3A_38 = arith.cmpi slt, %arg1, %lt3A_37 : i32
    %and3A_39 = arith.andi %eq3A_36, %lt3A_38 : i1
    %convert_element_type3A_40 = arith.extui %and3A_39 : i1 to i32
    %cond3A_41 = arith.constant 0 : i32
    %cond3A_42 = arith.cmpi ne, %convert_element_type3A_40, %cond3A_41 : i32
    scf.if %cond3A_42 {
      %dma_wait3A = arith.constant 0 : i32
      %dma_wait3A_90 = tpu.memref_slice %arg10[%mul3A_2, %dma_wait3A] : memref<10240x128xf32, #tpu.memory_space<vmem_shared>> -> memref<640x128xf32, #tpu.memory_space<vmem_shared>>
      %dma_wait3A_91 = arith.constant 0 : i32
      %dma_wait3A_92 = tpu.memref_slice %arg2[%mul3A_2, %dma_wait3A_91] : memref<10000x128xf32, #tpu.memory_space<hbm>> -> memref<640x128xf32, #tpu.memory_space<hbm>>
      tpu.wait_dma2 semaphore(%arg13 : memref<!tpu.dma_semaphore, #tpu.memory_space<semaphore_mem>>) src(%dma_wait3A_92 : memref<640x128xf32, #tpu.memory_space<hbm>>) dst(%dma_wait3A_90 : memref<640x128xf32, #tpu.memory_space<vmem_shared>>)
    } else {
    }
    %eq3A_43 = arith.constant 0 : i32
    %eq3A_44 = arith.cmpi eq, %arg0, %eq3A_43 : i32
    %eq3A_45 = arith.constant 15 : i32
    %eq3A_46 = arith.cmpi eq, %arg1, %eq3A_45 : i32
    %and3A_47 = arith.andi %eq3A_44, %eq3A_46 : i1
    %convert_element_type3A_48 = arith.extui %and3A_47 : i1 to i32
    %cond3A_49 = arith.constant 0 : i32
    %cond3A_50 = arith.cmpi ne, %convert_element_type3A_48, %cond3A_49 : i32
    scf.if %cond3A_50 {
      %dma_wait3A = arith.constant 0 : i32
      %dma_wait3A_90 = tpu.memref_slice %arg10[%mul3A_2, %dma_wait3A] : memref<10240x128xf32, #tpu.memory_space<vmem_shared>> -> memref<400x128xf32, #tpu.memory_space<vmem_shared>>
      %dma_wait3A_91 = arith.constant 0 : i32
      %dma_wait3A_92 = tpu.memref_slice %arg2[%mul3A_2, %dma_wait3A_91] : memref<10000x128xf32, #tpu.memory_space<hbm>> -> memref<400x128xf32, #tpu.memory_space<hbm>>
      tpu.wait_dma2 semaphore(%arg13 : memref<!tpu.dma_semaphore, #tpu.memory_space<semaphore_mem>>) src(%dma_wait3A_92 : memref<400x128xf32, #tpu.memory_space<hbm>>) dst(%dma_wait3A_90 : memref<400x128xf32, #tpu.memory_space<vmem_shared>>)
    } else {
    }
    %eq3A_51 = arith.constant 1 : i32
    %eq3A_52 = arith.cmpi eq, %arg0, %eq3A_51 : i32
    %convert_element_type3A_53 = arith.extui %eq3A_52 : i1 to i32
    %cond3A_54 = arith.constant 0 : i32
    %cond3A_55 = arith.cmpi ne, %convert_element_type3A_53, %cond3A_54 : i32
    scf.if %cond3A_55 {
      %dma_wait3A = arith.constant 0 : i32
      %dma_wait3A_90 = tpu.memref_slice %arg10[%mul3A_2, %dma_wait3A] : memref<10240x128xf32, #tpu.memory_space<vmem_shared>> -> memref<640x128xf32, #tpu.memory_space<vmem_shared>>
      tpu.wait_dma2 semaphore(%arg13 : memref<!tpu.dma_semaphore, #tpu.memory_space<semaphore_mem>>) src(%arg4 : memref<640x128xf32, #tpu.memory_space<hbm>>) dst(%dma_wait3A_90 : memref<640x128xf32, #tpu.memory_space<vmem_shared>>)
    } else {
    }
    %barrier3A = arith.constant 0 : index
    tpu.barrier barrier_id(%barrier3A)
    %scan3A = arith.constant 0 : i32
    %scan3A_56 = arith.constant 0 : i32
    %scan3A_57 = arith.constant 20 : i32
    %scan3A_58 = arith.addi %scan3A_56, %scan3A_57 : i32
    %scan3A_59 = arith.constant 1 : i32
    scf.for %scan3A_90 = %scan3A_56 to %scan3A_58 step %scan3A_59  : i32 {
      %mul3A_91 = arith.constant 2 : i32
      %mul3A_92 = arith.muli %scan3A_90, %mul3A_91 : i32
      %dma_wait3A = arith.constant 0 : i32
      %dma_wait3A_93 = arith.constant 0 : i32
      %dma_wait3A_94 = tpu.memref_slice %arg6[%dma_wait3A, %dma_wait3A_93] : memref<40x125xi32, #tpu.memory_space<vmem>> -> memref<1x125xi32, #tpu.memory_space<vmem>>
      %dma_wait3A_95 = tpu.memref_squeeze %dma_wait3A_94 : memref<1x125xi32, #tpu.memory_space<vmem>> -> memref<125xi32, #tpu.memory_space<vmem>>
      %dma_wait3A_96 = arith.constant 0 : i32
      %dma_wait3A_97 = arith.constant 0 : i32
      %dma_wait3A_98 = tpu.memref_slice %arg2[%dma_wait3A_96, %dma_wait3A_97] : memref<10000x128xf32, #tpu.memory_space<hbm>> -> memref<10000x128xf32, #tpu.memory_space<hbm>>
      tpu.wait_indirect_dma semaphore(%arg11 : memref<!tpu.dma_semaphore, #tpu.memory_space<semaphore_mem>>) src(%dma_wait3A_98 : memref<10000x128xf32, #tpu.memory_space<hbm>>) dst(%arg8 : memref<125x128xf32, #tpu.memory_space<vmem>>)
      "tpu.region"() ({
        %run_scoped3A_122 = tpu.sem_alloc : memref<!tpu.dma_semaphore, #tpu.memory_space<semaphore_mem>>
        %dma_start3A_123 = arith.constant 0 : i32
        %dma_start3A_124 = tpu.memref_slice %arg7[%mul3A_92, %dma_start3A_123] : memref<40x125xi32, #tpu.memory_space<vmem>> -> memref<1x125xi32, #tpu.memory_space<vmem>>
        %dma_start3A_125 = tpu.memref_squeeze %dma_start3A_124 : memref<1x125xi32, #tpu.memory_space<vmem>> -> memref<125xi32, #tpu.memory_space<vmem>>
        %dma_start3A_126 = arith.constant 0 : i32
        %dma_start3A_127 = arith.constant 0 : i32
        %dma_start3A_128 = tpu.memref_slice %arg10[%dma_start3A_126, %dma_start3A_127] : memref<10240x128xf32, #tpu.memory_space<vmem_shared>> -> memref<10240x128xf32, #tpu.memory_space<vmem_shared>>
        tpu.enqueue_indirect_dma source(%arg8 : memref<125x128xf32, #tpu.memory_space<vmem>>) target(%dma_start3A_128 : memref<10240x128xf32, #tpu.memory_space<vmem_shared>>) offsets(%dma_start3A_125 : memref<125xi32, #tpu.memory_space<vmem>>) semaphore(%run_scoped3A_122 : memref<!tpu.dma_semaphore, #tpu.memory_space<semaphore_mem>>) {add = true}
        %dma_wait3A_129 = arith.constant 0 : i32
        %dma_wait3A_130 = tpu.memref_slice %arg7[%mul3A_92, %dma_wait3A_129] : memref<40x125xi32, #tpu.memory_space<vmem>> -> memref<1x125xi32, #tpu.memory_space<vmem>>
        %dma_wait3A_131 = tpu.memref_squeeze %dma_wait3A_130 : memref<1x125xi32, #tpu.memory_space<vmem>> -> memref<125xi32, #tpu.memory_space<vmem>>
        %dma_wait3A_132 = arith.constant 0 : i32
        %dma_wait3A_133 = arith.constant 0 : i32
        %dma_wait3A_134 = tpu.memref_slice %arg10[%dma_wait3A_132, %dma_wait3A_133] : memref<10240x128xf32, #tpu.memory_space<vmem_shared>> -> memref<10240x128xf32, #tpu.memory_space<vmem_shared>>
        tpu.wait_indirect_dma semaphore(%run_scoped3A_122 : memref<!tpu.dma_semaphore, #tpu.memory_space<semaphore_mem>>) src(%arg8 : memref<125x128xf32, #tpu.memory_space<vmem>>) dst(%dma_wait3A_134 : memref<10240x128xf32, #tpu.memory_space<vmem_shared>>)
        tpu.yield
      }) : () -> ()
      %add3A_99 = arith.constant 2 : i32
      %add3A_100 = arith.addi %mul3A_92, %add3A_99 : i32
      %lt3A_101 = arith.constant 40 : i32
      %lt3A_102 = arith.cmpi slt, %add3A_100, %lt3A_101 : i32
      %convert_element_type3A_103 = arith.extui %lt3A_102 : i1 to i32
      %cond3A_104 = arith.constant 0 : i32
      %cond3A_105 = arith.cmpi ne, %convert_element_type3A_103, %cond3A_104 : i32
      scf.if %cond3A_105 {
        %add3A_122 = arith.constant 2 : i32
        %add3A_123 = arith.addi %mul3A_92, %add3A_122 : i32
        %dma_start3A_124 = arith.constant 0 : i32
        %dma_start3A_125 = tpu.memref_slice %arg6[%add3A_123, %dma_start3A_124] : memref<40x125xi32, #tpu.memory_space<vmem>> -> memref<1x125xi32, #tpu.memory_space<vmem>>
        %dma_start3A_126 = tpu.memref_squeeze %dma_start3A_125 : memref<1x125xi32, #tpu.memory_space<vmem>> -> memref<125xi32, #tpu.memory_space<vmem>>
        %dma_start3A_127 = arith.constant 0 : i32
        %dma_start3A_128 = arith.constant 0 : i32
        %dma_start3A_129 = tpu.memref_slice %arg2[%dma_start3A_127, %dma_start3A_128] : memref<10000x128xf32, #tpu.memory_space<hbm>> -> memref<10000x128xf32, #tpu.memory_space<hbm>>
        tpu.enqueue_indirect_dma source(%dma_start3A_129 : memref<10000x128xf32, #tpu.memory_space<hbm>>) target(%arg8 : memref<125x128xf32, #tpu.memory_space<vmem>>) offsets(%dma_start3A_126 : memref<125xi32, #tpu.memory_space<vmem>>) semaphore(%arg11 : memref<!tpu.dma_semaphore, #tpu.memory_space<semaphore_mem>>)
      } else {
      }
      %dma_wait3A_106 = arith.constant 0 : i32
      %dma_wait3A_107 = arith.constant 0 : i32
      %dma_wait3A_108 = tpu.memref_slice %arg6[%dma_wait3A_106, %dma_wait3A_107] : memref<40x125xi32, #tpu.memory_space<vmem>> -> memref<1x125xi32, #tpu.memory_space<vmem>>
      %dma_wait3A_109 = tpu.memref_squeeze %dma_wait3A_108 : memref<1x125xi32, #tpu.memory_space<vmem>> -> memref<125xi32, #tpu.memory_space<vmem>>
      %dma_wait3A_110 = arith.constant 0 : i32
      %dma_wait3A_111 = arith.constant 0 : i32
      %dma_wait3A_112 = tpu.memref_slice %arg2[%dma_wait3A_110, %dma_wait3A_111] : memref<10000x128xf32, #tpu.memory_space<hbm>> -> memref<10000x128xf32, #tpu.memory_space<hbm>>
      tpu.wait_indirect_dma semaphore(%arg12 : memref<!tpu.dma_semaphore, #tpu.memory_space<semaphore_mem>>) src(%dma_wait3A_112 : memref<10000x128xf32, #tpu.memory_space<hbm>>) dst(%arg9 : memref<125x128xf32, #tpu.memory_space<vmem>>)
      %add3A_113 = arith.constant 1 : i32
      %add3A_114 = arith.addi %mul3A_92, %add3A_113 : i32
      "tpu.region"() ({
        %run_scoped3A_122 = tpu.sem_alloc : memref<!tpu.dma_semaphore, #tpu.memory_space<semaphore_mem>>
        %dma_start3A_123 = arith.constant 0 : i32
        %dma_start3A_124 = tpu.memref_slice %arg7[%add3A_114, %dma_start3A_123] : memref<40x125xi32, #tpu.memory_space<vmem>> -> memref<1x125xi32, #tpu.memory_space<vmem>>
        %dma_start3A_125 = tpu.memref_squeeze %dma_start3A_124 : memref<1x125xi32, #tpu.memory_space<vmem>> -> memref<125xi32, #tpu.memory_space<vmem>>
        %dma_start3A_126 = arith.constant 0 : i32
        %dma_start3A_127 = arith.constant 0 : i32
        %dma_start3A_128 = tpu.memref_slice %arg10[%dma_start3A_126, %dma_start3A_127] : memref<10240x128xf32, #tpu.memory_space<vmem_shared>> -> memref<10240x128xf32, #tpu.memory_space<vmem_shared>>
        tpu.enqueue_indirect_dma source(%arg9 : memref<125x128xf32, #tpu.memory_space<vmem>>) target(%dma_start3A_128 : memref<10240x128xf32, #tpu.memory_space<vmem_shared>>) offsets(%dma_start3A_125 : memref<125xi32, #tpu.memory_space<vmem>>) semaphore(%run_scoped3A_122 : memref<!tpu.dma_semaphore, #tpu.memory_space<semaphore_mem>>) {add = true}
        %dma_wait3A_129 = arith.constant 0 : i32
        %dma_wait3A_130 = tpu.memref_slice %arg7[%add3A_114, %dma_wait3A_129] : memref<40x125xi32, #tpu.memory_space<vmem>> -> memref<1x125xi32, #tpu.memory_space<vmem>>
        %dma_wait3A_131 = tpu.memref_squeeze %dma_wait3A_130 : memref<1x125xi32, #tpu.memory_space<vmem>> -> memref<125xi32, #tpu.memory_space<vmem>>
        %dma_wait3A_132 = arith.constant 0 : i32
        %dma_wait3A_133 = arith.constant 0 : i32
        %dma_wait3A_134 = tpu.memref_slice %arg10[%dma_wait3A_132, %dma_wait3A_133] : memref<10240x128xf32, #tpu.memory_space<vmem_shared>> -> memref<10240x128xf32, #tpu.memory_space<vmem_shared>>
        tpu.wait_indirect_dma semaphore(%run_scoped3A_122 : memref<!tpu.dma_semaphore, #tpu.memory_space<semaphore_mem>>) src(%arg9 : memref<125x128xf32, #tpu.memory_space<vmem>>) dst(%dma_wait3A_134 : memref<10240x128xf32, #tpu.memory_space<vmem_shared>>)
        tpu.yield
      }) : () -> ()
      %add3A_115 = arith.constant 3 : i32
      %add3A_116 = arith.addi %mul3A_92, %add3A_115 : i32
      %lt3A_117 = arith.constant 40 : i32
      %lt3A_118 = arith.cmpi slt, %add3A_116, %lt3A_117 : i32
      %convert_element_type3A_119 = arith.extui %lt3A_118 : i1 to i32
      %cond3A_120 = arith.constant 0 : i32
      %cond3A_121 = arith.cmpi ne, %convert_element_type3A_119, %cond3A_120 : i32
      scf.if %cond3A_121 {
        %add3A_122 = arith.constant 3 : i32
        %add3A_123 = arith.addi %mul3A_92, %add3A_122 : i32
        %dma_start3A_124 = arith.constant 0 : i32
        %dma_start3A_125 = tpu.memref_slice %arg6[%add3A_123, %dma_start3A_124] : memref<40x125xi32, #tpu.memory_space<vmem>> -> memref<1x125xi32, #tpu.memory_space<vmem>>
        %dma_start3A_126 = tpu.memref_squeeze %dma_start3A_125 : memref<1x125xi32, #tpu.memory_space<vmem>> -> memref<125xi32, #tpu.memory_space<vmem>>
        %dma_start3A_127 = arith.constant 0 : i32
        %dma_start3A_128 = arith.constant 0 : i32
        %dma_start3A_129 = tpu.memref_slice %arg2[%dma_start3A_127, %dma_start3A_128] : memref<10000x128xf32, #tpu.memory_space<hbm>> -> memref<10000x128xf32, #tpu.memory_space<hbm>>
        tpu.enqueue_indirect_dma source(%dma_start3A_129 : memref<10000x128xf32, #tpu.memory_space<hbm>>) target(%arg9 : memref<125x128xf32, #tpu.memory_space<vmem>>) offsets(%dma_start3A_126 : memref<125xi32, #tpu.memory_space<vmem>>) semaphore(%arg12 : memref<!tpu.dma_semaphore, #tpu.memory_space<semaphore_mem>>)
      } else {
      }
    }
    %scan3A_60 = arith.constant 20 : i32
    %run_scoped3A_61 = arith.constant 0 : i32
    %run_scoped3A_62 = arith.constant 1 : i32
    "tpu.region"() ({
      %run_scoped3A_90 = tpu.sem_alloc : memref<!tpu.dma_semaphore, #tpu.memory_space<semaphore_mem>>
      %dma_start3A_91 = arith.constant 0 : i32
      %dma_start3A_92 = arith.constant 0 : i32
      %dma_start3A_93 = tpu.memref_slice %arg3[%run_scoped3A_61, %add3A, %run_scoped3A_62, %dma_start3A_91, %dma_start3A_92] : memref<2x32x2x40x125xi32, #tpu.memory_space<hbm>> -> memref<1x1x1x40x125xi32, #tpu.memory_space<hbm>>
      %dma_start3A_94 = tpu.memref_squeeze %dma_start3A_93 : memref<1x1x1x40x125xi32, #tpu.memory_space<hbm>> -> memref<40x125xi32, #tpu.memory_space<hbm>>
      %dma_start3A_95 = arith.constant 0 : i32
      %dma_start3A_96 = arith.constant 0 : i32
      %dma_start3A_97 = tpu.memref_slice %arg3[%run_scoped3A_61, %add3A, %run_scoped3A_62, %dma_start3A_95, %dma_start3A_96] : memref<2x32x2x40x125xi32, #tpu.memory_space<hbm>> -> memref<1x1x1x40x125xi32, #tpu.memory_space<hbm>>
      %dma_start3A_98 = tpu.memref_squeeze %dma_start3A_97 : memref<1x1x1x40x125xi32, #tpu.memory_space<hbm>> -> memref<40x125xi32, #tpu.memory_space<hbm>>
      tpu.enqueue_dma source(%dma_start3A_98 : memref<40x125xi32, #tpu.memory_space<hbm>>) target(%arg6 : memref<40x125xi32, #tpu.memory_space<vmem>>) target_semaphore(%run_scoped3A_90 : memref<!tpu.dma_semaphore, #tpu.memory_space<semaphore_mem>>)
      %dma_wait3A = arith.constant 0 : i32
      %dma_wait3A_99 = arith.constant 0 : i32
      %dma_wait3A_100 = tpu.memref_slice %arg3[%run_scoped3A_61, %add3A, %run_scoped3A_62, %dma_wait3A, %dma_wait3A_99] : memref<2x32x2x40x125xi32, #tpu.memory_space<hbm>> -> memref<1x1x1x40x125xi32, #tpu.memory_space<hbm>>
      %dma_wait3A_101 = tpu.memref_squeeze %dma_wait3A_100 : memref<1x1x1x40x125xi32, #tpu.memory_space<hbm>> -> memref<40x125xi32, #tpu.memory_space<hbm>>
      %dma_wait3A_102 = arith.constant 0 : i32
      %dma_wait3A_103 = arith.constant 0 : i32
      %dma_wait3A_104 = tpu.memref_slice %arg3[%run_scoped3A_61, %add3A, %run_scoped3A_62, %dma_wait3A_102, %dma_wait3A_103] : memref<2x32x2x40x125xi32, #tpu.memory_space<hbm>> -> memref<1x1x1x40x125xi32, #tpu.memory_space<hbm>>
      %dma_wait3A_105 = tpu.memref_squeeze %dma_wait3A_104 : memref<1x1x1x40x125xi32, #tpu.memory_space<hbm>> -> memref<40x125xi32, #tpu.memory_space<hbm>>
      tpu.wait_dma2 semaphore(%run_scoped3A_90 : memref<!tpu.dma_semaphore, #tpu.memory_space<semaphore_mem>>) src(%dma_wait3A_105 : memref<40x125xi32, #tpu.memory_space<hbm>>) dst(%arg6 : memref<40x125xi32, #tpu.memory_space<vmem>>)
      tpu.yield
    }) : () -> ()
    %run_scoped3A_63 = arith.constant 1 : i32
    %run_scoped3A_64 = arith.constant 1 : i32
    "tpu.region"() ({
      %run_scoped3A_90 = tpu.sem_alloc : memref<!tpu.dma_semaphore, #tpu.memory_space<semaphore_mem>>
      %dma_start3A_91 = arith.constant 0 : i32
      %dma_start3A_92 = arith.constant 0 : i32
      %dma_start3A_93 = tpu.memref_slice %arg3[%run_scoped3A_63, %add3A, %run_scoped3A_64, %dma_start3A_91, %dma_start3A_92] : memref<2x32x2x40x125xi32, #tpu.memory_space<hbm>> -> memref<1x1x1x40x125xi32, #tpu.memory_space<hbm>>
      %dma_start3A_94 = tpu.memref_squeeze %dma_start3A_93 : memref<1x1x1x40x125xi32, #tpu.memory_space<hbm>> -> memref<40x125xi32, #tpu.memory_space<hbm>>
      %dma_start3A_95 = arith.constant 0 : i32
      %dma_start3A_96 = arith.constant 0 : i32
      %dma_start3A_97 = tpu.memref_slice %arg3[%run_scoped3A_63, %add3A, %run_scoped3A_64, %dma_start3A_95, %dma_start3A_96] : memref<2x32x2x40x125xi32, #tpu.memory_space<hbm>> -> memref<1x1x1x40x125xi32, #tpu.memory_space<hbm>>
      %dma_start3A_98 = tpu.memref_squeeze %dma_start3A_97 : memref<1x1x1x40x125xi32, #tpu.memory_space<hbm>> -> memref<40x125xi32, #tpu.memory_space<hbm>>
      tpu.enqueue_dma source(%dma_start3A_98 : memref<40x125xi32, #tpu.memory_space<hbm>>) target(%arg7 : memref<40x125xi32, #tpu.memory_space<vmem>>) target_semaphore(%run_scoped3A_90 : memref<!tpu.dma_semaphore, #tpu.memory_space<semaphore_mem>>)
      %dma_wait3A = arith.constant 0 : i32
      %dma_wait3A_99 = arith.constant 0 : i32
      %dma_wait3A_100 = tpu.memref_slice %arg3[%run_scoped3A_63, %add3A, %run_scoped3A_64, %dma_wait3A, %dma_wait3A_99] : memref<2x32x2x40x125xi32, #tpu.memory_space<hbm>> -> memref<1x1x1x40x125xi32, #tpu.memory_space<hbm>>
      %dma_wait3A_101 = tpu.memref_squeeze %dma_wait3A_100 : memref<1x1x1x40x125xi32, #tpu.memory_space<hbm>> -> memref<40x125xi32, #tpu.memory_space<hbm>>
      %dma_wait3A_102 = arith.constant 0 : i32
      %dma_wait3A_103 = arith.constant 0 : i32
      %dma_wait3A_104 = tpu.memref_slice %arg3[%run_scoped3A_63, %add3A, %run_scoped3A_64, %dma_wait3A_102, %dma_wait3A_103] : memref<2x32x2x40x125xi32, #tpu.memory_space<hbm>> -> memref<1x1x1x40x125xi32, #tpu.memory_space<hbm>>
      %dma_wait3A_105 = tpu.memref_squeeze %dma_wait3A_104 : memref<1x1x1x40x125xi32, #tpu.memory_space<hbm>> -> memref<40x125xi32, #tpu.memory_space<hbm>>
      tpu.wait_dma2 semaphore(%run_scoped3A_90 : memref<!tpu.dma_semaphore, #tpu.memory_space<semaphore_mem>>) src(%dma_wait3A_105 : memref<40x125xi32, #tpu.memory_space<hbm>>) dst(%arg7 : memref<40x125xi32, #tpu.memory_space<vmem>>)
      tpu.yield
    }) : () -> ()
    %dma_start3A_65 = arith.constant 0 : i32
    %dma_start3A_66 = arith.constant 0 : i32
    %dma_start3A_67 = tpu.memref_slice %arg6[%dma_start3A_65, %dma_start3A_66] : memref<40x125xi32, #tpu.memory_space<vmem>> -> memref<1x125xi32, #tpu.memory_space<vmem>>
    %dma_start3A_68 = tpu.memref_squeeze %dma_start3A_67 : memref<1x125xi32, #tpu.memory_space<vmem>> -> memref<125xi32, #tpu.memory_space<vmem>>
    %dma_start3A_69 = arith.constant 0 : i32
    %dma_start3A_70 = arith.constant 0 : i32
    %dma_start3A_71 = tpu.memref_slice %arg2[%dma_start3A_69, %dma_start3A_70] : memref<10000x128xf32, #tpu.memory_space<hbm>> -> memref<10000x128xf32, #tpu.memory_space<hbm>>
    tpu.enqueue_indirect_dma source(%dma_start3A_71 : memref<10000x128xf32, #tpu.memory_space<hbm>>) target(%arg8 : memref<125x128xf32, #tpu.memory_space<vmem>>) offsets(%dma_start3A_68 : memref<125xi32, #tpu.memory_space<vmem>>) semaphore(%arg11 : memref<!tpu.dma_semaphore, #tpu.memory_space<semaphore_mem>>)
    %dma_start3A_72 = arith.constant 1 : i32
    %dma_start3A_73 = arith.constant 0 : i32
    %dma_start3A_74 = tpu.memref_slice %arg6[%dma_start3A_72, %dma_start3A_73] : memref<40x125xi32, #tpu.memory_space<vmem>> -> memref<1x125xi32, #tpu.memory_space<vmem>>
    %dma_start3A_75 = tpu.memref_squeeze %dma_start3A_74 : memref<1x125xi32, #tpu.memory_space<vmem>> -> memref<125xi32, #tpu.memory_space<vmem>>
    %dma_start3A_76 = arith.constant 0 : i32
    %dma_start3A_77 = arith.constant 0 : i32
    %dma_start3A_78 = tpu.memref_slice %arg2[%dma_start3A_76, %dma_start3A_77] : memref<10000x128xf32, #tpu.memory_space<hbm>> -> memref<10000x128xf32, #tpu.memory_space<hbm>>
    tpu.enqueue_indirect_dma source(%dma_start3A_78 : memref<10000x128xf32, #tpu.memory_space<hbm>>) target(%arg9 : memref<125x128xf32, #tpu.memory_space<vmem>>) offsets(%dma_start3A_75 : memref<125xi32, #tpu.memory_space<vmem>>) semaphore(%arg12 : memref<!tpu.dma_semaphore, #tpu.memory_space<semaphore_mem>>)
    %scan3A_79 = arith.constant 0 : i32
    %scan3A_80 = arith.constant 0 : i32
    %scan3A_81 = arith.constant 20 : i32
    %scan3A_82 = arith.addi %scan3A_80, %scan3A_81 : i32
    %scan3A_83 = arith.constant 1 : i32
    scf.for %scan3A_90 = %scan3A_80 to %scan3A_82 step %scan3A_83  : i32 {
      %mul3A_91 = arith.constant 2 : i32
      %mul3A_92 = arith.muli %scan3A_90, %mul3A_91 : i32
      %dma_wait3A = arith.constant 0 : i32
      %dma_wait3A_93 = arith.constant 0 : i32
      %dma_wait3A_94 = tpu.memref_slice %arg6[%dma_wait3A, %dma_wait3A_93] : memref<40x125xi32, #tpu.memory_space<vmem>> -> memref<1x125xi32, #tpu.memory_space<vmem>>
      %dma_wait3A_95 = tpu.memref_squeeze %dma_wait3A_94 : memref<1x125xi32, #tpu.memory_space<vmem>> -> memref<125xi32, #tpu.memory_space<vmem>>
      %dma_wait3A_96 = arith.constant 0 : i32
      %dma_wait3A_97 = arith.constant 0 : i32
      %dma_wait3A_98 = tpu.memref_slice %arg2[%dma_wait3A_96, %dma_wait3A_97] : memref<10000x128xf32, #tpu.memory_space<hbm>> -> memref<10000x128xf32, #tpu.memory_space<hbm>>
      tpu.wait_indirect_dma semaphore(%arg11 : memref<!tpu.dma_semaphore, #tpu.memory_space<semaphore_mem>>) src(%dma_wait3A_98 : memref<10000x128xf32, #tpu.memory_space<hbm>>) dst(%arg8 : memref<125x128xf32, #tpu.memory_space<vmem>>)
      "tpu.region"() ({
        %run_scoped3A_122 = tpu.sem_alloc : memref<!tpu.dma_semaphore, #tpu.memory_space<semaphore_mem>>
        %dma_start3A_123 = arith.constant 0 : i32
        %dma_start3A_124 = tpu.memref_slice %arg7[%mul3A_92, %dma_start3A_123] : memref<40x125xi32, #tpu.memory_space<vmem>> -> memref<1x125xi32, #tpu.memory_space<vmem>>
        %dma_start3A_125 = tpu.memref_squeeze %dma_start3A_124 : memref<1x125xi32, #tpu.memory_space<vmem>> -> memref<125xi32, #tpu.memory_space<vmem>>
        %dma_start3A_126 = arith.constant 0 : i32
        %dma_start3A_127 = arith.constant 0 : i32
        %dma_start3A_128 = tpu.memref_slice %arg10[%dma_start3A_126, %dma_start3A_127] : memref<10240x128xf32, #tpu.memory_space<vmem_shared>> -> memref<10240x128xf32, #tpu.memory_space<vmem_shared>>
        tpu.enqueue_indirect_dma source(%arg8 : memref<125x128xf32, #tpu.memory_space<vmem>>) target(%dma_start3A_128 : memref<10240x128xf32, #tpu.memory_space<vmem_shared>>) offsets(%dma_start3A_125 : memref<125xi32, #tpu.memory_space<vmem>>) semaphore(%run_scoped3A_122 : memref<!tpu.dma_semaphore, #tpu.memory_space<semaphore_mem>>) {add = true}
        %dma_wait3A_129 = arith.constant 0 : i32
        %dma_wait3A_130 = tpu.memref_slice %arg7[%mul3A_92, %dma_wait3A_129] : memref<40x125xi32, #tpu.memory_space<vmem>> -> memref<1x125xi32, #tpu.memory_space<vmem>>
        %dma_wait3A_131 = tpu.memref_squeeze %dma_wait3A_130 : memref<1x125xi32, #tpu.memory_space<vmem>> -> memref<125xi32, #tpu.memory_space<vmem>>
        %dma_wait3A_132 = arith.constant 0 : i32
        %dma_wait3A_133 = arith.constant 0 : i32
        %dma_wait3A_134 = tpu.memref_slice %arg10[%dma_wait3A_132, %dma_wait3A_133] : memref<10240x128xf32, #tpu.memory_space<vmem_shared>> -> memref<10240x128xf32, #tpu.memory_space<vmem_shared>>
        tpu.wait_indirect_dma semaphore(%run_scoped3A_122 : memref<!tpu.dma_semaphore, #tpu.memory_space<semaphore_mem>>) src(%arg8 : memref<125x128xf32, #tpu.memory_space<vmem>>) dst(%dma_wait3A_134 : memref<10240x128xf32, #tpu.memory_space<vmem_shared>>)
        tpu.yield
      }) : () -> ()
      %add3A_99 = arith.constant 2 : i32
      %add3A_100 = arith.addi %mul3A_92, %add3A_99 : i32
      %lt3A_101 = arith.constant 40 : i32
      %lt3A_102 = arith.cmpi slt, %add3A_100, %lt3A_101 : i32
      %convert_element_type3A_103 = arith.extui %lt3A_102 : i1 to i32
      %cond3A_104 = arith.constant 0 : i32
      %cond3A_105 = arith.cmpi ne, %convert_element_type3A_103, %cond3A_104 : i32
      scf.if %cond3A_105 {
        %add3A_122 = arith.constant 2 : i32
        %add3A_123 = arith.addi %mul3A_92, %add3A_122 : i32
        %dma_start3A_124 = arith.constant 0 : i32
        %dma_start3A_125 = tpu.memref_slice %arg6[%add3A_123, %dma_start3A_124] : memref<40x125xi32, #tpu.memory_space<vmem>> -> memref<1x125xi32, #tpu.memory_space<vmem>>
        %dma_start3A_126 = tpu.memref_squeeze %dma_start3A_125 : memref<1x125xi32, #tpu.memory_space<vmem>> -> memref<125xi32, #tpu.memory_space<vmem>>
        %dma_start3A_127 = arith.constant 0 : i32
        %dma_start3A_128 = arith.constant 0 : i32
        %dma_start3A_129 = tpu.memref_slice %arg2[%dma_start3A_127, %dma_start3A_128] : memref<10000x128xf32, #tpu.memory_space<hbm>> -> memref<10000x128xf32, #tpu.memory_space<hbm>>
        tpu.enqueue_indirect_dma source(%dma_start3A_129 : memref<10000x128xf32, #tpu.memory_space<hbm>>) target(%arg8 : memref<125x128xf32, #tpu.memory_space<vmem>>) offsets(%dma_start3A_126 : memref<125xi32, #tpu.memory_space<vmem>>) semaphore(%arg11 : memref<!tpu.dma_semaphore, #tpu.memory_space<semaphore_mem>>)
      } else {
      }
      %dma_wait3A_106 = arith.constant 0 : i32
      %dma_wait3A_107 = arith.constant 0 : i32
      %dma_wait3A_108 = tpu.memref_slice %arg6[%dma_wait3A_106, %dma_wait3A_107] : memref<40x125xi32, #tpu.memory_space<vmem>> -> memref<1x125xi32, #tpu.memory_space<vmem>>
      %dma_wait3A_109 = tpu.memref_squeeze %dma_wait3A_108 : memref<1x125xi32, #tpu.memory_space<vmem>> -> memref<125xi32, #tpu.memory_space<vmem>>
      %dma_wait3A_110 = arith.constant 0 : i32
      %dma_wait3A_111 = arith.constant 0 : i32
      %dma_wait3A_112 = tpu.memref_slice %arg2[%dma_wait3A_110, %dma_wait3A_111] : memref<10000x128xf32, #tpu.memory_space<hbm>> -> memref<10000x128xf32, #tpu.memory_space<hbm>>
      tpu.wait_indirect_dma semaphore(%arg12 : memref<!tpu.dma_semaphore, #tpu.memory_space<semaphore_mem>>) src(%dma_wait3A_112 : memref<10000x128xf32, #tpu.memory_space<hbm>>) dst(%arg9 : memref<125x128xf32, #tpu.memory_space<vmem>>)
      %add3A_113 = arith.constant 1 : i32
      %add3A_114 = arith.addi %mul3A_92, %add3A_113 : i32
      "tpu.region"() ({
        %run_scoped3A_122 = tpu.sem_alloc : memref<!tpu.dma_semaphore, #tpu.memory_space<semaphore_mem>>
        %dma_start3A_123 = arith.constant 0 : i32
        %dma_start3A_124 = tpu.memref_slice %arg7[%add3A_114, %dma_start3A_123] : memref<40x125xi32, #tpu.memory_space<vmem>> -> memref<1x125xi32, #tpu.memory_space<vmem>>
        %dma_start3A_125 = tpu.memref_squeeze %dma_start3A_124 : memref<1x125xi32, #tpu.memory_space<vmem>> -> memref<125xi32, #tpu.memory_space<vmem>>
        %dma_start3A_126 = arith.constant 0 : i32
        %dma_start3A_127 = arith.constant 0 : i32
        %dma_start3A_128 = tpu.memref_slice %arg10[%dma_start3A_126, %dma_start3A_127] : memref<10240x128xf32, #tpu.memory_space<vmem_shared>> -> memref<10240x128xf32, #tpu.memory_space<vmem_shared>>
        tpu.enqueue_indirect_dma source(%arg9 : memref<125x128xf32, #tpu.memory_space<vmem>>) target(%dma_start3A_128 : memref<10240x128xf32, #tpu.memory_space<vmem_shared>>) offsets(%dma_start3A_125 : memref<125xi32, #tpu.memory_space<vmem>>) semaphore(%run_scoped3A_122 : memref<!tpu.dma_semaphore, #tpu.memory_space<semaphore_mem>>) {add = true}
        %dma_wait3A_129 = arith.constant 0 : i32
        %dma_wait3A_130 = tpu.memref_slice %arg7[%add3A_114, %dma_wait3A_129] : memref<40x125xi32, #tpu.memory_space<vmem>> -> memref<1x125xi32, #tpu.memory_space<vmem>>
        %dma_wait3A_131 = tpu.memref_squeeze %dma_wait3A_130 : memref<1x125xi32, #tpu.memory_space<vmem>> -> memref<125xi32, #tpu.memory_space<vmem>>
        %dma_wait3A_132 = arith.constant 0 : i32
        %dma_wait3A_133 = arith.constant 0 : i32
        %dma_wait3A_134 = tpu.memref_slice %arg10[%dma_wait3A_132, %dma_wait3A_133] : memref<10240x128xf32, #tpu.memory_space<vmem_shared>> -> memref<10240x128xf32, #tpu.memory_space<vmem_shared>>
        tpu.wait_indirect_dma semaphore(%run_scoped3A_122 : memref<!tpu.dma_semaphore, #tpu.memory_space<semaphore_mem>>) src(%arg9 : memref<125x128xf32, #tpu.memory_space<vmem>>) dst(%dma_wait3A_134 : memref<10240x128xf32, #tpu.memory_space<vmem_shared>>)
        tpu.yield
      }) : () -> ()
      %add3A_115 = arith.constant 3 : i32
      %add3A_116 = arith.addi %mul3A_92, %add3A_115 : i32
      %lt3A_117 = arith.constant 40 : i32
      %lt3A_118 = arith.cmpi slt, %add3A_116, %lt3A_117 : i32
      %convert_element_type3A_119 = arith.extui %lt3A_118 : i1 to i32
      %cond3A_120 = arith.constant 0 : i32
      %cond3A_121 = arith.cmpi ne, %convert_element_type3A_119, %cond3A_120 : i32
      scf.if %cond3A_121 {
        %add3A_122 = arith.constant 3 : i32
        %add3A_123 = arith.addi %mul3A_92, %add3A_122 : i32
        %dma_start3A_124 = arith.constant 0 : i32
        %dma_start3A_125 = tpu.memref_slice %arg6[%add3A_123, %dma_start3A_124] : memref<40x125xi32, #tpu.memory_space<vmem>> -> memref<1x125xi32, #tpu.memory_space<vmem>>
        %dma_start3A_126 = tpu.memref_squeeze %dma_start3A_125 : memref<1x125xi32, #tpu.memory_space<vmem>> -> memref<125xi32, #tpu.memory_space<vmem>>
        %dma_start3A_127 = arith.constant 0 : i32
        %dma_start3A_128 = arith.constant 0 : i32
        %dma_start3A_129 = tpu.memref_slice %arg2[%dma_start3A_127, %dma_start3A_128] : memref<10000x128xf32, #tpu.memory_space<hbm>> -> memref<10000x128xf32, #tpu.memory_space<hbm>>
        tpu.enqueue_indirect_dma source(%dma_start3A_129 : memref<10000x128xf32, #tpu.memory_space<hbm>>) target(%arg9 : memref<125x128xf32, #tpu.memory_space<vmem>>) offsets(%dma_start3A_126 : memref<125xi32, #tpu.memory_space<vmem>>) semaphore(%arg12 : memref<!tpu.dma_semaphore, #tpu.memory_space<semaphore_mem>>)
      } else {
      }
    }
    %scan3A_84 = arith.constant 20 : i32
    %barrier3A_85 = arith.constant 0 : index
    tpu.barrier barrier_id(%barrier3A_85)
    %mul3A_86 = arith.constant 640 : i32
    %mul3A_87 = arith.muli %arg1, %mul3A_86 : i32
    %mul3A_88 = arith.constant 640 : i32
    %mul3A_89 = arith.muli %arg1, %mul3A_88 : i32
    "tpu.region"() ({
      %run_scoped3A_90 = tpu.sem_alloc : memref<!tpu.dma_semaphore, #tpu.memory_space<semaphore_mem>>
      %dma_start3A_91 = arith.constant 0 : i32
      %dma_start3A_92 = tpu.memref_slice %arg5[%arg0, %mul3A_89, %dma_start3A_91] : memref<2x10240x128xf32, #tpu.memory_space<hbm>> -> memref<1x640x128xf32, #tpu.memory_space<hbm>>
      %dma_start3A_93 = tpu.memref_squeeze %dma_start3A_92 : memref<1x640x128xf32, #tpu.memory_space<hbm>> -> memref<640x128xf32, #tpu.memory_space<hbm>>
      %dma_start3A_94 = arith.constant 0 : i32
      %dma_start3A_95 = tpu.memref_slice %arg10[%mul3A_87, %dma_start3A_94] : memref<10240x128xf32, #tpu.memory_space<vmem_shared>> -> memref<640x128xf32, #tpu.memory_space<vmem_shared>>
      tpu.enqueue_dma source(%dma_start3A_95 : memref<640x128xf32, #tpu.memory_space<vmem_shared>>) target(%dma_start3A_93 : memref<640x128xf32, #tpu.memory_space<hbm>>) target_semaphore(%run_scoped3A_90 : memref<!tpu.dma_semaphore, #tpu.memory_space<semaphore_mem>>)
      %dma_wait3A = arith.constant 0 : i32
      %dma_wait3A_96 = tpu.memref_slice %arg5[%arg0, %mul3A_89, %dma_wait3A] : memref<2x10240x128xf32, #tpu.memory_space<hbm>> -> memref<1x640x128xf32, #tpu.memory_space<hbm>>
      %dma_wait3A_97 = tpu.memref_squeeze %dma_wait3A_96 : memref<1x640x128xf32, #tpu.memory_space<hbm>> -> memref<640x128xf32, #tpu.memory_space<hbm>>
      %dma_wait3A_98 = arith.constant 0 : i32
      %dma_wait3A_99 = tpu.memref_slice %arg10[%mul3A_87, %dma_wait3A_98] : memref<10240x128xf32, #tpu.memory_space<vmem_shared>> -> memref<640x128xf32, #tpu.memory_space<vmem_shared>>
      tpu.wait_dma2 semaphore(%run_scoped3A_90 : memref<!tpu.dma_semaphore, #tpu.memory_space<semaphore_mem>>) src(%dma_wait3A_99 : memref<640x128xf32, #tpu.memory_space<vmem_shared>>) dst(%dma_wait3A_97 : memref<640x128xf32, #tpu.memory_space<hbm>>)
      tpu.yield
    }) : () -> ()
    return
  }
}

#map = affine_map<(d0, d1) -> (0, 0)>
#map1 = affine_map<(d0, d1) -> (0, 0, 0, 0, 0)>
#map2 = affine_map<(d0, d1) -> (0, 0, 0)>
module attributes {stable_mosaic.version = 14 : i64} {
  func.func @_sc_segment_sum(%arg0: i32, %arg1: i32, %arg2: memref<10000x128xf32, #tpu.memory_space<hbm>>, %arg3: memref<2x32x2x40x125xi32, #tpu.memory_space<hbm>>, %arg4: memref<640x128xf32, #tpu.memory_space<hbm>>, %arg5: memref<2x10240x128xf32, #tpu.memory_space<hbm>>, %arg6: memref<40x125xi32, #tpu.memory_space<vmem>>, %arg7: memref<40x125xi32, #tpu.memory_space<vmem>>, %arg8: memref<125x128xf32, #tpu.memory_space<vmem>>, %arg9: memref<125x128xf32, #tpu.memory_space<vmem>>, %arg10: memref<10240x128xf32, #tpu.memory_space<vmem_shared>>, %arg11: memref<!tpu.dma_semaphore, #tpu.memory_space<semaphore_mem>>, %arg12: memref<!tpu.dma_semaphore, #tpu.memory_space<semaphore_mem>>, %arg13: memref<!tpu.dma_semaphore, #tpu.memory_space<semaphore_mem>>) attributes {dimension_semantics = [#tpu.dimension_semantics<core_parallel>, #tpu.dimension_semantics<subcore_parallel>], iteration_bounds = array<i64: 2, 16>, scalar_prefetch = 0 : i64, scratch_operands = 8 : i64, tpu.core_type = #tpu.core_type<sc_vector_subcore>, window_params = [{transform_indices = #map}, {transform_indices = #map1}, {transform_indices = #map}, {transform_indices = #map2}]} {
    %mul3A = arith.constant 2 : i32
    %mul3A_0 = arith.muli %arg1, %mul3A : i32
    %add3A = arith.addi %mul3A_0, %arg0 : i32
    %mul3A_1 = arith.constant 640 : i32
    %mul3A_2 = arith.muli %arg1, %mul3A_1 : i32
    %eq3A = arith.constant 0 : i32
    %eq3A_3 = arith.cmpi eq, %arg0, %eq3A : i32
    %lt3A = arith.constant 15 : i32
    %lt3A_4 = arith.cmpi slt, %arg1, %lt3A : i32
    %and3A = arith.andi %eq3A_3, %lt3A_4 : i1
    %convert_element_type3A = arith.extui %and3A : i1 to i32
    %cond3A = arith.constant 0 : i32
    %cond3A_5 = arith.cmpi ne, %convert_element_type3A, %cond3A : i32
    scf.if %cond3A_5 {
      %dma_start3A_90 = arith.constant 0 : i32
      %dma_start3A_91 = tpu.memref_slice %arg10[%mul3A_2, %dma_start3A_90] : memref<10240x128xf32, #tpu.memory_space<vmem_shared>> -> memref<640x128xf32, #tpu.memory_space<vmem_shared>>
      %dma_start3A_92 = arith.constant 0 : i32
      %dma_start3A_93 = tpu.memref_slice %arg2[%mul3A_2, %dma_start3A_92] : memref<10000x128xf32, #tpu.memory_space<hbm>> -> memref<640x128xf32, #tpu.memory_space<hbm>>
      tpu.enqueue_dma source(%dma_start3A_93 : memref<640x128xf32, #tpu.memory_space<hbm>>) target(%dma_start3A_91 : memref<640x128xf32, #tpu.memory_space<vmem_shared>>) target_semaphore(%arg13 : memref<!tpu.dma_semaphore, #tpu.memory_space<semaphore_mem>>)
    } else {
    }
    %eq3A_6 = arith.constant 0 : i32
    %eq3A_7 = arith.cmpi eq, %arg0, %eq3A_6 : i32
    %eq3A_8 = arith.constant 15 : i32
    %eq3A_9 = arith.cmpi eq, %arg1, %eq3A_8 : i32
    %and3A_10 = arith.andi %eq3A_7, %eq3A_9 : i1
    %convert_element_type3A_11 = arith.extui %and3A_10 : i1 to i32
    %cond3A_12 = arith.constant 0 : i32
    %cond3A_13 = arith.cmpi ne, %convert_element_type3A_11, %cond3A_12 : i32
    scf.if %cond3A_13 {
      %dma_start3A_90 = arith.constant 0 : i32
      %dma_start3A_91 = tpu.memref_slice %arg10[%mul3A_2, %dma_start3A_90] : memref<10240x128xf32, #tpu.memory_space<vmem_shared>> -> memref<400x128xf32, #tpu.memory_space<vmem_shared>>
      %dma_start3A_92 = arith.constant 0 : i32
      %dma_start3A_93 = tpu.memref_slice %arg2[%mul3A_2, %dma_start3A_92] : memref<10000x128xf32, #tpu.memory_space<hbm>> -> memref<400x128xf32, #tpu.memory_space<hbm>>
      tpu.enqueue_dma source(%dma_start3A_93 : memref<400x128xf32, #tpu.memory_space<hbm>>) target(%dma_start3A_91 : memref<400x128xf32, #tpu.memory_space<vmem_shared>>) target_semaphore(%arg13 : memref<!tpu.dma_semaphore, #tpu.memory_space<semaphore_mem>>)
    } else {
    }
    %eq3A_14 = arith.constant 1 : i32
    %eq3A_15 = arith.cmpi eq, %arg0, %eq3A_14 : i32
    %convert_element_type3A_16 = arith.extui %eq3A_15 : i1 to i32
    %cond3A_17 = arith.constant 0 : i32
    %cond3A_18 = arith.cmpi ne, %convert_element_type3A_16, %cond3A_17 : i32
    scf.if %cond3A_18 {
      %dma_start3A_90 = arith.constant 0 : i32
      %dma_start3A_91 = tpu.memref_slice %arg10[%mul3A_2, %dma_start3A_90] : memref<10240x128xf32, #tpu.memory_space<vmem_shared>> -> memref<640x128xf32, #tpu.memory_space<vmem_shared>>
      tpu.enqueue_dma source(%arg4 : memref<640x128xf32, #tpu.memory_space<hbm>>) target(%dma_start3A_91 : memref<640x128xf32, #tpu.memory_space<vmem_shared>>) target_semaphore(%arg13 : memref<!tpu.dma_semaphore, #tpu.memory_space<semaphore_mem>>)
    } else {
    }
    %run_scoped3A = arith.constant 0 : i32
    %run_scoped3A_19 = arith.constant 0 : i32
    "tpu.region"() ({
      %run_scoped3A_90 = tpu.sem_alloc : memref<!tpu.dma_semaphore, #tpu.memory_space<semaphore_mem>>
      %dma_start3A_91 = arith.constant 0 : i32
      %dma_start3A_92 = arith.constant 0 : i32
      %dma_start3A_93 = tpu.memref_slice %arg3[%run_scoped3A, %add3A, %run_scoped3A_19, %dma_start3A_91, %dma_start3A_92] : memref<2x32x2x40x125xi32, #tpu.memory_space<hbm>> -> memref<1x1x1x40x125xi32, #tpu.memory_space<hbm>>
      %dma_start3A_94 = tpu.memref_squeeze %dma_start3A_93 : memref<1x1x1x40x125xi32, #tpu.memory_space<hbm>> -> memref<40x125xi32, #tpu.memory_space<hbm>>
      %dma_start3A_95 = arith.constant 0 : i32
      %dma_start3A_96 = arith.constant 0 : i32
      %dma_start3A_97 = tpu.memref_slice %arg3[%run_scoped3A, %add3A, %run_scoped3A_19, %dma_start3A_95, %dma_start3A_96] : memref<2x32x2x40x125xi32, #tpu.memory_space<hbm>> -> memref<1x1x1x40x125xi32, #tpu.memory_space<hbm>>
      %dma_start3A_98 = tpu.memref_squeeze %dma_start3A_97 : memref<1x1x1x40x125xi32, #tpu.memory_space<hbm>> -> memref<40x125xi32, #tpu.memory_space<hbm>>
      tpu.enqueue_dma source(%dma_start3A_98 : memref<40x125xi32, #tpu.memory_space<hbm>>) target(%arg6 : memref<40x125xi32, #tpu.memory_space<vmem>>) target_semaphore(%run_scoped3A_90 : memref<!tpu.dma_semaphore, #tpu.memory_space<semaphore_mem>>)
      %dma_wait3A = arith.constant 0 : i32
      %dma_wait3A_99 = arith.constant 0 : i32
      %dma_wait3A_100 = tpu.memref_slice %arg3[%run_scoped3A, %add3A, %run_scoped3A_19, %dma_wait3A, %dma_wait3A_99] : memref<2x32x2x40x125xi32, #tpu.memory_space<hbm>> -> memref<1x1x1x40x125xi32, #tpu.memory_space<hbm>>
      %dma_wait3A_101 = tpu.memref_squeeze %dma_wait3A_100 : memref<1x1x1x40x125xi32, #tpu.memory_space<hbm>> -> memref<40x125xi32, #tpu.memory_space<hbm>>
      %dma_wait3A_102 = arith.constant 0 : i32
      %dma_wait3A_103 = arith.constant 0 : i32
      %dma_wait3A_104 = tpu.memref_slice %arg3[%run_scoped3A, %add3A, %run_scoped3A_19, %dma_wait3A_102, %dma_wait3A_103] : memref<2x32x2x40x125xi32, #tpu.memory_space<hbm>> -> memref<1x1x1x40x125xi32, #tpu.memory_space<hbm>>
      %dma_wait3A_105 = tpu.memref_squeeze %dma_wait3A_104 : memref<1x1x1x40x125xi32, #tpu.memory_space<hbm>> -> memref<40x125xi32, #tpu.memory_space<hbm>>
      tpu.wait_dma2 semaphore(%run_scoped3A_90 : memref<!tpu.dma_semaphore, #tpu.memory_space<semaphore_mem>>) src(%dma_wait3A_105 : memref<40x125xi32, #tpu.memory_space<hbm>>) dst(%arg6 : memref<40x125xi32, #tpu.memory_space<vmem>>)
      tpu.yield
    }) : () -> ()
    %run_scoped3A_20 = arith.constant 1 : i32
    %run_scoped3A_21 = arith.constant 0 : i32
    "tpu.region"() ({
      %run_scoped3A_90 = tpu.sem_alloc : memref<!tpu.dma_semaphore, #tpu.memory_space<semaphore_mem>>
      %dma_start3A_91 = arith.constant 0 : i32
      %dma_start3A_92 = arith.constant 0 : i32
      %dma_start3A_93 = tpu.memref_slice %arg3[%run_scoped3A_20, %add3A, %run_scoped3A_21, %dma_start3A_91, %dma_start3A_92] : memref<2x32x2x40x125xi32, #tpu.memory_space<hbm>> -> memref<1x1x1x40x125xi32, #tpu.memory_space<hbm>>
      %dma_start3A_94 = tpu.memref_squeeze %dma_start3A_93 : memref<1x1x1x40x125xi32, #tpu.memory_space<hbm>> -> memref<40x125xi32, #tpu.memory_space<hbm>>
      %dma_start3A_95 = arith.constant 0 : i32
      %dma_start3A_96 = arith.constant 0 : i32
      %dma_start3A_97 = tpu.memref_slice %arg3[%run_scoped3A_20, %add3A, %run_scoped3A_21, %dma_start3A_95, %dma_start3A_96] : memref<2x32x2x40x125xi32, #tpu.memory_space<hbm>> -> memref<1x1x1x40x125xi32, #tpu.memory_space<hbm>>
      %dma_start3A_98 = tpu.memref_squeeze %dma_start3A_97 : memref<1x1x1x40x125xi32, #tpu.memory_space<hbm>> -> memref<40x125xi32, #tpu.memory_space<hbm>>
      tpu.enqueue_dma source(%dma_start3A_98 : memref<40x125xi32, #tpu.memory_space<hbm>>) target(%arg7 : memref<40x125xi32, #tpu.memory_space<vmem>>) target_semaphore(%run_scoped3A_90 : memref<!tpu.dma_semaphore, #tpu.memory_space<semaphore_mem>>)
      %dma_wait3A = arith.constant 0 : i32
      %dma_wait3A_99 = arith.constant 0 : i32
      %dma_wait3A_100 = tpu.memref_slice %arg3[%run_scoped3A_20, %add3A, %run_scoped3A_21, %dma_wait3A, %dma_wait3A_99] : memref<2x32x2x40x125xi32, #tpu.memory_space<hbm>> -> memref<1x1x1x40x125xi32, #tpu.memory_space<hbm>>
      %dma_wait3A_101 = tpu.memref_squeeze %dma_wait3A_100 : memref<1x1x1x40x125xi32, #tpu.memory_space<hbm>> -> memref<40x125xi32, #tpu.memory_space<hbm>>
      %dma_wait3A_102 = arith.constant 0 : i32
      %dma_wait3A_103 = arith.constant 0 : i32
      %dma_wait3A_104 = tpu.memref_slice %arg3[%run_scoped3A_20, %add3A, %run_scoped3A_21, %dma_wait3A_102, %dma_wait3A_103] : memref<2x32x2x40x125xi32, #tpu.memory_space<hbm>> -> memref<1x1x1x40x125xi32, #tpu.memory_space<hbm>>
      %dma_wait3A_105 = tpu.memref_squeeze %dma_wait3A_104 : memref<1x1x1x40x125xi32, #tpu.memory_space<hbm>> -> memref<40x125xi32, #tpu.memory_space<hbm>>
      tpu.wait_dma2 semaphore(%run_scoped3A_90 : memref<!tpu.dma_semaphore, #tpu.memory_space<semaphore_mem>>) src(%dma_wait3A_105 : memref<40x125xi32, #tpu.memory_space<hbm>>) dst(%arg7 : memref<40x125xi32, #tpu.memory_space<vmem>>)
      tpu.yield
    }) : () -> ()
    %dma_start3A = arith.constant 0 : i32
    %dma_start3A_22 = arith.constant 0 : i32
    %dma_start3A_23 = tpu.memref_slice %arg6[%dma_start3A, %dma_start3A_22] : memref<40x125xi32, #tpu.memory_space<vmem>> -> memref<1x125xi32, #tpu.memory_space<vmem>>
    %dma_start3A_24 = tpu.memref_squeeze %dma_start3A_23 : memref<1x125xi32, #tpu.memory_space<vmem>> -> memref<125xi32, #tpu.memory_space<vmem>>
    %dma_start3A_25 = arith.constant 0 : i32
    %dma_start3A_26 = arith.constant 0 : i32
    %dma_start3A_27 = tpu.memref_slice %arg2[%dma_start3A_25, %dma_start3A_26] : memref<10000x128xf32, #tpu.memory_space<hbm>> -> memref<10000x128xf32, #tpu.memory_space<hbm>>
    tpu.enqueue_indirect_dma source(%dma_start3A_27 : memref<10000x128xf32, #tpu.memory_space<hbm>>) target(%arg8 : memref<125x128xf32, #tpu.memory_space<vmem>>) offsets(%dma_start3A_24 : memref<125xi32, #tpu.memory_space<vmem>>) semaphore(%arg11 : memref<!tpu.dma_semaphore, #tpu.memory_space<semaphore_mem>>)
    %dma_start3A_28 = arith.constant 1 : i32
    %dma_start3A_29 = arith.constant 0 : i32
    %dma_start3A_30 = tpu.memref_slice %arg6[%dma_start3A_28, %dma_start3A_29] : memref<40x125xi32, #tpu.memory_space<vmem>> -> memref<1x125xi32, #tpu.memory_space<vmem>>
    %dma_start3A_31 = tpu.memref_squeeze %dma_start3A_30 : memref<1x125xi32, #tpu.memory_space<vmem>> -> memref<125xi32, #tpu.memory_space<vmem>>
    %dma_start3A_32 = arith.constant 0 : i32
    %dma_start3A_33 = arith.constant 0 : i32
    %dma_start3A_34 = tpu.memref_slice %arg2[%dma_start3A_32, %dma_start3A_33] : memref<10000x128xf32, #tpu.memory_space<hbm>> -> memref<10000x128xf32, #tpu.memory_space<hbm>>
    tpu.enqueue_indirect_dma source(%dma_start3A_34 : memref<10000x128xf32, #tpu.memory_space<hbm>>) target(%arg9 : memref<125x128xf32, #tpu.memory_space<vmem>>) offsets(%dma_start3A_31 : memref<125xi32, #tpu.memory_space<vmem>>) semaphore(%arg12 : memref<!tpu.dma_semaphore, #tpu.memory_space<semaphore_mem>>)
    %eq3A_35 = arith.constant 0 : i32
    %eq3A_36 = arith.cmpi eq, %arg0, %eq3A_35 : i32
    %lt3A_37 = arith.constant 15 : i32
    %lt3A_38 = arith.cmpi slt, %arg1, %lt3A_37 : i32
    %and3A_39 = arith.andi %eq3A_36, %lt3A_38 : i1
    %convert_element_type3A_40 = arith.extui %and3A_39 : i1 to i32
    %cond3A_41 = arith.constant 0 : i32
    %cond3A_42 = arith.cmpi ne, %convert_element_type3A_40, %cond3A_41 : i32
    scf.if %cond3A_42 {
      %dma_wait3A = arith.constant 0 : i32
      %dma_wait3A_90 = tpu.memref_slice %arg10[%mul3A_2, %dma_wait3A] : memref<10240x128xf32, #tpu.memory_space<vmem_shared>> -> memref<640x128xf32, #tpu.memory_space<vmem_shared>>
      %dma_wait3A_91 = arith.constant 0 : i32
      %dma_wait3A_92 = tpu.memref_slice %arg2[%mul3A_2, %dma_wait3A_91] : memref<10000x128xf32, #tpu.memory_space<hbm>> -> memref<640x128xf32, #tpu.memory_space<hbm>>
      tpu.wait_dma2 semaphore(%arg13 : memref<!tpu.dma_semaphore, #tpu.memory_space<semaphore_mem>>) src(%dma_wait3A_92 : memref<640x128xf32, #tpu.memory_space<hbm>>) dst(%dma_wait3A_90 : memref<640x128xf32, #tpu.memory_space<vmem_shared>>)
    } else {
    }
    %eq3A_43 = arith.constant 0 : i32
    %eq3A_44 = arith.cmpi eq, %arg0, %eq3A_43 : i32
    %eq3A_45 = arith.constant 15 : i32
    %eq3A_46 = arith.cmpi eq, %arg1, %eq3A_45 : i32
    %and3A_47 = arith.andi %eq3A_44, %eq3A_46 : i1
    %convert_element_type3A_48 = arith.extui %and3A_47 : i1 to i32
    %cond3A_49 = arith.constant 0 : i32
    %cond3A_50 = arith.cmpi ne, %convert_element_type3A_48, %cond3A_49 : i32
    scf.if %cond3A_50 {
      %dma_wait3A = arith.constant 0 : i32
      %dma_wait3A_90 = tpu.memref_slice %arg10[%mul3A_2, %dma_wait3A] : memref<10240x128xf32, #tpu.memory_space<vmem_shared>> -> memref<400x128xf32, #tpu.memory_space<vmem_shared>>
      %dma_wait3A_91 = arith.constant 0 : i32
      %dma_wait3A_92 = tpu.memref_slice %arg2[%mul3A_2, %dma_wait3A_91] : memref<10000x128xf32, #tpu.memory_space<hbm>> -> memref<400x128xf32, #tpu.memory_space<hbm>>
      tpu.wait_dma2 semaphore(%arg13 : memref<!tpu.dma_semaphore, #tpu.memory_space<semaphore_mem>>) src(%dma_wait3A_92 : memref<400x128xf32, #tpu.memory_space<hbm>>) dst(%dma_wait3A_90 : memref<400x128xf32, #tpu.memory_space<vmem_shared>>)
    } else {
    }
    %eq3A_51 = arith.constant 1 : i32
    %eq3A_52 = arith.cmpi eq, %arg0, %eq3A_51 : i32
    %convert_element_type3A_53 = arith.extui %eq3A_52 : i1 to i32
    %cond3A_54 = arith.constant 0 : i32
    %cond3A_55 = arith.cmpi ne, %convert_element_type3A_53, %cond3A_54 : i32
    scf.if %cond3A_55 {
      %dma_wait3A = arith.constant 0 : i32
      %dma_wait3A_90 = tpu.memref_slice %arg10[%mul3A_2, %dma_wait3A] : memref<10240x128xf32, #tpu.memory_space<vmem_shared>> -> memref<640x128xf32, #tpu.memory_space<vmem_shared>>
      tpu.wait_dma2 semaphore(%arg13 : memref<!tpu.dma_semaphore, #tpu.memory_space<semaphore_mem>>) src(%arg4 : memref<640x128xf32, #tpu.memory_space<hbm>>) dst(%dma_wait3A_90 : memref<640x128xf32, #tpu.memory_space<vmem_shared>>)
    } else {
    }
    %barrier3A = arith.constant 0 : index
    tpu.barrier barrier_id(%barrier3A)
    %scan3A = arith.constant 0 : i32
    %scan3A_56 = arith.constant 0 : i32
    %scan3A_57 = arith.constant 20 : i32
    %scan3A_58 = arith.addi %scan3A_56, %scan3A_57 : i32
    %scan3A_59 = arith.constant 1 : i32
    scf.for %scan3A_90 = %scan3A_56 to %scan3A_58 step %scan3A_59  : i32 {
      %mul3A_91 = arith.constant 2 : i32
      %mul3A_92 = arith.muli %scan3A_90, %mul3A_91 : i32
      %dma_wait3A = arith.constant 0 : i32
      %dma_wait3A_93 = arith.constant 0 : i32
      %dma_wait3A_94 = tpu.memref_slice %arg6[%dma_wait3A, %dma_wait3A_93] : memref<40x125xi32, #tpu.memory_space<vmem>> -> memref<1x125xi32, #tpu.memory_space<vmem>>
      %dma_wait3A_95 = tpu.memref_squeeze %dma_wait3A_94 : memref<1x125xi32, #tpu.memory_space<vmem>> -> memref<125xi32, #tpu.memory_space<vmem>>
      %dma_wait3A_96 = arith.constant 0 : i32
      %dma_wait3A_97 = arith.constant 0 : i32
      %dma_wait3A_98 = tpu.memref_slice %arg2[%dma_wait3A_96, %dma_wait3A_97] : memref<10000x128xf32, #tpu.memory_space<hbm>> -> memref<10000x128xf32, #tpu.memory_space<hbm>>
      tpu.wait_indirect_dma semaphore(%arg11 : memref<!tpu.dma_semaphore, #tpu.memory_space<semaphore_mem>>) src(%dma_wait3A_98 : memref<10000x128xf32, #tpu.memory_space<hbm>>) dst(%arg8 : memref<125x128xf32, #tpu.memory_space<vmem>>)
      "tpu.region"() ({
        %run_scoped3A_122 = tpu.sem_alloc : memref<!tpu.dma_semaphore, #tpu.memory_space<semaphore_mem>>
        %dma_start3A_123 = arith.constant 0 : i32
        %dma_start3A_124 = tpu.memref_slice %arg7[%mul3A_92, %dma_start3A_123] : memref<40x125xi32, #tpu.memory_space<vmem>> -> memref<1x125xi32, #tpu.memory_space<vmem>>
        %dma_start3A_125 = tpu.memref_squeeze %dma_start3A_124 : memref<1x125xi32, #tpu.memory_space<vmem>> -> memref<125xi32, #tpu.memory_space<vmem>>
        %dma_start3A_126 = arith.constant 0 : i32
        %dma_start3A_127 = arith.constant 0 : i32
        %dma_start3A_128 = tpu.memref_slice %arg10[%dma_start3A_126, %dma_start3A_127] : memref<10240x128xf32, #tpu.memory_space<vmem_shared>> -> memref<10240x128xf32, #tpu.memory_space<vmem_shared>>
        tpu.enqueue_indirect_dma source(%arg8 : memref<125x128xf32, #tpu.memory_space<vmem>>) target(%dma_start3A_128 : memref<10240x128xf32, #tpu.memory_space<vmem_shared>>) offsets(%dma_start3A_125 : memref<125xi32, #tpu.memory_space<vmem>>) semaphore(%run_scoped3A_122 : memref<!tpu.dma_semaphore, #tpu.memory_space<semaphore_mem>>) {add = true}
        %dma_wait3A_129 = arith.constant 0 : i32
        %dma_wait3A_130 = tpu.memref_slice %arg7[%mul3A_92, %dma_wait3A_129] : memref<40x125xi32, #tpu.memory_space<vmem>> -> memref<1x125xi32, #tpu.memory_space<vmem>>
        %dma_wait3A_131 = tpu.memref_squeeze %dma_wait3A_130 : memref<1x125xi32, #tpu.memory_space<vmem>> -> memref<125xi32, #tpu.memory_space<vmem>>
        %dma_wait3A_132 = arith.constant 0 : i32
        %dma_wait3A_133 = arith.constant 0 : i32
        %dma_wait3A_134 = tpu.memref_slice %arg10[%dma_wait3A_132, %dma_wait3A_133] : memref<10240x128xf32, #tpu.memory_space<vmem_shared>> -> memref<10240x128xf32, #tpu.memory_space<vmem_shared>>
        tpu.wait_indirect_dma semaphore(%run_scoped3A_122 : memref<!tpu.dma_semaphore, #tpu.memory_space<semaphore_mem>>) src(%arg8 : memref<125x128xf32, #tpu.memory_space<vmem>>) dst(%dma_wait3A_134 : memref<10240x128xf32, #tpu.memory_space<vmem_shared>>)
        tpu.yield
      }) : () -> ()
      %add3A_99 = arith.constant 2 : i32
      %add3A_100 = arith.addi %mul3A_92, %add3A_99 : i32
      %lt3A_101 = arith.constant 40 : i32
      %lt3A_102 = arith.cmpi slt, %add3A_100, %lt3A_101 : i32
      %convert_element_type3A_103 = arith.extui %lt3A_102 : i1 to i32
      %cond3A_104 = arith.constant 0 : i32
      %cond3A_105 = arith.cmpi ne, %convert_element_type3A_103, %cond3A_104 : i32
      scf.if %cond3A_105 {
        %add3A_122 = arith.constant 2 : i32
        %add3A_123 = arith.addi %mul3A_92, %add3A_122 : i32
        %dma_start3A_124 = arith.constant 0 : i32
        %dma_start3A_125 = tpu.memref_slice %arg6[%add3A_123, %dma_start3A_124] : memref<40x125xi32, #tpu.memory_space<vmem>> -> memref<1x125xi32, #tpu.memory_space<vmem>>
        %dma_start3A_126 = tpu.memref_squeeze %dma_start3A_125 : memref<1x125xi32, #tpu.memory_space<vmem>> -> memref<125xi32, #tpu.memory_space<vmem>>
        %dma_start3A_127 = arith.constant 0 : i32
        %dma_start3A_128 = arith.constant 0 : i32
        %dma_start3A_129 = tpu.memref_slice %arg2[%dma_start3A_127, %dma_start3A_128] : memref<10000x128xf32, #tpu.memory_space<hbm>> -> memref<10000x128xf32, #tpu.memory_space<hbm>>
        tpu.enqueue_indirect_dma source(%dma_start3A_129 : memref<10000x128xf32, #tpu.memory_space<hbm>>) target(%arg8 : memref<125x128xf32, #tpu.memory_space<vmem>>) offsets(%dma_start3A_126 : memref<125xi32, #tpu.memory_space<vmem>>) semaphore(%arg11 : memref<!tpu.dma_semaphore, #tpu.memory_space<semaphore_mem>>)
      } else {
      }
      %dma_wait3A_106 = arith.constant 0 : i32
      %dma_wait3A_107 = arith.constant 0 : i32
      %dma_wait3A_108 = tpu.memref_slice %arg6[%dma_wait3A_106, %dma_wait3A_107] : memref<40x125xi32, #tpu.memory_space<vmem>> -> memref<1x125xi32, #tpu.memory_space<vmem>>
      %dma_wait3A_109 = tpu.memref_squeeze %dma_wait3A_108 : memref<1x125xi32, #tpu.memory_space<vmem>> -> memref<125xi32, #tpu.memory_space<vmem>>
      %dma_wait3A_110 = arith.constant 0 : i32
      %dma_wait3A_111 = arith.constant 0 : i32
      %dma_wait3A_112 = tpu.memref_slice %arg2[%dma_wait3A_110, %dma_wait3A_111] : memref<10000x128xf32, #tpu.memory_space<hbm>> -> memref<10000x128xf32, #tpu.memory_space<hbm>>
      tpu.wait_indirect_dma semaphore(%arg12 : memref<!tpu.dma_semaphore, #tpu.memory_space<semaphore_mem>>) src(%dma_wait3A_112 : memref<10000x128xf32, #tpu.memory_space<hbm>>) dst(%arg9 : memref<125x128xf32, #tpu.memory_space<vmem>>)
      %add3A_113 = arith.constant 1 : i32
      %add3A_114 = arith.addi %mul3A_92, %add3A_113 : i32
      "tpu.region"() ({
        %run_scoped3A_122 = tpu.sem_alloc : memref<!tpu.dma_semaphore, #tpu.memory_space<semaphore_mem>>
        %dma_start3A_123 = arith.constant 0 : i32
        %dma_start3A_124 = tpu.memref_slice %arg7[%add3A_114, %dma_start3A_123] : memref<40x125xi32, #tpu.memory_space<vmem>> -> memref<1x125xi32, #tpu.memory_space<vmem>>
        %dma_start3A_125 = tpu.memref_squeeze %dma_start3A_124 : memref<1x125xi32, #tpu.memory_space<vmem>> -> memref<125xi32, #tpu.memory_space<vmem>>
        %dma_start3A_126 = arith.constant 0 : i32
        %dma_start3A_127 = arith.constant 0 : i32
        %dma_start3A_128 = tpu.memref_slice %arg10[%dma_start3A_126, %dma_start3A_127] : memref<10240x128xf32, #tpu.memory_space<vmem_shared>> -> memref<10240x128xf32, #tpu.memory_space<vmem_shared>>
        tpu.enqueue_indirect_dma source(%arg9 : memref<125x128xf32, #tpu.memory_space<vmem>>) target(%dma_start3A_128 : memref<10240x128xf32, #tpu.memory_space<vmem_shared>>) offsets(%dma_start3A_125 : memref<125xi32, #tpu.memory_space<vmem>>) semaphore(%run_scoped3A_122 : memref<!tpu.dma_semaphore, #tpu.memory_space<semaphore_mem>>) {add = true}
        %dma_wait3A_129 = arith.constant 0 : i32
        %dma_wait3A_130 = tpu.memref_slice %arg7[%add3A_114, %dma_wait3A_129] : memref<40x125xi32, #tpu.memory_space<vmem>> -> memref<1x125xi32, #tpu.memory_space<vmem>>
        %dma_wait3A_131 = tpu.memref_squeeze %dma_wait3A_130 : memref<1x125xi32, #tpu.memory_space<vmem>> -> memref<125xi32, #tpu.memory_space<vmem>>
        %dma_wait3A_132 = arith.constant 0 : i32
        %dma_wait3A_133 = arith.constant 0 : i32
        %dma_wait3A_134 = tpu.memref_slice %arg10[%dma_wait3A_132, %dma_wait3A_133] : memref<10240x128xf32, #tpu.memory_space<vmem_shared>> -> memref<10240x128xf32, #tpu.memory_space<vmem_shared>>
        tpu.wait_indirect_dma semaphore(%run_scoped3A_122 : memref<!tpu.dma_semaphore, #tpu.memory_space<semaphore_mem>>) src(%arg9 : memref<125x128xf32, #tpu.memory_space<vmem>>) dst(%dma_wait3A_134 : memref<10240x128xf32, #tpu.memory_space<vmem_shared>>)
        tpu.yield
      }) : () -> ()
      %add3A_115 = arith.constant 3 : i32
      %add3A_116 = arith.addi %mul3A_92, %add3A_115 : i32
      %lt3A_117 = arith.constant 40 : i32
      %lt3A_118 = arith.cmpi slt, %add3A_116, %lt3A_117 : i32
      %convert_element_type3A_119 = arith.extui %lt3A_118 : i1 to i32
      %cond3A_120 = arith.constant 0 : i32
      %cond3A_121 = arith.cmpi ne, %convert_element_type3A_119, %cond3A_120 : i32
      scf.if %cond3A_121 {
        %add3A_122 = arith.constant 3 : i32
        %add3A_123 = arith.addi %mul3A_92, %add3A_122 : i32
        %dma_start3A_124 = arith.constant 0 : i32
        %dma_start3A_125 = tpu.memref_slice %arg6[%add3A_123, %dma_start3A_124] : memref<40x125xi32, #tpu.memory_space<vmem>> -> memref<1x125xi32, #tpu.memory_space<vmem>>
        %dma_start3A_126 = tpu.memref_squeeze %dma_start3A_125 : memref<1x125xi32, #tpu.memory_space<vmem>> -> memref<125xi32, #tpu.memory_space<vmem>>
        %dma_start3A_127 = arith.constant 0 : i32
        %dma_start3A_128 = arith.constant 0 : i32
        %dma_start3A_129 = tpu.memref_slice %arg2[%dma_start3A_127, %dma_start3A_128] : memref<10000x128xf32, #tpu.memory_space<hbm>> -> memref<10000x128xf32, #tpu.memory_space<hbm>>
        tpu.enqueue_indirect_dma source(%dma_start3A_129 : memref<10000x128xf32, #tpu.memory_space<hbm>>) target(%arg9 : memref<125x128xf32, #tpu.memory_space<vmem>>) offsets(%dma_start3A_126 : memref<125xi32, #tpu.memory_space<vmem>>) semaphore(%arg12 : memref<!tpu.dma_semaphore, #tpu.memory_space<semaphore_mem>>)
      } else {
      }
    }
    %scan3A_60 = arith.constant 20 : i32
    %run_scoped3A_61 = arith.constant 0 : i32
    %run_scoped3A_62 = arith.constant 1 : i32
    "tpu.region"() ({
      %run_scoped3A_90 = tpu.sem_alloc : memref<!tpu.dma_semaphore, #tpu.memory_space<semaphore_mem>>
      %dma_start3A_91 = arith.constant 0 : i32
      %dma_start3A_92 = arith.constant 0 : i32
      %dma_start3A_93 = tpu.memref_slice %arg3[%run_scoped3A_61, %add3A, %run_scoped3A_62, %dma_start3A_91, %dma_start3A_92] : memref<2x32x2x40x125xi32, #tpu.memory_space<hbm>> -> memref<1x1x1x40x125xi32, #tpu.memory_space<hbm>>
      %dma_start3A_94 = tpu.memref_squeeze %dma_start3A_93 : memref<1x1x1x40x125xi32, #tpu.memory_space<hbm>> -> memref<40x125xi32, #tpu.memory_space<hbm>>
      %dma_start3A_95 = arith.constant 0 : i32
      %dma_start3A_96 = arith.constant 0 : i32
      %dma_start3A_97 = tpu.memref_slice %arg3[%run_scoped3A_61, %add3A, %run_scoped3A_62, %dma_start3A_95, %dma_start3A_96] : memref<2x32x2x40x125xi32, #tpu.memory_space<hbm>> -> memref<1x1x1x40x125xi32, #tpu.memory_space<hbm>>
      %dma_start3A_98 = tpu.memref_squeeze %dma_start3A_97 : memref<1x1x1x40x125xi32, #tpu.memory_space<hbm>> -> memref<40x125xi32, #tpu.memory_space<hbm>>
      tpu.enqueue_dma source(%dma_start3A_98 : memref<40x125xi32, #tpu.memory_space<hbm>>) target(%arg6 : memref<40x125xi32, #tpu.memory_space<vmem>>) target_semaphore(%run_scoped3A_90 : memref<!tpu.dma_semaphore, #tpu.memory_space<semaphore_mem>>)
      %dma_wait3A = arith.constant 0 : i32
      %dma_wait3A_99 = arith.constant 0 : i32
      %dma_wait3A_100 = tpu.memref_slice %arg3[%run_scoped3A_61, %add3A, %run_scoped3A_62, %dma_wait3A, %dma_wait3A_99] : memref<2x32x2x40x125xi32, #tpu.memory_space<hbm>> -> memref<1x1x1x40x125xi32, #tpu.memory_space<hbm>>
      %dma_wait3A_101 = tpu.memref_squeeze %dma_wait3A_100 : memref<1x1x1x40x125xi32, #tpu.memory_space<hbm>> -> memref<40x125xi32, #tpu.memory_space<hbm>>
      %dma_wait3A_102 = arith.constant 0 : i32
      %dma_wait3A_103 = arith.constant 0 : i32
      %dma_wait3A_104 = tpu.memref_slice %arg3[%run_scoped3A_61, %add3A, %run_scoped3A_62, %dma_wait3A_102, %dma_wait3A_103] : memref<2x32x2x40x125xi32, #tpu.memory_space<hbm>> -> memref<1x1x1x40x125xi32, #tpu.memory_space<hbm>>
      %dma_wait3A_105 = tpu.memref_squeeze %dma_wait3A_104 : memref<1x1x1x40x125xi32, #tpu.memory_space<hbm>> -> memref<40x125xi32, #tpu.memory_space<hbm>>
      tpu.wait_dma2 semaphore(%run_scoped3A_90 : memref<!tpu.dma_semaphore, #tpu.memory_space<semaphore_mem>>) src(%dma_wait3A_105 : memref<40x125xi32, #tpu.memory_space<hbm>>) dst(%arg6 : memref<40x125xi32, #tpu.memory_space<vmem>>)
      tpu.yield
    }) : () -> ()
    %run_scoped3A_63 = arith.constant 1 : i32
    %run_scoped3A_64 = arith.constant 1 : i32
    "tpu.region"() ({
      %run_scoped3A_90 = tpu.sem_alloc : memref<!tpu.dma_semaphore, #tpu.memory_space<semaphore_mem>>
      %dma_start3A_91 = arith.constant 0 : i32
      %dma_start3A_92 = arith.constant 0 : i32
      %dma_start3A_93 = tpu.memref_slice %arg3[%run_scoped3A_63, %add3A, %run_scoped3A_64, %dma_start3A_91, %dma_start3A_92] : memref<2x32x2x40x125xi32, #tpu.memory_space<hbm>> -> memref<1x1x1x40x125xi32, #tpu.memory_space<hbm>>
      %dma_start3A_94 = tpu.memref_squeeze %dma_start3A_93 : memref<1x1x1x40x125xi32, #tpu.memory_space<hbm>> -> memref<40x125xi32, #tpu.memory_space<hbm>>
      %dma_start3A_95 = arith.constant 0 : i32
      %dma_start3A_96 = arith.constant 0 : i32
      %dma_start3A_97 = tpu.memref_slice %arg3[%run_scoped3A_63, %add3A, %run_scoped3A_64, %dma_start3A_95, %dma_start3A_96] : memref<2x32x2x40x125xi32, #tpu.memory_space<hbm>> -> memref<1x1x1x40x125xi32, #tpu.memory_space<hbm>>
      %dma_start3A_98 = tpu.memref_squeeze %dma_start3A_97 : memref<1x1x1x40x125xi32, #tpu.memory_space<hbm>> -> memref<40x125xi32, #tpu.memory_space<hbm>>
      tpu.enqueue_dma source(%dma_start3A_98 : memref<40x125xi32, #tpu.memory_space<hbm>>) target(%arg7 : memref<40x125xi32, #tpu.memory_space<vmem>>) target_semaphore(%run_scoped3A_90 : memref<!tpu.dma_semaphore, #tpu.memory_space<semaphore_mem>>)
      %dma_wait3A = arith.constant 0 : i32
      %dma_wait3A_99 = arith.constant 0 : i32
      %dma_wait3A_100 = tpu.memref_slice %arg3[%run_scoped3A_63, %add3A, %run_scoped3A_64, %dma_wait3A, %dma_wait3A_99] : memref<2x32x2x40x125xi32, #tpu.memory_space<hbm>> -> memref<1x1x1x40x125xi32, #tpu.memory_space<hbm>>
      %dma_wait3A_101 = tpu.memref_squeeze %dma_wait3A_100 : memref<1x1x1x40x125xi32, #tpu.memory_space<hbm>> -> memref<40x125xi32, #tpu.memory_space<hbm>>
      %dma_wait3A_102 = arith.constant 0 : i32
      %dma_wait3A_103 = arith.constant 0 : i32
      %dma_wait3A_104 = tpu.memref_slice %arg3[%run_scoped3A_63, %add3A, %run_scoped3A_64, %dma_wait3A_102, %dma_wait3A_103] : memref<2x32x2x40x125xi32, #tpu.memory_space<hbm>> -> memref<1x1x1x40x125xi32, #tpu.memory_space<hbm>>
      %dma_wait3A_105 = tpu.memref_squeeze %dma_wait3A_104 : memref<1x1x1x40x125xi32, #tpu.memory_space<hbm>> -> memref<40x125xi32, #tpu.memory_space<hbm>>
      tpu.wait_dma2 semaphore(%run_scoped3A_90 : memref<!tpu.dma_semaphore, #tpu.memory_space<semaphore_mem>>) src(%dma_wait3A_105 : memref<40x125xi32, #tpu.memory_space<hbm>>) dst(%arg7 : memref<40x125xi32, #tpu.memory_space<vmem>>)
      tpu.yield
    }) : () -> ()
    %dma_start3A_65 = arith.constant 0 : i32
    %dma_start3A_66 = arith.constant 0 : i32
    %dma_start3A_67 = tpu.memref_slice %arg6[%dma_start3A_65, %dma_start3A_66] : memref<40x125xi32, #tpu.memory_space<vmem>> -> memref<1x125xi32, #tpu.memory_space<vmem>>
    %dma_start3A_68 = tpu.memref_squeeze %dma_start3A_67 : memref<1x125xi32, #tpu.memory_space<vmem>> -> memref<125xi32, #tpu.memory_space<vmem>>
    %dma_start3A_69 = arith.constant 0 : i32
    %dma_start3A_70 = arith.constant 0 : i32
    %dma_start3A_71 = tpu.memref_slice %arg2[%dma_start3A_69, %dma_start3A_70] : memref<10000x128xf32, #tpu.memory_space<hbm>> -> memref<10000x128xf32, #tpu.memory_space<hbm>>
    tpu.enqueue_indirect_dma source(%dma_start3A_71 : memref<10000x128xf32, #tpu.memory_space<hbm>>) target(%arg8 : memref<125x128xf32, #tpu.memory_space<vmem>>) offsets(%dma_start3A_68 : memref<125xi32, #tpu.memory_space<vmem>>) semaphore(%arg11 : memref<!tpu.dma_semaphore, #tpu.memory_space<semaphore_mem>>)
    %dma_start3A_72 = arith.constant 1 : i32
    %dma_start3A_73 = arith.constant 0 : i32
    %dma_start3A_74 = tpu.memref_slice %arg6[%dma_start3A_72, %dma_start3A_73] : memref<40x125xi32, #tpu.memory_space<vmem>> -> memref<1x125xi32, #tpu.memory_space<vmem>>
    %dma_start3A_75 = tpu.memref_squeeze %dma_start3A_74 : memref<1x125xi32, #tpu.memory_space<vmem>> -> memref<125xi32, #tpu.memory_space<vmem>>
    %dma_start3A_76 = arith.constant 0 : i32
    %dma_start3A_77 = arith.constant 0 : i32
    %dma_start3A_78 = tpu.memref_slice %arg2[%dma_start3A_76, %dma_start3A_77] : memref<10000x128xf32, #tpu.memory_space<hbm>> -> memref<10000x128xf32, #tpu.memory_space<hbm>>
    tpu.enqueue_indirect_dma source(%dma_start3A_78 : memref<10000x128xf32, #tpu.memory_space<hbm>>) target(%arg9 : memref<125x128xf32, #tpu.memory_space<vmem>>) offsets(%dma_start3A_75 : memref<125xi32, #tpu.memory_space<vmem>>) semaphore(%arg12 : memref<!tpu.dma_semaphore, #tpu.memory_space<semaphore_mem>>)
    %scan3A_79 = arith.constant 0 : i32
    %scan3A_80 = arith.constant 0 : i32
    %scan3A_81 = arith.constant 20 : i32
    %scan3A_82 = arith.addi %scan3A_80, %scan3A_81 : i32
    %scan3A_83 = arith.constant 1 : i32
    scf.for %scan3A_90 = %scan3A_80 to %scan3A_82 step %scan3A_83  : i32 {
      %mul3A_91 = arith.constant 2 : i32
      %mul3A_92 = arith.muli %scan3A_90, %mul3A_91 : i32
      %dma_wait3A = arith.constant 0 : i32
      %dma_wait3A_93 = arith.constant 0 : i32
      %dma_wait3A_94 = tpu.memref_slice %arg6[%dma_wait3A, %dma_wait3A_93] : memref<40x125xi32, #tpu.memory_space<vmem>> -> memref<1x125xi32, #tpu.memory_space<vmem>>
      %dma_wait3A_95 = tpu.memref_squeeze %dma_wait3A_94 : memref<1x125xi32, #tpu.memory_space<vmem>> -> memref<125xi32, #tpu.memory_space<vmem>>
      %dma_wait3A_96 = arith.constant 0 : i32
      %dma_wait3A_97 = arith.constant 0 : i32
      %dma_wait3A_98 = tpu.memref_slice %arg2[%dma_wait3A_96, %dma_wait3A_97] : memref<10000x128xf32, #tpu.memory_space<hbm>> -> memref<10000x128xf32, #tpu.memory_space<hbm>>
      tpu.wait_indirect_dma semaphore(%arg11 : memref<!tpu.dma_semaphore, #tpu.memory_space<semaphore_mem>>) src(%dma_wait3A_98 : memref<10000x128xf32, #tpu.memory_space<hbm>>) dst(%arg8 : memref<125x128xf32, #tpu.memory_space<vmem>>)
      "tpu.region"() ({
        %run_scoped3A_122 = tpu.sem_alloc : memref<!tpu.dma_semaphore, #tpu.memory_space<semaphore_mem>>
        %dma_start3A_123 = arith.constant 0 : i32
        %dma_start3A_124 = tpu.memref_slice %arg7[%mul3A_92, %dma_start3A_123] : memref<40x125xi32, #tpu.memory_space<vmem>> -> memref<1x125xi32, #tpu.memory_space<vmem>>
        %dma_start3A_125 = tpu.memref_squeeze %dma_start3A_124 : memref<1x125xi32, #tpu.memory_space<vmem>> -> memref<125xi32, #tpu.memory_space<vmem>>
        %dma_start3A_126 = arith.constant 0 : i32
        %dma_start3A_127 = arith.constant 0 : i32
        %dma_start3A_128 = tpu.memref_slice %arg10[%dma_start3A_126, %dma_start3A_127] : memref<10240x128xf32, #tpu.memory_space<vmem_shared>> -> memref<10240x128xf32, #tpu.memory_space<vmem_shared>>
        tpu.enqueue_indirect_dma source(%arg8 : memref<125x128xf32, #tpu.memory_space<vmem>>) target(%dma_start3A_128 : memref<10240x128xf32, #tpu.memory_space<vmem_shared>>) offsets(%dma_start3A_125 : memref<125xi32, #tpu.memory_space<vmem>>) semaphore(%run_scoped3A_122 : memref<!tpu.dma_semaphore, #tpu.memory_space<semaphore_mem>>) {add = true}
        %dma_wait3A_129 = arith.constant 0 : i32
        %dma_wait3A_130 = tpu.memref_slice %arg7[%mul3A_92, %dma_wait3A_129] : memref<40x125xi32, #tpu.memory_space<vmem>> -> memref<1x125xi32, #tpu.memory_space<vmem>>
        %dma_wait3A_131 = tpu.memref_squeeze %dma_wait3A_130 : memref<1x125xi32, #tpu.memory_space<vmem>> -> memref<125xi32, #tpu.memory_space<vmem>>
        %dma_wait3A_132 = arith.constant 0 : i32
        %dma_wait3A_133 = arith.constant 0 : i32
        %dma_wait3A_134 = tpu.memref_slice %arg10[%dma_wait3A_132, %dma_wait3A_133] : memref<10240x128xf32, #tpu.memory_space<vmem_shared>> -> memref<10240x128xf32, #tpu.memory_space<vmem_shared>>
        tpu.wait_indirect_dma semaphore(%run_scoped3A_122 : memref<!tpu.dma_semaphore, #tpu.memory_space<semaphore_mem>>) src(%arg8 : memref<125x128xf32, #tpu.memory_space<vmem>>) dst(%dma_wait3A_134 : memref<10240x128xf32, #tpu.memory_space<vmem_shared>>)
        tpu.yield
      }) : () -> ()
      %add3A_99 = arith.constant 2 : i32
      %add3A_100 = arith.addi %mul3A_92, %add3A_99 : i32
      %lt3A_101 = arith.constant 40 : i32
      %lt3A_102 = arith.cmpi slt, %add3A_100, %lt3A_101 : i32
      %convert_element_type3A_103 = arith.extui %lt3A_102 : i1 to i32
      %cond3A_104 = arith.constant 0 : i32
      %cond3A_105 = arith.cmpi ne, %convert_element_type3A_103, %cond3A_104 : i32
      scf.if %cond3A_105 {
        %add3A_122 = arith.constant 2 : i32
        %add3A_123 = arith.addi %mul3A_92, %add3A_122 : i32
        %dma_start3A_124 = arith.constant 0 : i32
        %dma_start3A_125 = tpu.memref_slice %arg6[%add3A_123, %dma_start3A_124] : memref<40x125xi32, #tpu.memory_space<vmem>> -> memref<1x125xi32, #tpu.memory_space<vmem>>
        %dma_start3A_126 = tpu.memref_squeeze %dma_start3A_125 : memref<1x125xi32, #tpu.memory_space<vmem>> -> memref<125xi32, #tpu.memory_space<vmem>>
        %dma_start3A_127 = arith.constant 0 : i32
        %dma_start3A_128 = arith.constant 0 : i32
        %dma_start3A_129 = tpu.memref_slice %arg2[%dma_start3A_127, %dma_start3A_128] : memref<10000x128xf32, #tpu.memory_space<hbm>> -> memref<10000x128xf32, #tpu.memory_space<hbm>>
        tpu.enqueue_indirect_dma source(%dma_start3A_129 : memref<10000x128xf32, #tpu.memory_space<hbm>>) target(%arg8 : memref<125x128xf32, #tpu.memory_space<vmem>>) offsets(%dma_start3A_126 : memref<125xi32, #tpu.memory_space<vmem>>) semaphore(%arg11 : memref<!tpu.dma_semaphore, #tpu.memory_space<semaphore_mem>>)
      } else {
      }
      %dma_wait3A_106 = arith.constant 0 : i32
      %dma_wait3A_107 = arith.constant 0 : i32
      %dma_wait3A_108 = tpu.memref_slice %arg6[%dma_wait3A_106, %dma_wait3A_107] : memref<40x125xi32, #tpu.memory_space<vmem>> -> memref<1x125xi32, #tpu.memory_space<vmem>>
      %dma_wait3A_109 = tpu.memref_squeeze %dma_wait3A_108 : memref<1x125xi32, #tpu.memory_space<vmem>> -> memref<125xi32, #tpu.memory_space<vmem>>
      %dma_wait3A_110 = arith.constant 0 : i32
      %dma_wait3A_111 = arith.constant 0 : i32
      %dma_wait3A_112 = tpu.memref_slice %arg2[%dma_wait3A_110, %dma_wait3A_111] : memref<10000x128xf32, #tpu.memory_space<hbm>> -> memref<10000x128xf32, #tpu.memory_space<hbm>>
      tpu.wait_indirect_dma semaphore(%arg12 : memref<!tpu.dma_semaphore, #tpu.memory_space<semaphore_mem>>) src(%dma_wait3A_112 : memref<10000x128xf32, #tpu.memory_space<hbm>>) dst(%arg9 : memref<125x128xf32, #tpu.memory_space<vmem>>)
      %add3A_113 = arith.constant 1 : i32
      %add3A_114 = arith.addi %mul3A_92, %add3A_113 : i32
      "tpu.region"() ({
        %run_scoped3A_122 = tpu.sem_alloc : memref<!tpu.dma_semaphore, #tpu.memory_space<semaphore_mem>>
        %dma_start3A_123 = arith.constant 0 : i32
        %dma_start3A_124 = tpu.memref_slice %arg7[%add3A_114, %dma_start3A_123] : memref<40x125xi32, #tpu.memory_space<vmem>> -> memref<1x125xi32, #tpu.memory_space<vmem>>
        %dma_start3A_125 = tpu.memref_squeeze %dma_start3A_124 : memref<1x125xi32, #tpu.memory_space<vmem>> -> memref<125xi32, #tpu.memory_space<vmem>>
        %dma_start3A_126 = arith.constant 0 : i32
        %dma_start3A_127 = arith.constant 0 : i32
        %dma_start3A_128 = tpu.memref_slice %arg10[%dma_start3A_126, %dma_start3A_127] : memref<10240x128xf32, #tpu.memory_space<vmem_shared>> -> memref<10240x128xf32, #tpu.memory_space<vmem_shared>>
        tpu.enqueue_indirect_dma source(%arg9 : memref<125x128xf32, #tpu.memory_space<vmem>>) target(%dma_start3A_128 : memref<10240x128xf32, #tpu.memory_space<vmem_shared>>) offsets(%dma_start3A_125 : memref<125xi32, #tpu.memory_space<vmem>>) semaphore(%run_scoped3A_122 : memref<!tpu.dma_semaphore, #tpu.memory_space<semaphore_mem>>) {add = true}
        %dma_wait3A_129 = arith.constant 0 : i32
        %dma_wait3A_130 = tpu.memref_slice %arg7[%add3A_114, %dma_wait3A_129] : memref<40x125xi32, #tpu.memory_space<vmem>> -> memref<1x125xi32, #tpu.memory_space<vmem>>
        %dma_wait3A_131 = tpu.memref_squeeze %dma_wait3A_130 : memref<1x125xi32, #tpu.memory_space<vmem>> -> memref<125xi32, #tpu.memory_space<vmem>>
        %dma_wait3A_132 = arith.constant 0 : i32
        %dma_wait3A_133 = arith.constant 0 : i32
        %dma_wait3A_134 = tpu.memref_slice %arg10[%dma_wait3A_132, %dma_wait3A_133] : memref<10240x128xf32, #tpu.memory_space<vmem_shared>> -> memref<10240x128xf32, #tpu.memory_space<vmem_shared>>
        tpu.wait_indirect_dma semaphore(%run_scoped3A_122 : memref<!tpu.dma_semaphore, #tpu.memory_space<semaphore_mem>>) src(%arg9 : memref<125x128xf32, #tpu.memory_space<vmem>>) dst(%dma_wait3A_134 : memref<10240x128xf32, #tpu.memory_space<vmem_shared>>)
        tpu.yield
      }) : () -> ()
      %add3A_115 = arith.constant 3 : i32
      %add3A_116 = arith.addi %mul3A_92, %add3A_115 : i32
      %lt3A_117 = arith.constant 40 : i32
      %lt3A_118 = arith.cmpi slt, %add3A_116, %lt3A_117 : i32
      %convert_element_type3A_119 = arith.extui %lt3A_118 : i1 to i32
      %cond3A_120 = arith.constant 0 : i32
      %cond3A_121 = arith.cmpi ne, %convert_element_type3A_119, %cond3A_120 : i32
      scf.if %cond3A_121 {
        %add3A_122 = arith.constant 3 : i32
        %add3A_123 = arith.addi %mul3A_92, %add3A_122 : i32
        %dma_start3A_124 = arith.constant 0 : i32
        %dma_start3A_125 = tpu.memref_slice %arg6[%add3A_123, %dma_start3A_124] : memref<40x125xi32, #tpu.memory_space<vmem>> -> memref<1x125xi32, #tpu.memory_space<vmem>>
        %dma_start3A_126 = tpu.memref_squeeze %dma_start3A_125 : memref<1x125xi32, #tpu.memory_space<vmem>> -> memref<125xi32, #tpu.memory_space<vmem>>
        %dma_start3A_127 = arith.constant 0 : i32
        %dma_start3A_128 = arith.constant 0 : i32
        %dma_start3A_129 = tpu.memref_slice %arg2[%dma_start3A_127, %dma_start3A_128] : memref<10000x128xf32, #tpu.memory_space<hbm>> -> memref<10000x128xf32, #tpu.memory_space<hbm>>
        tpu.enqueue_indirect_dma source(%dma_start3A_129 : memref<10000x128xf32, #tpu.memory_space<hbm>>) target(%arg9 : memref<125x128xf32, #tpu.memory_space<vmem>>) offsets(%dma_start3A_126 : memref<125xi32, #tpu.memory_space<vmem>>) semaphore(%arg12 : memref<!tpu.dma_semaphore, #tpu.memory_space<semaphore_mem>>)
      } else {
      }
    }
    %scan3A_84 = arith.constant 20 : i32
    %barrier3A_85 = arith.constant 0 : index
    tpu.barrier barrier_id(%barrier3A_85)
    %mul3A_86 = arith.constant 640 : i32
    %mul3A_87 = arith.muli %arg1, %mul3A_86 : i32
    %mul3A_88 = arith.constant 640 : i32
    %mul3A_89 = arith.muli %arg1, %mul3A_88 : i32
    "tpu.region"() ({
      %run_scoped3A_90 = tpu.sem_alloc : memref<!tpu.dma_semaphore, #tpu.memory_space<semaphore_mem>>
      %dma_start3A_91 = arith.constant 0 : i32
      %dma_start3A_92 = tpu.memref_slice %arg5[%arg0, %mul3A_89, %dma_start3A_91] : memref<2x10240x128xf32, #tpu.memory_space<hbm>> -> memref<1x640x128xf32, #tpu.memory_space<hbm>>
      %dma_start3A_93 = tpu.memref_squeeze %dma_start3A_92 : memref<1x640x128xf32, #tpu.memory_space<hbm>> -> memref<640x128xf32, #tpu.memory_space<hbm>>
      %dma_start3A_94 = arith.constant 0 : i32
      %dma_start3A_95 = tpu.memref_slice %arg10[%mul3A_87, %dma_start3A_94] : memref<10240x128xf32, #tpu.memory_space<vmem_shared>> -> memref<640x128xf32, #tpu.memory_space<vmem_shared>>
      tpu.enqueue_dma source(%dma_start3A_95 : memref<640x128xf32, #tpu.memory_space<vmem_shared>>) target(%dma_start3A_93 : memref<640x128xf32, #tpu.memory_space<hbm>>) target_semaphore(%run_scoped3A_90 : memref<!tpu.dma_semaphore, #tpu.memory_space<semaphore_mem>>)
      %dma_wait3A = arith.constant 0 : i32
      %dma_wait3A_96 = tpu.memref_slice %arg5[%arg0, %mul3A_89, %dma_wait3A] : memref<2x10240x128xf32, #tpu.memory_space<hbm>> -> memref<1x640x128xf32, #tpu.memory_space<hbm>>
      %dma_wait3A_97 = tpu.memref_squeeze %dma_wait3A_96 : memref<1x640x128xf32, #tpu.memory_space<hbm>> -> memref<640x128xf32, #tpu.memory_space<hbm>>
      %dma_wait3A_98 = arith.constant 0 : i32
      %dma_wait3A_99 = tpu.memref_slice %arg10[%mul3A_87, %dma_wait3A_98] : memref<10240x128xf32, #tpu.memory_space<vmem_shared>> -> memref<640x128xf32, #tpu.memory_space<vmem_shared>>
      tpu.wait_dma2 semaphore(%run_scoped3A_90 : memref<!tpu.dma_semaphore, #tpu.memory_space<semaphore_mem>>) src(%dma_wait3A_99 : memref<640x128xf32, #tpu.memory_space<vmem_shared>>) dst(%dma_wait3A_97 : memref<640x128xf32, #tpu.memory_space<hbm>>)
      tpu.yield
    }) : () -> ()
    return
  }
}

#map = affine_map<(d0, d1) -> (0, 0)>
#map1 = affine_map<(d0, d1) -> (0, 0, 0, 0, 0)>
#map2 = affine_map<(d0, d1) -> (0, 0, 0)>
module attributes {stable_mosaic.version = 14 : i64} {
  func.func @_sc_segment_sum(%arg0: i32, %arg1: i32, %arg2: memref<10000x128xf32, #tpu.memory_space<hbm>>, %arg3: memref<2x32x2x40x125xi32, #tpu.memory_space<hbm>>, %arg4: memref<640x128xf32, #tpu.memory_space<hbm>>, %arg5: memref<2x10240x128xf32, #tpu.memory_space<hbm>>, %arg6: memref<40x125xi32, #tpu.memory_space<vmem>>, %arg7: memref<40x125xi32, #tpu.memory_space<vmem>>, %arg8: memref<125x128xf32, #tpu.memory_space<vmem>>, %arg9: memref<125x128xf32, #tpu.memory_space<vmem>>, %arg10: memref<10240x128xf32, #tpu.memory_space<vmem_shared>>, %arg11: memref<!tpu.dma_semaphore, #tpu.memory_space<semaphore_mem>>, %arg12: memref<!tpu.dma_semaphore, #tpu.memory_space<semaphore_mem>>, %arg13: memref<!tpu.dma_semaphore, #tpu.memory_space<semaphore_mem>>) attributes {dimension_semantics = [#tpu.dimension_semantics<core_parallel>, #tpu.dimension_semantics<subcore_parallel>], iteration_bounds = array<i64: 2, 16>, scalar_prefetch = 0 : i64, scratch_operands = 8 : i64, tpu.core_type = #tpu.core_type<sc_vector_subcore>, window_params = [{transform_indices = #map}, {transform_indices = #map1}, {transform_indices = #map}, {transform_indices = #map2}]} {
    %mul3A = arith.constant 2 : i32
    %mul3A_0 = arith.muli %arg1, %mul3A : i32
    %add3A = arith.addi %mul3A_0, %arg0 : i32
    %mul3A_1 = arith.constant 640 : i32
    %mul3A_2 = arith.muli %arg1, %mul3A_1 : i32
    %eq3A = arith.constant 0 : i32
    %eq3A_3 = arith.cmpi eq, %arg0, %eq3A : i32
    %lt3A = arith.constant 15 : i32
    %lt3A_4 = arith.cmpi slt, %arg1, %lt3A : i32
    %and3A = arith.andi %eq3A_3, %lt3A_4 : i1
    %convert_element_type3A = arith.extui %and3A : i1 to i32
    %cond3A = arith.constant 0 : i32
    %cond3A_5 = arith.cmpi ne, %convert_element_type3A, %cond3A : i32
    scf.if %cond3A_5 {
      %dma_start3A_90 = arith.constant 0 : i32
      %dma_start3A_91 = tpu.memref_slice %arg10[%mul3A_2, %dma_start3A_90] : memref<10240x128xf32, #tpu.memory_space<vmem_shared>> -> memref<640x128xf32, #tpu.memory_space<vmem_shared>>
      %dma_start3A_92 = arith.constant 0 : i32
      %dma_start3A_93 = tpu.memref_slice %arg2[%mul3A_2, %dma_start3A_92] : memref<10000x128xf32, #tpu.memory_space<hbm>> -> memref<640x128xf32, #tpu.memory_space<hbm>>
      tpu.enqueue_dma source(%dma_start3A_93 : memref<640x128xf32, #tpu.memory_space<hbm>>) target(%dma_start3A_91 : memref<640x128xf32, #tpu.memory_space<vmem_shared>>) target_semaphore(%arg13 : memref<!tpu.dma_semaphore, #tpu.memory_space<semaphore_mem>>)
    } else {
    }
    %eq3A_6 = arith.constant 0 : i32
    %eq3A_7 = arith.cmpi eq, %arg0, %eq3A_6 : i32
    %eq3A_8 = arith.constant 15 : i32
    %eq3A_9 = arith.cmpi eq, %arg1, %eq3A_8 : i32
    %and3A_10 = arith.andi %eq3A_7, %eq3A_9 : i1
    %convert_element_type3A_11 = arith.extui %and3A_10 : i1 to i32
    %cond3A_12 = arith.constant 0 : i32
    %cond3A_13 = arith.cmpi ne, %convert_element_type3A_11, %cond3A_12 : i32
    scf.if %cond3A_13 {
      %dma_start3A_90 = arith.constant 0 : i32
      %dma_start3A_91 = tpu.memref_slice %arg10[%mul3A_2, %dma_start3A_90] : memref<10240x128xf32, #tpu.memory_space<vmem_shared>> -> memref<400x128xf32, #tpu.memory_space<vmem_shared>>
      %dma_start3A_92 = arith.constant 0 : i32
      %dma_start3A_93 = tpu.memref_slice %arg2[%mul3A_2, %dma_start3A_92] : memref<10000x128xf32, #tpu.memory_space<hbm>> -> memref<400x128xf32, #tpu.memory_space<hbm>>
      tpu.enqueue_dma source(%dma_start3A_93 : memref<400x128xf32, #tpu.memory_space<hbm>>) target(%dma_start3A_91 : memref<400x128xf32, #tpu.memory_space<vmem_shared>>) target_semaphore(%arg13 : memref<!tpu.dma_semaphore, #tpu.memory_space<semaphore_mem>>)
    } else {
    }
    %eq3A_14 = arith.constant 1 : i32
    %eq3A_15 = arith.cmpi eq, %arg0, %eq3A_14 : i32
    %convert_element_type3A_16 = arith.extui %eq3A_15 : i1 to i32
    %cond3A_17 = arith.constant 0 : i32
    %cond3A_18 = arith.cmpi ne, %convert_element_type3A_16, %cond3A_17 : i32
    scf.if %cond3A_18 {
      %dma_start3A_90 = arith.constant 0 : i32
      %dma_start3A_91 = tpu.memref_slice %arg10[%mul3A_2, %dma_start3A_90] : memref<10240x128xf32, #tpu.memory_space<vmem_shared>> -> memref<640x128xf32, #tpu.memory_space<vmem_shared>>
      tpu.enqueue_dma source(%arg4 : memref<640x128xf32, #tpu.memory_space<hbm>>) target(%dma_start3A_91 : memref<640x128xf32, #tpu.memory_space<vmem_shared>>) target_semaphore(%arg13 : memref<!tpu.dma_semaphore, #tpu.memory_space<semaphore_mem>>)
    } else {
    }
    %run_scoped3A = arith.constant 0 : i32
    %run_scoped3A_19 = arith.constant 0 : i32
    "tpu.region"() ({
      %run_scoped3A_90 = tpu.sem_alloc : memref<!tpu.dma_semaphore, #tpu.memory_space<semaphore_mem>>
      %dma_start3A_91 = arith.constant 0 : i32
      %dma_start3A_92 = arith.constant 0 : i32
      %dma_start3A_93 = tpu.memref_slice %arg3[%run_scoped3A, %add3A, %run_scoped3A_19, %dma_start3A_91, %dma_start3A_92] : memref<2x32x2x40x125xi32, #tpu.memory_space<hbm>> -> memref<1x1x1x40x125xi32, #tpu.memory_space<hbm>>
      %dma_start3A_94 = tpu.memref_squeeze %dma_start3A_93 : memref<1x1x1x40x125xi32, #tpu.memory_space<hbm>> -> memref<40x125xi32, #tpu.memory_space<hbm>>
      %dma_start3A_95 = arith.constant 0 : i32
      %dma_start3A_96 = arith.constant 0 : i32
      %dma_start3A_97 = tpu.memref_slice %arg3[%run_scoped3A, %add3A, %run_scoped3A_19, %dma_start3A_95, %dma_start3A_96] : memref<2x32x2x40x125xi32, #tpu.memory_space<hbm>> -> memref<1x1x1x40x125xi32, #tpu.memory_space<hbm>>
      %dma_start3A_98 = tpu.memref_squeeze %dma_start3A_97 : memref<1x1x1x40x125xi32, #tpu.memory_space<hbm>> -> memref<40x125xi32, #tpu.memory_space<hbm>>
      tpu.enqueue_dma source(%dma_start3A_98 : memref<40x125xi32, #tpu.memory_space<hbm>>) target(%arg6 : memref<40x125xi32, #tpu.memory_space<vmem>>) target_semaphore(%run_scoped3A_90 : memref<!tpu.dma_semaphore, #tpu.memory_space<semaphore_mem>>)
      %dma_wait3A = arith.constant 0 : i32
      %dma_wait3A_99 = arith.constant 0 : i32
      %dma_wait3A_100 = tpu.memref_slice %arg3[%run_scoped3A, %add3A, %run_scoped3A_19, %dma_wait3A, %dma_wait3A_99] : memref<2x32x2x40x125xi32, #tpu.memory_space<hbm>> -> memref<1x1x1x40x125xi32, #tpu.memory_space<hbm>>
      %dma_wait3A_101 = tpu.memref_squeeze %dma_wait3A_100 : memref<1x1x1x40x125xi32, #tpu.memory_space<hbm>> -> memref<40x125xi32, #tpu.memory_space<hbm>>
      %dma_wait3A_102 = arith.constant 0 : i32
      %dma_wait3A_103 = arith.constant 0 : i32
      %dma_wait3A_104 = tpu.memref_slice %arg3[%run_scoped3A, %add3A, %run_scoped3A_19, %dma_wait3A_102, %dma_wait3A_103] : memref<2x32x2x40x125xi32, #tpu.memory_space<hbm>> -> memref<1x1x1x40x125xi32, #tpu.memory_space<hbm>>
      %dma_wait3A_105 = tpu.memref_squeeze %dma_wait3A_104 : memref<1x1x1x40x125xi32, #tpu.memory_space<hbm>> -> memref<40x125xi32, #tpu.memory_space<hbm>>
      tpu.wait_dma2 semaphore(%run_scoped3A_90 : memref<!tpu.dma_semaphore, #tpu.memory_space<semaphore_mem>>) src(%dma_wait3A_105 : memref<40x125xi32, #tpu.memory_space<hbm>>) dst(%arg6 : memref<40x125xi32, #tpu.memory_space<vmem>>)
      tpu.yield
    }) : () -> ()
    %run_scoped3A_20 = arith.constant 1 : i32
    %run_scoped3A_21 = arith.constant 0 : i32
    "tpu.region"() ({
      %run_scoped3A_90 = tpu.sem_alloc : memref<!tpu.dma_semaphore, #tpu.memory_space<semaphore_mem>>
      %dma_start3A_91 = arith.constant 0 : i32
      %dma_start3A_92 = arith.constant 0 : i32
      %dma_start3A_93 = tpu.memref_slice %arg3[%run_scoped3A_20, %add3A, %run_scoped3A_21, %dma_start3A_91, %dma_start3A_92] : memref<2x32x2x40x125xi32, #tpu.memory_space<hbm>> -> memref<1x1x1x40x125xi32, #tpu.memory_space<hbm>>
      %dma_start3A_94 = tpu.memref_squeeze %dma_start3A_93 : memref<1x1x1x40x125xi32, #tpu.memory_space<hbm>> -> memref<40x125xi32, #tpu.memory_space<hbm>>
      %dma_start3A_95 = arith.constant 0 : i32
      %dma_start3A_96 = arith.constant 0 : i32
      %dma_start3A_97 = tpu.memref_slice %arg3[%run_scoped3A_20, %add3A, %run_scoped3A_21, %dma_start3A_95, %dma_start3A_96] : memref<2x32x2x40x125xi32, #tpu.memory_space<hbm>> -> memref<1x1x1x40x125xi32, #tpu.memory_space<hbm>>
      %dma_start3A_98 = tpu.memref_squeeze %dma_start3A_97 : memref<1x1x1x40x125xi32, #tpu.memory_space<hbm>> -> memref<40x125xi32, #tpu.memory_space<hbm>>
      tpu.enqueue_dma source(%dma_start3A_98 : memref<40x125xi32, #tpu.memory_space<hbm>>) target(%arg7 : memref<40x125xi32, #tpu.memory_space<vmem>>) target_semaphore(%run_scoped3A_90 : memref<!tpu.dma_semaphore, #tpu.memory_space<semaphore_mem>>)
      %dma_wait3A = arith.constant 0 : i32
      %dma_wait3A_99 = arith.constant 0 : i32
      %dma_wait3A_100 = tpu.memref_slice %arg3[%run_scoped3A_20, %add3A, %run_scoped3A_21, %dma_wait3A, %dma_wait3A_99] : memref<2x32x2x40x125xi32, #tpu.memory_space<hbm>> -> memref<1x1x1x40x125xi32, #tpu.memory_space<hbm>>
      %dma_wait3A_101 = tpu.memref_squeeze %dma_wait3A_100 : memref<1x1x1x40x125xi32, #tpu.memory_space<hbm>> -> memref<40x125xi32, #tpu.memory_space<hbm>>
      %dma_wait3A_102 = arith.constant 0 : i32
      %dma_wait3A_103 = arith.constant 0 : i32
      %dma_wait3A_104 = tpu.memref_slice %arg3[%run_scoped3A_20, %add3A, %run_scoped3A_21, %dma_wait3A_102, %dma_wait3A_103] : memref<2x32x2x40x125xi32, #tpu.memory_space<hbm>> -> memref<1x1x1x40x125xi32, #tpu.memory_space<hbm>>
      %dma_wait3A_105 = tpu.memref_squeeze %dma_wait3A_104 : memref<1x1x1x40x125xi32, #tpu.memory_space<hbm>> -> memref<40x125xi32, #tpu.memory_space<hbm>>
      tpu.wait_dma2 semaphore(%run_scoped3A_90 : memref<!tpu.dma_semaphore, #tpu.memory_space<semaphore_mem>>) src(%dma_wait3A_105 : memref<40x125xi32, #tpu.memory_space<hbm>>) dst(%arg7 : memref<40x125xi32, #tpu.memory_space<vmem>>)
      tpu.yield
    }) : () -> ()
    %dma_start3A = arith.constant 0 : i32
    %dma_start3A_22 = arith.constant 0 : i32
    %dma_start3A_23 = tpu.memref_slice %arg6[%dma_start3A, %dma_start3A_22] : memref<40x125xi32, #tpu.memory_space<vmem>> -> memref<1x125xi32, #tpu.memory_space<vmem>>
    %dma_start3A_24 = tpu.memref_squeeze %dma_start3A_23 : memref<1x125xi32, #tpu.memory_space<vmem>> -> memref<125xi32, #tpu.memory_space<vmem>>
    %dma_start3A_25 = arith.constant 0 : i32
    %dma_start3A_26 = arith.constant 0 : i32
    %dma_start3A_27 = tpu.memref_slice %arg2[%dma_start3A_25, %dma_start3A_26] : memref<10000x128xf32, #tpu.memory_space<hbm>> -> memref<10000x128xf32, #tpu.memory_space<hbm>>
    tpu.enqueue_indirect_dma source(%dma_start3A_27 : memref<10000x128xf32, #tpu.memory_space<hbm>>) target(%arg8 : memref<125x128xf32, #tpu.memory_space<vmem>>) offsets(%dma_start3A_24 : memref<125xi32, #tpu.memory_space<vmem>>) semaphore(%arg11 : memref<!tpu.dma_semaphore, #tpu.memory_space<semaphore_mem>>)
    %dma_start3A_28 = arith.constant 1 : i32
    %dma_start3A_29 = arith.constant 0 : i32
    %dma_start3A_30 = tpu.memref_slice %arg6[%dma_start3A_28, %dma_start3A_29] : memref<40x125xi32, #tpu.memory_space<vmem>> -> memref<1x125xi32, #tpu.memory_space<vmem>>
    %dma_start3A_31 = tpu.memref_squeeze %dma_start3A_30 : memref<1x125xi32, #tpu.memory_space<vmem>> -> memref<125xi32, #tpu.memory_space<vmem>>
    %dma_start3A_32 = arith.constant 0 : i32
    %dma_start3A_33 = arith.constant 0 : i32
    %dma_start3A_34 = tpu.memref_slice %arg2[%dma_start3A_32, %dma_start3A_33] : memref<10000x128xf32, #tpu.memory_space<hbm>> -> memref<10000x128xf32, #tpu.memory_space<hbm>>
    tpu.enqueue_indirect_dma source(%dma_start3A_34 : memref<10000x128xf32, #tpu.memory_space<hbm>>) target(%arg9 : memref<125x128xf32, #tpu.memory_space<vmem>>) offsets(%dma_start3A_31 : memref<125xi32, #tpu.memory_space<vmem>>) semaphore(%arg12 : memref<!tpu.dma_semaphore, #tpu.memory_space<semaphore_mem>>)
    %eq3A_35 = arith.constant 0 : i32
    %eq3A_36 = arith.cmpi eq, %arg0, %eq3A_35 : i32
    %lt3A_37 = arith.constant 15 : i32
    %lt3A_38 = arith.cmpi slt, %arg1, %lt3A_37 : i32
    %and3A_39 = arith.andi %eq3A_36, %lt3A_38 : i1
    %convert_element_type3A_40 = arith.extui %and3A_39 : i1 to i32
    %cond3A_41 = arith.constant 0 : i32
    %cond3A_42 = arith.cmpi ne, %convert_element_type3A_40, %cond3A_41 : i32
    scf.if %cond3A_42 {
      %dma_wait3A = arith.constant 0 : i32
      %dma_wait3A_90 = tpu.memref_slice %arg10[%mul3A_2, %dma_wait3A] : memref<10240x128xf32, #tpu.memory_space<vmem_shared>> -> memref<640x128xf32, #tpu.memory_space<vmem_shared>>
      %dma_wait3A_91 = arith.constant 0 : i32
      %dma_wait3A_92 = tpu.memref_slice %arg2[%mul3A_2, %dma_wait3A_91] : memref<10000x128xf32, #tpu.memory_space<hbm>> -> memref<640x128xf32, #tpu.memory_space<hbm>>
      tpu.wait_dma2 semaphore(%arg13 : memref<!tpu.dma_semaphore, #tpu.memory_space<semaphore_mem>>) src(%dma_wait3A_92 : memref<640x128xf32, #tpu.memory_space<hbm>>) dst(%dma_wait3A_90 : memref<640x128xf32, #tpu.memory_space<vmem_shared>>)
    } else {
    }
    %eq3A_43 = arith.constant 0 : i32
    %eq3A_44 = arith.cmpi eq, %arg0, %eq3A_43 : i32
    %eq3A_45 = arith.constant 15 : i32
    %eq3A_46 = arith.cmpi eq, %arg1, %eq3A_45 : i32
    %and3A_47 = arith.andi %eq3A_44, %eq3A_46 : i1
    %convert_element_type3A_48 = arith.extui %and3A_47 : i1 to i32
    %cond3A_49 = arith.constant 0 : i32
    %cond3A_50 = arith.cmpi ne, %convert_element_type3A_48, %cond3A_49 : i32
    scf.if %cond3A_50 {
      %dma_wait3A = arith.constant 0 : i32
      %dma_wait3A_90 = tpu.memref_slice %arg10[%mul3A_2, %dma_wait3A] : memref<10240x128xf32, #tpu.memory_space<vmem_shared>> -> memref<400x128xf32, #tpu.memory_space<vmem_shared>>
      %dma_wait3A_91 = arith.constant 0 : i32
      %dma_wait3A_92 = tpu.memref_slice %arg2[%mul3A_2, %dma_wait3A_91] : memref<10000x128xf32, #tpu.memory_space<hbm>> -> memref<400x128xf32, #tpu.memory_space<hbm>>
      tpu.wait_dma2 semaphore(%arg13 : memref<!tpu.dma_semaphore, #tpu.memory_space<semaphore_mem>>) src(%dma_wait3A_92 : memref<400x128xf32, #tpu.memory_space<hbm>>) dst(%dma_wait3A_90 : memref<400x128xf32, #tpu.memory_space<vmem_shared>>)
    } else {
    }
    %eq3A_51 = arith.constant 1 : i32
    %eq3A_52 = arith.cmpi eq, %arg0, %eq3A_51 : i32
    %convert_element_type3A_53 = arith.extui %eq3A_52 : i1 to i32
    %cond3A_54 = arith.constant 0 : i32
    %cond3A_55 = arith.cmpi ne, %convert_element_type3A_53, %cond3A_54 : i32
    scf.if %cond3A_55 {
      %dma_wait3A = arith.constant 0 : i32
      %dma_wait3A_90 = tpu.memref_slice %arg10[%mul3A_2, %dma_wait3A] : memref<10240x128xf32, #tpu.memory_space<vmem_shared>> -> memref<640x128xf32, #tpu.memory_space<vmem_shared>>
      tpu.wait_dma2 semaphore(%arg13 : memref<!tpu.dma_semaphore, #tpu.memory_space<semaphore_mem>>) src(%arg4 : memref<640x128xf32, #tpu.memory_space<hbm>>) dst(%dma_wait3A_90 : memref<640x128xf32, #tpu.memory_space<vmem_shared>>)
    } else {
    }
    %barrier3A = arith.constant 0 : index
    tpu.barrier barrier_id(%barrier3A)
    %scan3A = arith.constant 0 : i32
    %scan3A_56 = arith.constant 0 : i32
    %scan3A_57 = arith.constant 20 : i32
    %scan3A_58 = arith.addi %scan3A_56, %scan3A_57 : i32
    %scan3A_59 = arith.constant 1 : i32
    scf.for %scan3A_90 = %scan3A_56 to %scan3A_58 step %scan3A_59  : i32 {
      %mul3A_91 = arith.constant 2 : i32
      %mul3A_92 = arith.muli %scan3A_90, %mul3A_91 : i32
      %dma_wait3A = arith.constant 0 : i32
      %dma_wait3A_93 = arith.constant 0 : i32
      %dma_wait3A_94 = tpu.memref_slice %arg6[%dma_wait3A, %dma_wait3A_93] : memref<40x125xi32, #tpu.memory_space<vmem>> -> memref<1x125xi32, #tpu.memory_space<vmem>>
      %dma_wait3A_95 = tpu.memref_squeeze %dma_wait3A_94 : memref<1x125xi32, #tpu.memory_space<vmem>> -> memref<125xi32, #tpu.memory_space<vmem>>
      %dma_wait3A_96 = arith.constant 0 : i32
      %dma_wait3A_97 = arith.constant 0 : i32
      %dma_wait3A_98 = tpu.memref_slice %arg2[%dma_wait3A_96, %dma_wait3A_97] : memref<10000x128xf32, #tpu.memory_space<hbm>> -> memref<10000x128xf32, #tpu.memory_space<hbm>>
      tpu.wait_indirect_dma semaphore(%arg11 : memref<!tpu.dma_semaphore, #tpu.memory_space<semaphore_mem>>) src(%dma_wait3A_98 : memref<10000x128xf32, #tpu.memory_space<hbm>>) dst(%arg8 : memref<125x128xf32, #tpu.memory_space<vmem>>)
      "tpu.region"() ({
        %run_scoped3A_122 = tpu.sem_alloc : memref<!tpu.dma_semaphore, #tpu.memory_space<semaphore_mem>>
        %dma_start3A_123 = arith.constant 0 : i32
        %dma_start3A_124 = tpu.memref_slice %arg7[%mul3A_92, %dma_start3A_123] : memref<40x125xi32, #tpu.memory_space<vmem>> -> memref<1x125xi32, #tpu.memory_space<vmem>>
        %dma_start3A_125 = tpu.memref_squeeze %dma_start3A_124 : memref<1x125xi32, #tpu.memory_space<vmem>> -> memref<125xi32, #tpu.memory_space<vmem>>
        %dma_start3A_126 = arith.constant 0 : i32
        %dma_start3A_127 = arith.constant 0 : i32
        %dma_start3A_128 = tpu.memref_slice %arg10[%dma_start3A_126, %dma_start3A_127] : memref<10240x128xf32, #tpu.memory_space<vmem_shared>> -> memref<10240x128xf32, #tpu.memory_space<vmem_shared>>
        tpu.enqueue_indirect_dma source(%arg8 : memref<125x128xf32, #tpu.memory_space<vmem>>) target(%dma_start3A_128 : memref<10240x128xf32, #tpu.memory_space<vmem_shared>>) offsets(%dma_start3A_125 : memref<125xi32, #tpu.memory_space<vmem>>) semaphore(%run_scoped3A_122 : memref<!tpu.dma_semaphore, #tpu.memory_space<semaphore_mem>>) {add = true}
        %dma_wait3A_129 = arith.constant 0 : i32
        %dma_wait3A_130 = tpu.memref_slice %arg7[%mul3A_92, %dma_wait3A_129] : memref<40x125xi32, #tpu.memory_space<vmem>> -> memref<1x125xi32, #tpu.memory_space<vmem>>
        %dma_wait3A_131 = tpu.memref_squeeze %dma_wait3A_130 : memref<1x125xi32, #tpu.memory_space<vmem>> -> memref<125xi32, #tpu.memory_space<vmem>>
        %dma_wait3A_132 = arith.constant 0 : i32
        %dma_wait3A_133 = arith.constant 0 : i32
        %dma_wait3A_134 = tpu.memref_slice %arg10[%dma_wait3A_132, %dma_wait3A_133] : memref<10240x128xf32, #tpu.memory_space<vmem_shared>> -> memref<10240x128xf32, #tpu.memory_space<vmem_shared>>
        tpu.wait_indirect_dma semaphore(%run_scoped3A_122 : memref<!tpu.dma_semaphore, #tpu.memory_space<semaphore_mem>>) src(%arg8 : memref<125x128xf32, #tpu.memory_space<vmem>>) dst(%dma_wait3A_134 : memref<10240x128xf32, #tpu.memory_space<vmem_shared>>)
        tpu.yield
      }) : () -> ()
      %add3A_99 = arith.constant 2 : i32
      %add3A_100 = arith.addi %mul3A_92, %add3A_99 : i32
      %lt3A_101 = arith.constant 40 : i32
      %lt3A_102 = arith.cmpi slt, %add3A_100, %lt3A_101 : i32
      %convert_element_type3A_103 = arith.extui %lt3A_102 : i1 to i32
      %cond3A_104 = arith.constant 0 : i32
      %cond3A_105 = arith.cmpi ne, %convert_element_type3A_103, %cond3A_104 : i32
      scf.if %cond3A_105 {
        %add3A_122 = arith.constant 2 : i32
        %add3A_123 = arith.addi %mul3A_92, %add3A_122 : i32
        %dma_start3A_124 = arith.constant 0 : i32
        %dma_start3A_125 = tpu.memref_slice %arg6[%add3A_123, %dma_start3A_124] : memref<40x125xi32, #tpu.memory_space<vmem>> -> memref<1x125xi32, #tpu.memory_space<vmem>>
        %dma_start3A_126 = tpu.memref_squeeze %dma_start3A_125 : memref<1x125xi32, #tpu.memory_space<vmem>> -> memref<125xi32, #tpu.memory_space<vmem>>
        %dma_start3A_127 = arith.constant 0 : i32
        %dma_start3A_128 = arith.constant 0 : i32
        %dma_start3A_129 = tpu.memref_slice %arg2[%dma_start3A_127, %dma_start3A_128] : memref<10000x128xf32, #tpu.memory_space<hbm>> -> memref<10000x128xf32, #tpu.memory_space<hbm>>
        tpu.enqueue_indirect_dma source(%dma_start3A_129 : memref<10000x128xf32, #tpu.memory_space<hbm>>) target(%arg8 : memref<125x128xf32, #tpu.memory_space<vmem>>) offsets(%dma_start3A_126 : memref<125xi32, #tpu.memory_space<vmem>>) semaphore(%arg11 : memref<!tpu.dma_semaphore, #tpu.memory_space<semaphore_mem>>)
      } else {
      }
      %dma_wait3A_106 = arith.constant 0 : i32
      %dma_wait3A_107 = arith.constant 0 : i32
      %dma_wait3A_108 = tpu.memref_slice %arg6[%dma_wait3A_106, %dma_wait3A_107] : memref<40x125xi32, #tpu.memory_space<vmem>> -> memref<1x125xi32, #tpu.memory_space<vmem>>
      %dma_wait3A_109 = tpu.memref_squeeze %dma_wait3A_108 : memref<1x125xi32, #tpu.memory_space<vmem>> -> memref<125xi32, #tpu.memory_space<vmem>>
      %dma_wait3A_110 = arith.constant 0 : i32
      %dma_wait3A_111 = arith.constant 0 : i32
      %dma_wait3A_112 = tpu.memref_slice %arg2[%dma_wait3A_110, %dma_wait3A_111] : memref<10000x128xf32, #tpu.memory_space<hbm>> -> memref<10000x128xf32, #tpu.memory_space<hbm>>
      tpu.wait_indirect_dma semaphore(%arg12 : memref<!tpu.dma_semaphore, #tpu.memory_space<semaphore_mem>>) src(%dma_wait3A_112 : memref<10000x128xf32, #tpu.memory_space<hbm>>) dst(%arg9 : memref<125x128xf32, #tpu.memory_space<vmem>>)
      %add3A_113 = arith.constant 1 : i32
      %add3A_114 = arith.addi %mul3A_92, %add3A_113 : i32
      "tpu.region"() ({
        %run_scoped3A_122 = tpu.sem_alloc : memref<!tpu.dma_semaphore, #tpu.memory_space<semaphore_mem>>
        %dma_start3A_123 = arith.constant 0 : i32
        %dma_start3A_124 = tpu.memref_slice %arg7[%add3A_114, %dma_start3A_123] : memref<40x125xi32, #tpu.memory_space<vmem>> -> memref<1x125xi32, #tpu.memory_space<vmem>>
        %dma_start3A_125 = tpu.memref_squeeze %dma_start3A_124 : memref<1x125xi32, #tpu.memory_space<vmem>> -> memref<125xi32, #tpu.memory_space<vmem>>
        %dma_start3A_126 = arith.constant 0 : i32
        %dma_start3A_127 = arith.constant 0 : i32
        %dma_start3A_128 = tpu.memref_slice %arg10[%dma_start3A_126, %dma_start3A_127] : memref<10240x128xf32, #tpu.memory_space<vmem_shared>> -> memref<10240x128xf32, #tpu.memory_space<vmem_shared>>
        tpu.enqueue_indirect_dma source(%arg9 : memref<125x128xf32, #tpu.memory_space<vmem>>) target(%dma_start3A_128 : memref<10240x128xf32, #tpu.memory_space<vmem_shared>>) offsets(%dma_start3A_125 : memref<125xi32, #tpu.memory_space<vmem>>) semaphore(%run_scoped3A_122 : memref<!tpu.dma_semaphore, #tpu.memory_space<semaphore_mem>>) {add = true}
        %dma_wait3A_129 = arith.constant 0 : i32
        %dma_wait3A_130 = tpu.memref_slice %arg7[%add3A_114, %dma_wait3A_129] : memref<40x125xi32, #tpu.memory_space<vmem>> -> memref<1x125xi32, #tpu.memory_space<vmem>>
        %dma_wait3A_131 = tpu.memref_squeeze %dma_wait3A_130 : memref<1x125xi32, #tpu.memory_space<vmem>> -> memref<125xi32, #tpu.memory_space<vmem>>
        %dma_wait3A_132 = arith.constant 0 : i32
        %dma_wait3A_133 = arith.constant 0 : i32
        %dma_wait3A_134 = tpu.memref_slice %arg10[%dma_wait3A_132, %dma_wait3A_133] : memref<10240x128xf32, #tpu.memory_space<vmem_shared>> -> memref<10240x128xf32, #tpu.memory_space<vmem_shared>>
        tpu.wait_indirect_dma semaphore(%run_scoped3A_122 : memref<!tpu.dma_semaphore, #tpu.memory_space<semaphore_mem>>) src(%arg9 : memref<125x128xf32, #tpu.memory_space<vmem>>) dst(%dma_wait3A_134 : memref<10240x128xf32, #tpu.memory_space<vmem_shared>>)
        tpu.yield
      }) : () -> ()
      %add3A_115 = arith.constant 3 : i32
      %add3A_116 = arith.addi %mul3A_92, %add3A_115 : i32
      %lt3A_117 = arith.constant 40 : i32
      %lt3A_118 = arith.cmpi slt, %add3A_116, %lt3A_117 : i32
      %convert_element_type3A_119 = arith.extui %lt3A_118 : i1 to i32
      %cond3A_120 = arith.constant 0 : i32
      %cond3A_121 = arith.cmpi ne, %convert_element_type3A_119, %cond3A_120 : i32
      scf.if %cond3A_121 {
        %add3A_122 = arith.constant 3 : i32
        %add3A_123 = arith.addi %mul3A_92, %add3A_122 : i32
        %dma_start3A_124 = arith.constant 0 : i32
        %dma_start3A_125 = tpu.memref_slice %arg6[%add3A_123, %dma_start3A_124] : memref<40x125xi32, #tpu.memory_space<vmem>> -> memref<1x125xi32, #tpu.memory_space<vmem>>
        %dma_start3A_126 = tpu.memref_squeeze %dma_start3A_125 : memref<1x125xi32, #tpu.memory_space<vmem>> -> memref<125xi32, #tpu.memory_space<vmem>>
        %dma_start3A_127 = arith.constant 0 : i32
        %dma_start3A_128 = arith.constant 0 : i32
        %dma_start3A_129 = tpu.memref_slice %arg2[%dma_start3A_127, %dma_start3A_128] : memref<10000x128xf32, #tpu.memory_space<hbm>> -> memref<10000x128xf32, #tpu.memory_space<hbm>>
        tpu.enqueue_indirect_dma source(%dma_start3A_129 : memref<10000x128xf32, #tpu.memory_space<hbm>>) target(%arg9 : memref<125x128xf32, #tpu.memory_space<vmem>>) offsets(%dma_start3A_126 : memref<125xi32, #tpu.memory_space<vmem>>) semaphore(%arg12 : memref<!tpu.dma_semaphore, #tpu.memory_space<semaphore_mem>>)
      } else {
      }
    }
    %scan3A_60 = arith.constant 20 : i32
    %run_scoped3A_61 = arith.constant 0 : i32
    %run_scoped3A_62 = arith.constant 1 : i32
    "tpu.region"() ({
      %run_scoped3A_90 = tpu.sem_alloc : memref<!tpu.dma_semaphore, #tpu.memory_space<semaphore_mem>>
      %dma_start3A_91 = arith.constant 0 : i32
      %dma_start3A_92 = arith.constant 0 : i32
      %dma_start3A_93 = tpu.memref_slice %arg3[%run_scoped3A_61, %add3A, %run_scoped3A_62, %dma_start3A_91, %dma_start3A_92] : memref<2x32x2x40x125xi32, #tpu.memory_space<hbm>> -> memref<1x1x1x40x125xi32, #tpu.memory_space<hbm>>
      %dma_start3A_94 = tpu.memref_squeeze %dma_start3A_93 : memref<1x1x1x40x125xi32, #tpu.memory_space<hbm>> -> memref<40x125xi32, #tpu.memory_space<hbm>>
      %dma_start3A_95 = arith.constant 0 : i32
      %dma_start3A_96 = arith.constant 0 : i32
      %dma_start3A_97 = tpu.memref_slice %arg3[%run_scoped3A_61, %add3A, %run_scoped3A_62, %dma_start3A_95, %dma_start3A_96] : memref<2x32x2x40x125xi32, #tpu.memory_space<hbm>> -> memref<1x1x1x40x125xi32, #tpu.memory_space<hbm>>
      %dma_start3A_98 = tpu.memref_squeeze %dma_start3A_97 : memref<1x1x1x40x125xi32, #tpu.memory_space<hbm>> -> memref<40x125xi32, #tpu.memory_space<hbm>>
      tpu.enqueue_dma source(%dma_start3A_98 : memref<40x125xi32, #tpu.memory_space<hbm>>) target(%arg6 : memref<40x125xi32, #tpu.memory_space<vmem>>) target_semaphore(%run_scoped3A_90 : memref<!tpu.dma_semaphore, #tpu.memory_space<semaphore_mem>>)
      %dma_wait3A = arith.constant 0 : i32
      %dma_wait3A_99 = arith.constant 0 : i32
      %dma_wait3A_100 = tpu.memref_slice %arg3[%run_scoped3A_61, %add3A, %run_scoped3A_62, %dma_wait3A, %dma_wait3A_99] : memref<2x32x2x40x125xi32, #tpu.memory_space<hbm>> -> memref<1x1x1x40x125xi32, #tpu.memory_space<hbm>>
      %dma_wait3A_101 = tpu.memref_squeeze %dma_wait3A_100 : memref<1x1x1x40x125xi32, #tpu.memory_space<hbm>> -> memref<40x125xi32, #tpu.memory_space<hbm>>
      %dma_wait3A_102 = arith.constant 0 : i32
      %dma_wait3A_103 = arith.constant 0 : i32
      %dma_wait3A_104 = tpu.memref_slice %arg3[%run_scoped3A_61, %add3A, %run_scoped3A_62, %dma_wait3A_102, %dma_wait3A_103] : memref<2x32x2x40x125xi32, #tpu.memory_space<hbm>> -> memref<1x1x1x40x125xi32, #tpu.memory_space<hbm>>
      %dma_wait3A_105 = tpu.memref_squeeze %dma_wait3A_104 : memref<1x1x1x40x125xi32, #tpu.memory_space<hbm>> -> memref<40x125xi32, #tpu.memory_space<hbm>>
      tpu.wait_dma2 semaphore(%run_scoped3A_90 : memref<!tpu.dma_semaphore, #tpu.memory_space<semaphore_mem>>) src(%dma_wait3A_105 : memref<40x125xi32, #tpu.memory_space<hbm>>) dst(%arg6 : memref<40x125xi32, #tpu.memory_space<vmem>>)
      tpu.yield
    }) : () -> ()
    %run_scoped3A_63 = arith.constant 1 : i32
    %run_scoped3A_64 = arith.constant 1 : i32
    "tpu.region"() ({
      %run_scoped3A_90 = tpu.sem_alloc : memref<!tpu.dma_semaphore, #tpu.memory_space<semaphore_mem>>
      %dma_start3A_91 = arith.constant 0 : i32
      %dma_start3A_92 = arith.constant 0 : i32
      %dma_start3A_93 = tpu.memref_slice %arg3[%run_scoped3A_63, %add3A, %run_scoped3A_64, %dma_start3A_91, %dma_start3A_92] : memref<2x32x2x40x125xi32, #tpu.memory_space<hbm>> -> memref<1x1x1x40x125xi32, #tpu.memory_space<hbm>>
      %dma_start3A_94 = tpu.memref_squeeze %dma_start3A_93 : memref<1x1x1x40x125xi32, #tpu.memory_space<hbm>> -> memref<40x125xi32, #tpu.memory_space<hbm>>
      %dma_start3A_95 = arith.constant 0 : i32
      %dma_start3A_96 = arith.constant 0 : i32
      %dma_start3A_97 = tpu.memref_slice %arg3[%run_scoped3A_63, %add3A, %run_scoped3A_64, %dma_start3A_95, %dma_start3A_96] : memref<2x32x2x40x125xi32, #tpu.memory_space<hbm>> -> memref<1x1x1x40x125xi32, #tpu.memory_space<hbm>>
      %dma_start3A_98 = tpu.memref_squeeze %dma_start3A_97 : memref<1x1x1x40x125xi32, #tpu.memory_space<hbm>> -> memref<40x125xi32, #tpu.memory_space<hbm>>
      tpu.enqueue_dma source(%dma_start3A_98 : memref<40x125xi32, #tpu.memory_space<hbm>>) target(%arg7 : memref<40x125xi32, #tpu.memory_space<vmem>>) target_semaphore(%run_scoped3A_90 : memref<!tpu.dma_semaphore, #tpu.memory_space<semaphore_mem>>)
      %dma_wait3A = arith.constant 0 : i32
      %dma_wait3A_99 = arith.constant 0 : i32
      %dma_wait3A_100 = tpu.memref_slice %arg3[%run_scoped3A_63, %add3A, %run_scoped3A_64, %dma_wait3A, %dma_wait3A_99] : memref<2x32x2x40x125xi32, #tpu.memory_space<hbm>> -> memref<1x1x1x40x125xi32, #tpu.memory_space<hbm>>
      %dma_wait3A_101 = tpu.memref_squeeze %dma_wait3A_100 : memref<1x1x1x40x125xi32, #tpu.memory_space<hbm>> -> memref<40x125xi32, #tpu.memory_space<hbm>>
      %dma_wait3A_102 = arith.constant 0 : i32
      %dma_wait3A_103 = arith.constant 0 : i32
      %dma_wait3A_104 = tpu.memref_slice %arg3[%run_scoped3A_63, %add3A, %run_scoped3A_64, %dma_wait3A_102, %dma_wait3A_103] : memref<2x32x2x40x125xi32, #tpu.memory_space<hbm>> -> memref<1x1x1x40x125xi32, #tpu.memory_space<hbm>>
      %dma_wait3A_105 = tpu.memref_squeeze %dma_wait3A_104 : memref<1x1x1x40x125xi32, #tpu.memory_space<hbm>> -> memref<40x125xi32, #tpu.memory_space<hbm>>
      tpu.wait_dma2 semaphore(%run_scoped3A_90 : memref<!tpu.dma_semaphore, #tpu.memory_space<semaphore_mem>>) src(%dma_wait3A_105 : memref<40x125xi32, #tpu.memory_space<hbm>>) dst(%arg7 : memref<40x125xi32, #tpu.memory_space<vmem>>)
      tpu.yield
    }) : () -> ()
    %dma_start3A_65 = arith.constant 0 : i32
    %dma_start3A_66 = arith.constant 0 : i32
    %dma_start3A_67 = tpu.memref_slice %arg6[%dma_start3A_65, %dma_start3A_66] : memref<40x125xi32, #tpu.memory_space<vmem>> -> memref<1x125xi32, #tpu.memory_space<vmem>>
    %dma_start3A_68 = tpu.memref_squeeze %dma_start3A_67 : memref<1x125xi32, #tpu.memory_space<vmem>> -> memref<125xi32, #tpu.memory_space<vmem>>
    %dma_start3A_69 = arith.constant 0 : i32
    %dma_start3A_70 = arith.constant 0 : i32
    %dma_start3A_71 = tpu.memref_slice %arg2[%dma_start3A_69, %dma_start3A_70] : memref<10000x128xf32, #tpu.memory_space<hbm>> -> memref<10000x128xf32, #tpu.memory_space<hbm>>
    tpu.enqueue_indirect_dma source(%dma_start3A_71 : memref<10000x128xf32, #tpu.memory_space<hbm>>) target(%arg8 : memref<125x128xf32, #tpu.memory_space<vmem>>) offsets(%dma_start3A_68 : memref<125xi32, #tpu.memory_space<vmem>>) semaphore(%arg11 : memref<!tpu.dma_semaphore, #tpu.memory_space<semaphore_mem>>)
    %dma_start3A_72 = arith.constant 1 : i32
    %dma_start3A_73 = arith.constant 0 : i32
    %dma_start3A_74 = tpu.memref_slice %arg6[%dma_start3A_72, %dma_start3A_73] : memref<40x125xi32, #tpu.memory_space<vmem>> -> memref<1x125xi32, #tpu.memory_space<vmem>>
    %dma_start3A_75 = tpu.memref_squeeze %dma_start3A_74 : memref<1x125xi32, #tpu.memory_space<vmem>> -> memref<125xi32, #tpu.memory_space<vmem>>
    %dma_start3A_76 = arith.constant 0 : i32
    %dma_start3A_77 = arith.constant 0 : i32
    %dma_start3A_78 = tpu.memref_slice %arg2[%dma_start3A_76, %dma_start3A_77] : memref<10000x128xf32, #tpu.memory_space<hbm>> -> memref<10000x128xf32, #tpu.memory_space<hbm>>
    tpu.enqueue_indirect_dma source(%dma_start3A_78 : memref<10000x128xf32, #tpu.memory_space<hbm>>) target(%arg9 : memref<125x128xf32, #tpu.memory_space<vmem>>) offsets(%dma_start3A_75 : memref<125xi32, #tpu.memory_space<vmem>>) semaphore(%arg12 : memref<!tpu.dma_semaphore, #tpu.memory_space<semaphore_mem>>)
    %scan3A_79 = arith.constant 0 : i32
    %scan3A_80 = arith.constant 0 : i32
    %scan3A_81 = arith.constant 20 : i32
    %scan3A_82 = arith.addi %scan3A_80, %scan3A_81 : i32
    %scan3A_83 = arith.constant 1 : i32
    scf.for %scan3A_90 = %scan3A_80 to %scan3A_82 step %scan3A_83  : i32 {
      %mul3A_91 = arith.constant 2 : i32
      %mul3A_92 = arith.muli %scan3A_90, %mul3A_91 : i32
      %dma_wait3A = arith.constant 0 : i32
      %dma_wait3A_93 = arith.constant 0 : i32
      %dma_wait3A_94 = tpu.memref_slice %arg6[%dma_wait3A, %dma_wait3A_93] : memref<40x125xi32, #tpu.memory_space<vmem>> -> memref<1x125xi32, #tpu.memory_space<vmem>>
      %dma_wait3A_95 = tpu.memref_squeeze %dma_wait3A_94 : memref<1x125xi32, #tpu.memory_space<vmem>> -> memref<125xi32, #tpu.memory_space<vmem>>
      %dma_wait3A_96 = arith.constant 0 : i32
      %dma_wait3A_97 = arith.constant 0 : i32
      %dma_wait3A_98 = tpu.memref_slice %arg2[%dma_wait3A_96, %dma_wait3A_97] : memref<10000x128xf32, #tpu.memory_space<hbm>> -> memref<10000x128xf32, #tpu.memory_space<hbm>>
      tpu.wait_indirect_dma semaphore(%arg11 : memref<!tpu.dma_semaphore, #tpu.memory_space<semaphore_mem>>) src(%dma_wait3A_98 : memref<10000x128xf32, #tpu.memory_space<hbm>>) dst(%arg8 : memref<125x128xf32, #tpu.memory_space<vmem>>)
      "tpu.region"() ({
        %run_scoped3A_122 = tpu.sem_alloc : memref<!tpu.dma_semaphore, #tpu.memory_space<semaphore_mem>>
        %dma_start3A_123 = arith.constant 0 : i32
        %dma_start3A_124 = tpu.memref_slice %arg7[%mul3A_92, %dma_start3A_123] : memref<40x125xi32, #tpu.memory_space<vmem>> -> memref<1x125xi32, #tpu.memory_space<vmem>>
        %dma_start3A_125 = tpu.memref_squeeze %dma_start3A_124 : memref<1x125xi32, #tpu.memory_space<vmem>> -> memref<125xi32, #tpu.memory_space<vmem>>
        %dma_start3A_126 = arith.constant 0 : i32
        %dma_start3A_127 = arith.constant 0 : i32
        %dma_start3A_128 = tpu.memref_slice %arg10[%dma_start3A_126, %dma_start3A_127] : memref<10240x128xf32, #tpu.memory_space<vmem_shared>> -> memref<10240x128xf32, #tpu.memory_space<vmem_shared>>
        tpu.enqueue_indirect_dma source(%arg8 : memref<125x128xf32, #tpu.memory_space<vmem>>) target(%dma_start3A_128 : memref<10240x128xf32, #tpu.memory_space<vmem_shared>>) offsets(%dma_start3A_125 : memref<125xi32, #tpu.memory_space<vmem>>) semaphore(%run_scoped3A_122 : memref<!tpu.dma_semaphore, #tpu.memory_space<semaphore_mem>>) {add = true}
        %dma_wait3A_129 = arith.constant 0 : i32
        %dma_wait3A_130 = tpu.memref_slice %arg7[%mul3A_92, %dma_wait3A_129] : memref<40x125xi32, #tpu.memory_space<vmem>> -> memref<1x125xi32, #tpu.memory_space<vmem>>
        %dma_wait3A_131 = tpu.memref_squeeze %dma_wait3A_130 : memref<1x125xi32, #tpu.memory_space<vmem>> -> memref<125xi32, #tpu.memory_space<vmem>>
        %dma_wait3A_132 = arith.constant 0 : i32
        %dma_wait3A_133 = arith.constant 0 : i32
        %dma_wait3A_134 = tpu.memref_slice %arg10[%dma_wait3A_132, %dma_wait3A_133] : memref<10240x128xf32, #tpu.memory_space<vmem_shared>> -> memref<10240x128xf32, #tpu.memory_space<vmem_shared>>
        tpu.wait_indirect_dma semaphore(%run_scoped3A_122 : memref<!tpu.dma_semaphore, #tpu.memory_space<semaphore_mem>>) src(%arg8 : memref<125x128xf32, #tpu.memory_space<vmem>>) dst(%dma_wait3A_134 : memref<10240x128xf32, #tpu.memory_space<vmem_shared>>)
        tpu.yield
      }) : () -> ()
      %add3A_99 = arith.constant 2 : i32
      %add3A_100 = arith.addi %mul3A_92, %add3A_99 : i32
      %lt3A_101 = arith.constant 40 : i32
      %lt3A_102 = arith.cmpi slt, %add3A_100, %lt3A_101 : i32
      %convert_element_type3A_103 = arith.extui %lt3A_102 : i1 to i32
      %cond3A_104 = arith.constant 0 : i32
      %cond3A_105 = arith.cmpi ne, %convert_element_type3A_103, %cond3A_104 : i32
      scf.if %cond3A_105 {
        %add3A_122 = arith.constant 2 : i32
        %add3A_123 = arith.addi %mul3A_92, %add3A_122 : i32
        %dma_start3A_124 = arith.constant 0 : i32
        %dma_start3A_125 = tpu.memref_slice %arg6[%add3A_123, %dma_start3A_124] : memref<40x125xi32, #tpu.memory_space<vmem>> -> memref<1x125xi32, #tpu.memory_space<vmem>>
        %dma_start3A_126 = tpu.memref_squeeze %dma_start3A_125 : memref<1x125xi32, #tpu.memory_space<vmem>> -> memref<125xi32, #tpu.memory_space<vmem>>
        %dma_start3A_127 = arith.constant 0 : i32
        %dma_start3A_128 = arith.constant 0 : i32
        %dma_start3A_129 = tpu.memref_slice %arg2[%dma_start3A_127, %dma_start3A_128] : memref<10000x128xf32, #tpu.memory_space<hbm>> -> memref<10000x128xf32, #tpu.memory_space<hbm>>
        tpu.enqueue_indirect_dma source(%dma_start3A_129 : memref<10000x128xf32, #tpu.memory_space<hbm>>) target(%arg8 : memref<125x128xf32, #tpu.memory_space<vmem>>) offsets(%dma_start3A_126 : memref<125xi32, #tpu.memory_space<vmem>>) semaphore(%arg11 : memref<!tpu.dma_semaphore, #tpu.memory_space<semaphore_mem>>)
      } else {
      }
      %dma_wait3A_106 = arith.constant 0 : i32
      %dma_wait3A_107 = arith.constant 0 : i32
      %dma_wait3A_108 = tpu.memref_slice %arg6[%dma_wait3A_106, %dma_wait3A_107] : memref<40x125xi32, #tpu.memory_space<vmem>> -> memref<1x125xi32, #tpu.memory_space<vmem>>
      %dma_wait3A_109 = tpu.memref_squeeze %dma_wait3A_108 : memref<1x125xi32, #tpu.memory_space<vmem>> -> memref<125xi32, #tpu.memory_space<vmem>>
      %dma_wait3A_110 = arith.constant 0 : i32
      %dma_wait3A_111 = arith.constant 0 : i32
      %dma_wait3A_112 = tpu.memref_slice %arg2[%dma_wait3A_110, %dma_wait3A_111] : memref<10000x128xf32, #tpu.memory_space<hbm>> -> memref<10000x128xf32, #tpu.memory_space<hbm>>
      tpu.wait_indirect_dma semaphore(%arg12 : memref<!tpu.dma_semaphore, #tpu.memory_space<semaphore_mem>>) src(%dma_wait3A_112 : memref<10000x128xf32, #tpu.memory_space<hbm>>) dst(%arg9 : memref<125x128xf32, #tpu.memory_space<vmem>>)
      %add3A_113 = arith.constant 1 : i32
      %add3A_114 = arith.addi %mul3A_92, %add3A_113 : i32
      "tpu.region"() ({
        %run_scoped3A_122 = tpu.sem_alloc : memref<!tpu.dma_semaphore, #tpu.memory_space<semaphore_mem>>
        %dma_start3A_123 = arith.constant 0 : i32
        %dma_start3A_124 = tpu.memref_slice %arg7[%add3A_114, %dma_start3A_123] : memref<40x125xi32, #tpu.memory_space<vmem>> -> memref<1x125xi32, #tpu.memory_space<vmem>>
        %dma_start3A_125 = tpu.memref_squeeze %dma_start3A_124 : memref<1x125xi32, #tpu.memory_space<vmem>> -> memref<125xi32, #tpu.memory_space<vmem>>
        %dma_start3A_126 = arith.constant 0 : i32
        %dma_start3A_127 = arith.constant 0 : i32
        %dma_start3A_128 = tpu.memref_slice %arg10[%dma_start3A_126, %dma_start3A_127] : memref<10240x128xf32, #tpu.memory_space<vmem_shared>> -> memref<10240x128xf32, #tpu.memory_space<vmem_shared>>
        tpu.enqueue_indirect_dma source(%arg9 : memref<125x128xf32, #tpu.memory_space<vmem>>) target(%dma_start3A_128 : memref<10240x128xf32, #tpu.memory_space<vmem_shared>>) offsets(%dma_start3A_125 : memref<125xi32, #tpu.memory_space<vmem>>) semaphore(%run_scoped3A_122 : memref<!tpu.dma_semaphore, #tpu.memory_space<semaphore_mem>>) {add = true}
        %dma_wait3A_129 = arith.constant 0 : i32
        %dma_wait3A_130 = tpu.memref_slice %arg7[%add3A_114, %dma_wait3A_129] : memref<40x125xi32, #tpu.memory_space<vmem>> -> memref<1x125xi32, #tpu.memory_space<vmem>>
        %dma_wait3A_131 = tpu.memref_squeeze %dma_wait3A_130 : memref<1x125xi32, #tpu.memory_space<vmem>> -> memref<125xi32, #tpu.memory_space<vmem>>
        %dma_wait3A_132 = arith.constant 0 : i32
        %dma_wait3A_133 = arith.constant 0 : i32
        %dma_wait3A_134 = tpu.memref_slice %arg10[%dma_wait3A_132, %dma_wait3A_133] : memref<10240x128xf32, #tpu.memory_space<vmem_shared>> -> memref<10240x128xf32, #tpu.memory_space<vmem_shared>>
        tpu.wait_indirect_dma semaphore(%run_scoped3A_122 : memref<!tpu.dma_semaphore, #tpu.memory_space<semaphore_mem>>) src(%arg9 : memref<125x128xf32, #tpu.memory_space<vmem>>) dst(%dma_wait3A_134 : memref<10240x128xf32, #tpu.memory_space<vmem_shared>>)
        tpu.yield
      }) : () -> ()
      %add3A_115 = arith.constant 3 : i32
      %add3A_116 = arith.addi %mul3A_92, %add3A_115 : i32
      %lt3A_117 = arith.constant 40 : i32
      %lt3A_118 = arith.cmpi slt, %add3A_116, %lt3A_117 : i32
      %convert_element_type3A_119 = arith.extui %lt3A_118 : i1 to i32
      %cond3A_120 = arith.constant 0 : i32
      %cond3A_121 = arith.cmpi ne, %convert_element_type3A_119, %cond3A_120 : i32
      scf.if %cond3A_121 {
        %add3A_122 = arith.constant 3 : i32
        %add3A_123 = arith.addi %mul3A_92, %add3A_122 : i32
        %dma_start3A_124 = arith.constant 0 : i32
        %dma_start3A_125 = tpu.memref_slice %arg6[%add3A_123, %dma_start3A_124] : memref<40x125xi32, #tpu.memory_space<vmem>> -> memref<1x125xi32, #tpu.memory_space<vmem>>
        %dma_start3A_126 = tpu.memref_squeeze %dma_start3A_125 : memref<1x125xi32, #tpu.memory_space<vmem>> -> memref<125xi32, #tpu.memory_space<vmem>>
        %dma_start3A_127 = arith.constant 0 : i32
        %dma_start3A_128 = arith.constant 0 : i32
        %dma_start3A_129 = tpu.memref_slice %arg2[%dma_start3A_127, %dma_start3A_128] : memref<10000x128xf32, #tpu.memory_space<hbm>> -> memref<10000x128xf32, #tpu.memory_space<hbm>>
        tpu.enqueue_indirect_dma source(%dma_start3A_129 : memref<10000x128xf32, #tpu.memory_space<hbm>>) target(%arg9 : memref<125x128xf32, #tpu.memory_space<vmem>>) offsets(%dma_start3A_126 : memref<125xi32, #tpu.memory_space<vmem>>) semaphore(%arg12 : memref<!tpu.dma_semaphore, #tpu.memory_space<semaphore_mem>>)
      } else {
      }
    }
    %scan3A_84 = arith.constant 20 : i32
    %barrier3A_85 = arith.constant 0 : index
    tpu.barrier barrier_id(%barrier3A_85)
    %mul3A_86 = arith.constant 640 : i32
    %mul3A_87 = arith.muli %arg1, %mul3A_86 : i32
    %mul3A_88 = arith.constant 640 : i32
    %mul3A_89 = arith.muli %arg1, %mul3A_88 : i32
    "tpu.region"() ({
      %run_scoped3A_90 = tpu.sem_alloc : memref<!tpu.dma_semaphore, #tpu.memory_space<semaphore_mem>>
      %dma_start3A_91 = arith.constant 0 : i32
      %dma_start3A_92 = tpu.memref_slice %arg5[%arg0, %mul3A_89, %dma_start3A_91] : memref<2x10240x128xf32, #tpu.memory_space<hbm>> -> memref<1x640x128xf32, #tpu.memory_space<hbm>>
      %dma_start3A_93 = tpu.memref_squeeze %dma_start3A_92 : memref<1x640x128xf32, #tpu.memory_space<hbm>> -> memref<640x128xf32, #tpu.memory_space<hbm>>
      %dma_start3A_94 = arith.constant 0 : i32
      %dma_start3A_95 = tpu.memref_slice %arg10[%mul3A_87, %dma_start3A_94] : memref<10240x128xf32, #tpu.memory_space<vmem_shared>> -> memref<640x128xf32, #tpu.memory_space<vmem_shared>>
      tpu.enqueue_dma source(%dma_start3A_95 : memref<640x128xf32, #tpu.memory_space<vmem_shared>>) target(%dma_start3A_93 : memref<640x128xf32, #tpu.memory_space<hbm>>) target_semaphore(%run_scoped3A_90 : memref<!tpu.dma_semaphore, #tpu.memory_space<semaphore_mem>>)
      %dma_wait3A = arith.constant 0 : i32
      %dma_wait3A_96 = tpu.memref_slice %arg5[%arg0, %mul3A_89, %dma_wait3A] : memref<2x10240x128xf32, #tpu.memory_space<hbm>> -> memref<1x640x128xf32, #tpu.memory_space<hbm>>
      %dma_wait3A_97 = tpu.memref_squeeze %dma_wait3A_96 : memref<1x640x128xf32, #tpu.memory_space<hbm>> -> memref<640x128xf32, #tpu.memory_space<hbm>>
      %dma_wait3A_98 = arith.constant 0 : i32
      %dma_wait3A_99 = tpu.memref_slice %arg10[%mul3A_87, %dma_wait3A_98] : memref<10240x128xf32, #tpu.memory_space<vmem_shared>> -> memref<640x128xf32, #tpu.memory_space<vmem_shared>>
      tpu.wait_dma2 semaphore(%run_scoped3A_90 : memref<!tpu.dma_semaphore, #tpu.memory_space<semaphore_mem>>) src(%dma_wait3A_99 : memref<640x128xf32, #tpu.memory_space<vmem_shared>>) dst(%dma_wait3A_97 : memref<640x128xf32, #tpu.memory_space<hbm>>)
      tpu.yield
    }) : () -> ()
    return
  }
}

module attributes {stable_mosaic.version = 14 : i64} {
  func.func @_mlp_body(%arg0: i32, %arg1: memref<2x5000x128xf32, #tpu.memory_space<vmem>>, %arg2: memref<128x128xf32, #tpu.memory_space<vmem>>, %arg3: memref<1x128xf32, #tpu.memory_space<vmem>>, %arg4: memref<128x128xf32, #tpu.memory_space<vmem>>, %arg5: memref<1x128xf32, #tpu.memory_space<vmem>>, %arg6: memref<5000x128xf32, #tpu.memory_space<vmem>>) attributes {dimension_semantics = [#tpu.dimension_semantics<arbitrary>], iteration_bounds = array<i64: 2>, scalar_prefetch = 0 : i64, scratch_operands = 0 : i64, tpu.core_type = #tpu.core_type<tc>, window_params = [{transform_indices = @transform_0, window_bounds = array<i64: 2, 5000, 128>}, {pipeline_mode = #tpu.pipeline_mode<synchronous>, transform_indices = @transform_1, window_bounds = array<i64: 128, 128>}, {pipeline_mode = #tpu.pipeline_mode<synchronous>, transform_indices = @transform_2, window_bounds = array<i64: 1, 128>}, {pipeline_mode = #tpu.pipeline_mode<synchronous>, transform_indices = @transform_3, window_bounds = array<i64: 128, 128>}, {pipeline_mode = #tpu.pipeline_mode<synchronous>, transform_indices = @transform_4, window_bounds = array<i64: 1, 128>}, {transform_indices = @transform_5, window_bounds = array<i64: 5000, 128>}]} {
    %get3A = arith.constant 0 : index
    %get3A_0 = arith.constant 0 : index
    %get3A_1 = arith.constant 0 : index
    %get3A_2 = vector.load %arg1[%get3A, %get3A_0, %get3A_1] : memref<2x5000x128xf32, #tpu.memory_space<vmem>>, vector<1x5000x128xf32>
    %get3A_3 = vector.shape_cast %get3A_2 : vector<1x5000x128xf32> to vector<5000x128xf32>
    %get3A_4 = arith.constant 1 : index
    %get3A_5 = arith.constant 0 : index
    %get3A_6 = arith.constant 0 : index
    %get3A_7 = vector.load %arg1[%get3A_4, %get3A_5, %get3A_6] : memref<2x5000x128xf32, #tpu.memory_space<vmem>>, vector<1x5000x128xf32>
    %get3A_8 = vector.shape_cast %get3A_7 : vector<1x5000x128xf32> to vector<5000x128xf32>
    %add3A = arith.addf %get3A_3, %get3A_8 : vector<5000x128xf32>
    %get3A_9 = arith.constant 0 : index
    %get3A_10 = arith.constant 0 : index
    %get3A_11 = vector.load %arg2[%get3A_9, %get3A_10] : memref<128x128xf32, #tpu.memory_space<vmem>>, vector<128x128xf32>
    %dot_general3A = arith.constant dense<0.000000e+00> : vector<5000x128xf32>
    %dot_general3A_12 = tpu.matmul %add3A, %get3A_11, %dot_general3A {dimension_numbers = #tpu.dot_dimension_numbers<[1], [0], [0], [1], [0, 0, 1, 1], [], []>, transpose_lhs_hint = false} : vector<5000x128xf32>, vector<128x128xf32>, vector<5000x128xf32> -> vector<5000x128xf32>
    %get3A_13 = arith.constant 0 : index
    %get3A_14 = arith.constant 0 : index
    %get3A_15 = vector.load %arg3[%get3A_13, %get3A_14] : memref<1x128xf32, #tpu.memory_space<vmem>>, vector<1x128xf32>
    %add3A_16 = vector.broadcast %get3A_15 : vector<1x128xf32> to vector<5000x128xf32>
    %add3A_17 = arith.addf %dot_general3A_12, %add3A_16 : vector<5000x128xf32>
    %max3A = arith.constant 0.000000e+00 : f32
    %max3A_18 = vector.broadcast %max3A : f32 to vector<5000x128xf32>
    %max3A_19 = arith.maximumf %add3A_17, %max3A_18 : vector<5000x128xf32>
    %get3A_20 = arith.constant 0 : index
    %get3A_21 = arith.constant 0 : index
    %get3A_22 = vector.load %arg4[%get3A_20, %get3A_21] : memref<128x128xf32, #tpu.memory_space<vmem>>, vector<128x128xf32>
    %dot_general3A_23 = arith.constant dense<0.000000e+00> : vector<5000x128xf32>
    %dot_general3A_24 = tpu.matmul %max3A_19, %get3A_22, %dot_general3A_23 {dimension_numbers = #tpu.dot_dimension_numbers<[1], [0], [0], [1], [0, 0, 1, 1], [], []>, transpose_lhs_hint = false} : vector<5000x128xf32>, vector<128x128xf32>, vector<5000x128xf32> -> vector<5000x128xf32>
    %get3A_25 = arith.constant 0 : index
    %get3A_26 = arith.constant 0 : index
    %get3A_27 = vector.load %arg5[%get3A_25, %get3A_26] : memref<1x128xf32, #tpu.memory_space<vmem>>, vector<1x128xf32>
    %add3A_28 = vector.broadcast %get3A_27 : vector<1x128xf32> to vector<5000x128xf32>
    %add3A_29 = arith.addf %dot_general3A_24, %add3A_28 : vector<5000x128xf32>
    %max3A_30 = arith.constant 0.000000e+00 : f32
    %max3A_31 = vector.broadcast %max3A_30 : f32 to vector<5000x128xf32>
    %max3A_32 = arith.maximumf %add3A_29, %max3A_31 : vector<5000x128xf32>
    %swap3A = arith.constant 0 : index
    %swap3A_33 = arith.constant 0 : index
    %swap3A_34 = vector.load %arg6[%swap3A, %swap3A_33] : memref<5000x128xf32, #tpu.memory_space<vmem>>, vector<5000x128xf32>
    tpu.vector_store %arg6[%swap3A, %swap3A_33], %max3A_32 {strides = array<i32>} : memref<5000x128xf32, #tpu.memory_space<vmem>>, vector<5000x128xf32>,
    return
  }
  func.func @transform_0(%arg0: i32) -> (i32, i32, i32) {
    %c0_i32 = arith.constant 0 : i32
    %c0_i32_0 = arith.constant 0 : i32
    %c0_i32_1 = arith.constant 0 : i32
    return %c0_i32, %arg0, %c0_i32_0 : i32, i32, i32
  }
  func.func @transform_1(%arg0: i32) -> (i32, i32) {
    %c0_i32 = arith.constant 0 : i32
    %c0_i32_0 = arith.constant 0 : i32
    %c0_i32_1 = arith.constant 0 : i32
    return %c0_i32, %c0_i32_0 : i32, i32
  }
  func.func @transform_2(%arg0: i32) -> (i32, i32) {
    %c0_i32 = arith.constant 0 : i32
    %c0_i32_0 = arith.constant 0 : i32
    %c0_i32_1 = arith.constant 0 : i32
    return %c0_i32, %c0_i32_0 : i32, i32
  }
  func.func @transform_3(%arg0: i32) -> (i32, i32) {
    %c0_i32 = arith.constant 0 : i32
    %c0_i32_0 = arith.constant 0 : i32
    %c0_i32_1 = arith.constant 0 : i32
    return %c0_i32, %c0_i32_0 : i32, i32
  }
  func.func @transform_4(%arg0: i32) -> (i32, i32) {
    %c0_i32 = arith.constant 0 : i32
    %c0_i32_0 = arith.constant 0 : i32
    %c0_i32_1 = arith.constant 0 : i32
    return %c0_i32, %c0_i32_0 : i32, i32
  }
  func.func @transform_5(%arg0: i32) -> (i32, i32) {
    %c0_i32 = arith.constant 0 : i32
    %c0_i32_0 = arith.constant 0 : i32
    return %arg0, %c0_i32 : i32, i32
  }
}

module attributes {stable_mosaic.version = 14 : i64} {
  func.func @_mlp3_head_body(%arg0: i32, %arg1: memref<2x5000x128xf32, #tpu.memory_space<vmem>>, %arg2: memref<128x128xf32, #tpu.memory_space<vmem>>, %arg3: memref<1x128xf32, #tpu.memory_space<vmem>>, %arg4: memref<128x128xf32, #tpu.memory_space<vmem>>, %arg5: memref<1x128xf32, #tpu.memory_space<vmem>>, %arg6: memref<5000x128xf32, #tpu.memory_space<vmem>>, %arg7: memref<5000x128xf32, #tpu.memory_space<vmem>>, %arg8: memref<384x128xf32, #tpu.memory_space<vmem>>, %arg9: memref<1x128xf32, #tpu.memory_space<vmem>>, %arg10: memref<128x128xf32, #tpu.memory_space<vmem>>, %arg11: memref<1x128xf32, #tpu.memory_space<vmem>>, %arg12: memref<1x128xf32, #tpu.memory_space<vmem>>, %arg13: memref<1x128xf32, #tpu.memory_space<vmem>>, %arg14: memref<1x128xf32, #tpu.memory_space<vmem>>, %arg15: memref<1x128xf32, #tpu.memory_space<vmem>>, %arg16: memref<128x128xf32, #tpu.memory_space<vmem>>, %arg17: memref<1x128xf32, #tpu.memory_space<vmem>>, %arg18: memref<5000x128xf32, #tpu.memory_space<vmem>>) attributes {dimension_semantics = [#tpu.dimension_semantics<arbitrary>], iteration_bounds = array<i64: 2>, scalar_prefetch = 0 : i64, scratch_operands = 0 : i64, tpu.core_type = #tpu.core_type<tc>, window_params = [{transform_indices = @transform_0, window_bounds = array<i64: 2, 5000, 128>}, {pipeline_mode = #tpu.pipeline_mode<synchronous>, transform_indices = @transform_1, window_bounds = array<i64: 128, 128>}, {pipeline_mode = #tpu.pipeline_mode<synchronous>, transform_indices = @transform_2, window_bounds = array<i64: 1, 128>}, {pipeline_mode = #tpu.pipeline_mode<synchronous>, transform_indices = @transform_3, window_bounds = array<i64: 128, 128>}, {pipeline_mode = #tpu.pipeline_mode<synchronous>, transform_indices = @transform_4, window_bounds = array<i64: 1, 128>}, {transform_indices = @transform_5, window_bounds = array<i64: 5000, 128>}, {transform_indices = @transform_6, window_bounds = array<i64: 5000, 128>}, {pipeline_mode = #tpu.pipeline_mode<synchronous>, transform_indices = @transform_7, window_bounds = array<i64: 384, 128>}, {pipeline_mode = #tpu.pipeline_mode<synchronous>, transform_indices = @transform_8, window_bounds = array<i64: 1, 128>}, {pipeline_mode = #tpu.pipeline_mode<synchronous>, transform_indices = @transform_9, window_bounds = array<i64: 128, 128>}, {pipeline_mode = #tpu.pipeline_mode<synchronous>, transform_indices = @transform_10, window_bounds = array<i64: 1, 128>}, {pipeline_mode = #tpu.pipeline_mode<synchronous>, transform_indices = @transform_11, window_bounds = array<i64: 1, 128>}, {pipeline_mode = #tpu.pipeline_mode<synchronous>, transform_indices = @transform_12, window_bounds = array<i64: 1, 128>}, {pipeline_mode = #tpu.pipeline_mode<synchronous>, transform_indices = @transform_13, window_bounds = array<i64: 1, 128>}, {pipeline_mode = #tpu.pipeline_mode<synchronous>, transform_indices = @transform_14, window_bounds = array<i64: 1, 128>}, {pipeline_mode = #tpu.pipeline_mode<synchronous>, transform_indices = @transform_15, window_bounds = array<i64: 128, 128>}, {pipeline_mode = #tpu.pipeline_mode<synchronous>, transform_indices = @transform_16, window_bounds = array<i64: 1, 128>}, {transform_indices = @transform_17, window_bounds = array<i64: 5000, 128>}]} {
    %get3A = arith.constant 0 : index
    %get3A_0 = arith.constant 0 : index
    %get3A_1 = arith.constant 0 : index
    %get3A_2 = vector.load %arg1[%get3A, %get3A_0, %get3A_1] : memref<2x5000x128xf32, #tpu.memory_space<vmem>>, vector<1x5000x128xf32>
    %get3A_3 = vector.shape_cast %get3A_2 : vector<1x5000x128xf32> to vector<5000x128xf32>
    %get3A_4 = arith.constant 1 : index
    %get3A_5 = arith.constant 0 : index
    %get3A_6 = arith.constant 0 : index
    %get3A_7 = vector.load %arg1[%get3A_4, %get3A_5, %get3A_6] : memref<2x5000x128xf32, #tpu.memory_space<vmem>>, vector<1x5000x128xf32>
    %get3A_8 = vector.shape_cast %get3A_7 : vector<1x5000x128xf32> to vector<5000x128xf32>
    %add3A = arith.addf %get3A_3, %get3A_8 : vector<5000x128xf32>
    %get3A_9 = arith.constant 0 : index
    %get3A_10 = arith.constant 0 : index
    %get3A_11 = vector.load %arg2[%get3A_9, %get3A_10] : memref<128x128xf32, #tpu.memory_space<vmem>>, vector<128x128xf32>
    %dot_general3A = arith.constant dense<0.000000e+00> : vector<5000x128xf32>
    %dot_general3A_12 = tpu.matmul %add3A, %get3A_11, %dot_general3A {dimension_numbers = #tpu.dot_dimension_numbers<[1], [0], [0], [1], [0, 0, 1, 1], [], []>, transpose_lhs_hint = false} : vector<5000x128xf32>, vector<128x128xf32>, vector<5000x128xf32> -> vector<5000x128xf32>
    %get3A_13 = arith.constant 0 : index
    %get3A_14 = arith.constant 0 : index
    %get3A_15 = vector.load %arg3[%get3A_13, %get3A_14] : memref<1x128xf32, #tpu.memory_space<vmem>>, vector<1x128xf32>
    %add3A_16 = vector.broadcast %get3A_15 : vector<1x128xf32> to vector<5000x128xf32>
    %add3A_17 = arith.addf %dot_general3A_12, %add3A_16 : vector<5000x128xf32>
    %max3A = arith.constant 0.000000e+00 : f32
    %max3A_18 = vector.broadcast %max3A : f32 to vector<5000x128xf32>
    %max3A_19 = arith.maximumf %add3A_17, %max3A_18 : vector<5000x128xf32>
    %get3A_20 = arith.constant 0 : index
    %get3A_21 = arith.constant 0 : index
    %get3A_22 = vector.load %arg4[%get3A_20, %get3A_21] : memref<128x128xf32, #tpu.memory_space<vmem>>, vector<128x128xf32>
    %dot_general3A_23 = arith.constant dense<0.000000e+00> : vector<5000x128xf32>
    %dot_general3A_24 = tpu.matmul %max3A_19, %get3A_22, %dot_general3A_23 {dimension_numbers = #tpu.dot_dimension_numbers<[1], [0], [0], [1], [0, 0, 1, 1], [], []>, transpose_lhs_hint = false} : vector<5000x128xf32>, vector<128x128xf32>, vector<5000x128xf32> -> vector<5000x128xf32>
    %get3A_25 = arith.constant 0 : index
    %get3A_26 = arith.constant 0 : index
    %get3A_27 = vector.load %arg5[%get3A_25, %get3A_26] : memref<1x128xf32, #tpu.memory_space<vmem>>, vector<1x128xf32>
    %add3A_28 = vector.broadcast %get3A_27 : vector<1x128xf32> to vector<5000x128xf32>
    %add3A_29 = arith.addf %dot_general3A_24, %add3A_28 : vector<5000x128xf32>
    %max3A_30 = arith.constant 0.000000e+00 : f32
    %max3A_31 = vector.broadcast %max3A_30 : f32 to vector<5000x128xf32>
    %max3A_32 = arith.maximumf %add3A_29, %max3A_31 : vector<5000x128xf32>
    %get3A_33 = arith.constant 0 : index
    %get3A_34 = arith.constant 0 : index
    %get3A_35 = vector.load %arg6[%get3A_33, %get3A_34] : memref<5000x128xf32, #tpu.memory_space<vmem>>, vector<5000x128xf32>
    %get3A_36 = arith.constant 0 : index
    %get3A_37 = arith.constant 0 : index
    %get3A_38 = vector.load %arg8[%get3A_36, %get3A_37] : memref<384x128xf32, #tpu.memory_space<vmem>>, vector<128x128xf32>
    %dot_general3A_39 = arith.constant dense<0.000000e+00> : vector<5000x128xf32>
    %dot_general3A_40 = tpu.matmul %get3A_35, %get3A_38, %dot_general3A_39 {dimension_numbers = #tpu.dot_dimension_numbers<[1], [0], [0], [1], [0, 0, 1, 1], [], []>, transpose_lhs_hint = false} : vector<5000x128xf32>, vector<128x128xf32>, vector<5000x128xf32> -> vector<5000x128xf32>
    %get3A_41 = arith.constant 0 : index
    %get3A_42 = arith.constant 0 : index
    %get3A_43 = vector.load %arg7[%get3A_41, %get3A_42] : memref<5000x128xf32, #tpu.memory_space<vmem>>, vector<5000x128xf32>
    %get3A_44 = arith.constant 128 : index
    %get3A_45 = arith.constant 0 : index
    %get3A_46 = vector.load %arg8[%get3A_44, %get3A_45] : memref<384x128xf32, #tpu.memory_space<vmem>>, vector<128x128xf32>
    %dot_general3A_47 = arith.constant dense<0.000000e+00> : vector<5000x128xf32>
    %dot_general3A_48 = tpu.matmul %get3A_43, %get3A_46, %dot_general3A_47 {dimension_numbers = #tpu.dot_dimension_numbers<[1], [0], [0], [1], [0, 0, 1, 1], [], []>, transpose_lhs_hint = false} : vector<5000x128xf32>, vector<128x128xf32>, vector<5000x128xf32> -> vector<5000x128xf32>
    %add3A_49 = arith.addf %dot_general3A_40, %dot_general3A_48 : vector<5000x128xf32>
    %get3A_50 = arith.constant 256 : index
    %get3A_51 = arith.constant 0 : index
    %get3A_52 = vector.load %arg8[%get3A_50, %get3A_51] : memref<384x128xf32, #tpu.memory_space<vmem>>, vector<128x128xf32>
    %dot_general3A_53 = arith.constant dense<0.000000e+00> : vector<5000x128xf32>
    %dot_general3A_54 = tpu.matmul %max3A_32, %get3A_52, %dot_general3A_53 {dimension_numbers = #tpu.dot_dimension_numbers<[1], [0], [0], [1], [0, 0, 1, 1], [], []>, transpose_lhs_hint = false} : vector<5000x128xf32>, vector<128x128xf32>, vector<5000x128xf32> -> vector<5000x128xf32>
    %add3A_55 = arith.addf %add3A_49, %dot_general3A_54 : vector<5000x128xf32>
    %get3A_56 = arith.constant 0 : index
    %get3A_57 = arith.constant 0 : index
    %get3A_58 = vector.load %arg9[%get3A_56, %get3A_57] : memref<1x128xf32, #tpu.memory_space<vmem>>, vector<1x128xf32>
    %add3A_59 = vector.broadcast %get3A_58 : vector<1x128xf32> to vector<5000x128xf32>
    %add3A_60 = arith.addf %add3A_55, %add3A_59 : vector<5000x128xf32>
    %get3A_61 = arith.constant 0 : index
    %get3A_62 = arith.constant 0 : index
    %get3A_63 = vector.load %arg10[%get3A_61, %get3A_62] : memref<128x128xf32, #tpu.memory_space<vmem>>, vector<128x128xf32>
    %dot_general3A_64 = arith.constant dense<0.000000e+00> : vector<5000x128xf32>
    %dot_general3A_65 = tpu.matmul %add3A_60, %get3A_63, %dot_general3A_64 {dimension_numbers = #tpu.dot_dimension_numbers<[1], [0], [0], [1], [0, 0, 1, 1], [], []>, transpose_lhs_hint = false} : vector<5000x128xf32>, vector<128x128xf32>, vector<5000x128xf32> -> vector<5000x128xf32>
    %get3A_66 = arith.constant 0 : index
    %get3A_67 = arith.constant 0 : index
    %get3A_68 = vector.load %arg11[%get3A_66, %get3A_67] : memref<1x128xf32, #tpu.memory_space<vmem>>, vector<1x128xf32>
    %add3A_69 = vector.broadcast %get3A_68 : vector<1x128xf32> to vector<5000x128xf32>
    %add3A_70 = arith.addf %dot_general3A_65, %add3A_69 : vector<5000x128xf32>
    %get3A_71 = arith.constant 0 : index
    %get3A_72 = arith.constant 0 : index
    %get3A_73 = vector.load %arg12[%get3A_71, %get3A_72] : memref<1x128xf32, #tpu.memory_space<vmem>>, vector<1x128xf32>
    %get3A_74 = arith.constant 0 : index
    %get3A_75 = arith.constant 0 : index
    %get3A_76 = vector.load %arg15[%get3A_74, %get3A_75] : memref<1x128xf32, #tpu.memory_space<vmem>>, vector<1x128xf32>
    %add3A_77 = arith.constant 9.99999974E-6 : f32
    %add3A_78 = vector.broadcast %add3A_77 : f32 to vector<1x128xf32>
    %add3A_79 = arith.addf %get3A_76, %add3A_78 : vector<1x128xf32>
    %rsqrt3A = math.rsqrt %add3A_79 : vector<1x128xf32>
    %mul3A = arith.mulf %get3A_73, %rsqrt3A : vector<1x128xf32>
    %get3A_80 = arith.constant 0 : index
    %get3A_81 = arith.constant 0 : index
    %get3A_82 = vector.load %arg14[%get3A_80, %get3A_81] : memref<1x128xf32, #tpu.memory_space<vmem>>, vector<1x128xf32>
    %sub3A = vector.broadcast %get3A_82 : vector<1x128xf32> to vector<5000x128xf32>
    %sub3A_83 = arith.subf %add3A_70, %sub3A : vector<5000x128xf32>
    %mul3A_84 = vector.broadcast %mul3A : vector<1x128xf32> to vector<5000x128xf32>
    %mul3A_85 = arith.mulf %sub3A_83, %mul3A_84 : vector<5000x128xf32>
    %get3A_86 = arith.constant 0 : index
    %get3A_87 = arith.constant 0 : index
    %get3A_88 = vector.load %arg13[%get3A_86, %get3A_87] : memref<1x128xf32, #tpu.memory_space<vmem>>, vector<1x128xf32>
    %add3A_89 = vector.broadcast %get3A_88 : vector<1x128xf32> to vector<5000x128xf32>
    %add3A_90 = arith.addf %mul3A_85, %add3A_89 : vector<5000x128xf32>
    %max3A_91 = arith.constant 0.000000e+00 : f32
    %max3A_92 = vector.broadcast %max3A_91 : f32 to vector<5000x128xf32>
    %max3A_93 = arith.maximumf %add3A_90, %max3A_92 : vector<5000x128xf32>
    %get3A_94 = arith.constant 0 : index
    %get3A_95 = arith.constant 0 : index
    %get3A_96 = vector.load %arg16[%get3A_94, %get3A_95] : memref<128x128xf32, #tpu.memory_space<vmem>>, vector<128x128xf32>
    %dot_general3A_97 = arith.constant dense<0.000000e+00> : vector<5000x128xf32>
    %dot_general3A_98 = tpu.matmul %max3A_93, %get3A_96, %dot_general3A_97 {dimension_numbers = #tpu.dot_dimension_numbers<[1], [0], [0], [1], [0, 0, 1, 1], [], []>, transpose_lhs_hint = false} : vector<5000x128xf32>, vector<128x128xf32>, vector<5000x128xf32> -> vector<5000x128xf32>
    %get3A_99 = arith.constant 0 : index
    %get3A_100 = arith.constant 0 : index
    %get3A_101 = vector.load %arg17[%get3A_99, %get3A_100] : memref<1x128xf32, #tpu.memory_space<vmem>>, vector<1x128xf32>
    %add3A_102 = vector.broadcast %get3A_101 : vector<1x128xf32> to vector<5000x128xf32>
    %add3A_103 = arith.addf %dot_general3A_98, %add3A_102 : vector<5000x128xf32>
    %swap3A = arith.constant 0 : index
    %swap3A_104 = arith.constant 0 : index
    %swap3A_105 = vector.load %arg18[%swap3A, %swap3A_104] : memref<5000x128xf32, #tpu.memory_space<vmem>>, vector<5000x128xf32>
    tpu.vector_store %arg18[%swap3A, %swap3A_104], %add3A_103 {strides = array<i32>} : memref<5000x128xf32, #tpu.memory_space<vmem>>, vector<5000x128xf32>,
    return
  }
  func.func @transform_0(%arg0: i32) -> (i32, i32, i32) {
    %c0_i32 = arith.constant 0 : i32
    %c0_i32_0 = arith.constant 0 : i32
    %c0_i32_1 = arith.constant 0 : i32
    return %c0_i32, %arg0, %c0_i32_0 : i32, i32, i32
  }
  func.func @transform_1(%arg0: i32) -> (i32, i32) {
    %c0_i32 = arith.constant 0 : i32
    %c0_i32_0 = arith.constant 0 : i32
    %c0_i32_1 = arith.constant 0 : i32
    return %c0_i32, %c0_i32_0 : i32, i32
  }
  func.func @transform_2(%arg0: i32) -> (i32, i32) {
    %c0_i32 = arith.constant 0 : i32
    %c0_i32_0 = arith.constant 0 : i32
    %c0_i32_1 = arith.constant 0 : i32
    return %c0_i32, %c0_i32_0 : i32, i32
  }
  func.func @transform_3(%arg0: i32) -> (i32, i32) {
    %c0_i32 = arith.constant 0 : i32
    %c0_i32_0 = arith.constant 0 : i32
    %c0_i32_1 = arith.constant 0 : i32
    return %c0_i32, %c0_i32_0 : i32, i32
  }
  func.func @transform_4(%arg0: i32) -> (i32, i32) {
    %c0_i32 = arith.constant 0 : i32
    %c0_i32_0 = arith.constant 0 : i32
    %c0_i32_1 = arith.constant 0 : i32
    return %c0_i32, %c0_i32_0 : i32, i32
  }
  func.func @transform_5(%arg0: i32) -> (i32, i32) {
    %c0_i32 = arith.constant 0 : i32
    %c0_i32_0 = arith.constant 0 : i32
    return %arg0, %c0_i32 : i32, i32
  }
  func.func @transform_6(%arg0: i32) -> (i32, i32) {
    %c0_i32 = arith.constant 0 : i32
    %c0_i32_0 = arith.constant 0 : i32
    return %arg0, %c0_i32 : i32, i32
  }
  func.func @transform_7(%arg0: i32) -> (i32, i32) {
    %c0_i32 = arith.constant 0 : i32
    %c0_i32_0 = arith.constant 0 : i32
    %c0_i32_1 = arith.constant 0 : i32
    return %c0_i32, %c0_i32_0 : i32, i32
  }
  func.func @transform_8(%arg0: i32) -> (i32, i32) {
    %c0_i32 = arith.constant 0 : i32
    %c0_i32_0 = arith.constant 0 : i32
    %c0_i32_1 = arith.constant 0 : i32
    return %c0_i32, %c0_i32_0 : i32, i32
  }
  func.func @transform_9(%arg0: i32) -> (i32, i32) {
    %c0_i32 = arith.constant 0 : i32
    %c0_i32_0 = arith.constant 0 : i32
    %c0_i32_1 = arith.constant 0 : i32
    return %c0_i32, %c0_i32_0 : i32, i32
  }
  func.func @transform_10(%arg0: i32) -> (i32, i32) {
    %c0_i32 = arith.constant 0 : i32
    %c0_i32_0 = arith.constant 0 : i32
    %c0_i32_1 = arith.constant 0 : i32
    return %c0_i32, %c0_i32_0 : i32, i32
  }
  func.func @transform_11(%arg0: i32) -> (i32, i32) {
    %c0_i32 = arith.constant 0 : i32
    %c0_i32_0 = arith.constant 0 : i32
    %c0_i32_1 = arith.constant 0 : i32
    return %c0_i32, %c0_i32_0 : i32, i32
  }
  func.func @transform_12(%arg0: i32) -> (i32, i32) {
    %c0_i32 = arith.constant 0 : i32
    %c0_i32_0 = arith.constant 0 : i32
    %c0_i32_1 = arith.constant 0 : i32
    return %c0_i32, %c0_i32_0 : i32, i32
  }
  func.func @transform_13(%arg0: i32) -> (i32, i32) {
    %c0_i32 = arith.constant 0 : i32
    %c0_i32_0 = arith.constant 0 : i32
    %c0_i32_1 = arith.constant 0 : i32
    return %c0_i32, %c0_i32_0 : i32, i32
  }
  func.func @transform_14(%arg0: i32) -> (i32, i32) {
    %c0_i32 = arith.constant 0 : i32
    %c0_i32_0 = arith.constant 0 : i32
    %c0_i32_1 = arith.constant 0 : i32
    return %c0_i32, %c0_i32_0 : i32, i32
  }
  func.func @transform_15(%arg0: i32) -> (i32, i32) {
    %c0_i32 = arith.constant 0 : i32
    %c0_i32_0 = arith.constant 0 : i32
    %c0_i32_1 = arith.constant 0 : i32
    return %c0_i32, %c0_i32_0 : i32, i32
  }
  func.func @transform_16(%arg0: i32) -> (i32, i32) {
    %c0_i32 = arith.constant 0 : i32
    %c0_i32_0 = arith.constant 0 : i32
    %c0_i32_1 = arith.constant 0 : i32
    return %c0_i32, %c0_i32_0 : i32, i32
  }
  func.func @transform_17(%arg0: i32) -> (i32, i32) {
    %c0_i32 = arith.constant 0 : i32
    %c0_i32_0 = arith.constant 0 : i32
    return %arg0, %c0_i32 : i32, i32
  }
}

</mosaic_0001>

<sc_bundles>
// kernel: kernel.11.cloned.1.call-start
scs
__scs_entry_jumppad:
0x0: {  	(pc) =	sbr.rel $0x88, $3  }
0x1: {  	(tag) =	ssettag $0x0;
	lr =	simm.s32 $0x1  }
0x2: {  	[smem:$0x3F89] =	sst lr;
	_ =	strace $0xD0000000  }
0x3: {  	_ = 	snop  }
0x4: {  	_ = 	snop  }
0x5: {  	_ = 	snop  }
0x6: {  	_ = 	snop  }
0x7: {  	_ = 	snop  }
__scs_overlays_trampoline_lowered:
0x8: {  	[smem:$0x3F98] =	sst s0  }
0x9: {  	[smem:$0x3F99] =	sst s1  }
0xa: {  	[smem:$0x3F9A] =	sst s2  }
0xb: {  	[smem:$0x3F9B] =	sst s3  }
0xc: {  	[smem:$0x3F9C] =	sst s4  }
0xd: {  	[smem:$0x3F9D] =	sst s5  }
0xe: {  	[smem:$0x3F9E] =	sst s6  }
0xf: {  	[smem:$0x3F9F] =	sst s7  }
0x10: {  	[smem:$0x3FA0] =	sst s8  }
0x11: {  	[smem:$0x3FA1] =	sst s9;
	s0 =	simm.s32 @!p0 $0x0  }
0x12: {  	s1 =	sld [smem:$0x3F87];
	s0 =	simm.s32 @p0 $0x1  }
0x13: {  	[smem:$0x3FA2] =	sst s0;
	s0 =	simm.s32 @!p1 $0x0  }
0x14: {  	s2 =	sld [smem:$0x3F86];
	s0 =	simm.s32 @p1 $0x1  }
0x15: {  	[smem:$0x3FA3] =	sst s0;
	s0 =	simm.s32 @!p2 $0x0  }
0x16: {  	s3 =	sld [smem:$0x3FDB];
	s0 =	simm.s32 @p2 $0x1  }
0x17: {  	s4 =	simm.s32 $0x1BF5;
	[smem:$0x3FA5] =	sst s0  }
0x18: {  	s0 =	sld [smem:$0x3F88];
	_ =	swait.ge [sflag:s4], $0x0  }
0x19: {  	s7 =	sld [smem:$0x3F89]  }
0x1a: {  	s8 =	sadd.s32 $0xFFFFE003, lr  }
0x1b: {  	s9 =	sadd.s32 $0xFFFFFEF7, lr;
	s5 =	simm.s32 $0xFFFFFFFF;
	p2 =	slt.u32 s8, $0xFFFFF086  }
0x1c: {  	p1 =	slt.u32 s9, $0xF7A;
	s5 =	simm.s32 @!p2 $0x0  }
0x1d: {  	s5 =	simm.s32 @p1 $0x1;
	p0 =	seq.s32 s7, s2  }
0x1e: {  	s7 =	smul.u32 @!p0 $0xF7A, s2;
	p2 =	seq.s32 @!p0 s5, $0x0  }
0x1f: {  	s9 =	smul.u32 $0xF7A, s1;
	s8 =	simm.s32 @!p0 $0x1BF5;
	p2 =	por !p2, p0  }
0x20: {  	[sflag:s8] =	ssyncset.s32 @!p0 $0xFFFFF086;
	s6 =	sadd.s32 @!p0 s3, s7;
	s7 =	simm.s32 @!p0 $0x108  }
0x21: {  	s3 =	sadd.s32 s3, s9;
	s6 =	sadd.s32 @!p0 $0x88, s6;
	s7 =	simm.s32 @p2 $0x1082  }
0x22: {  	[simem:s7], [sflag:s8] =	dma.local @!p0 [hbm:s6], $0xF7A  }
0x23: {  	s9 =	sor.u32 $0xD0000000, s2;
	s6 =	simm.s32 $0x108;
	_ =	swait.ge @!p0 [sflag:s8], $0x0  }
0x24: {  	s3 =	sadd.s32 $0x88, s3;
	s6 =	simm.s32 @!p1 $0x1082;
	[sflag:s4] =	ssyncset.s32 $0xFFFFF086  }
0x25: {  	[simem:s6], [sflag:s4] =	dma.local [hbm:s3], $0xF7A  }
0x26: {  	[smem:$0x3F89] =	sst s1;
	(tag) =	ssettag s2;
	_ =	strace s9  }
0x27: {  	s1 =	sld [smem:$0x3F99]  }
0x28: {  	s2 =	sld [smem:$0x3F9A]  }
0x29: {  	s4 =	sld [smem:$0x3F9C]  }
0x2a: {  	p0 =	seq.s32 s5, $0x0;
	s5 =	sld [smem:$0x3F9D]  }
0x2b: {  	s6 =	sld [smem:$0x3F9E]  }
0x2c: {  	s7 =	sld [smem:$0x3F9F]  }
0x2d: {  	s3 =	simm.s32 $0x108;
	s8 =	sld [smem:$0x3FA0]  }
0x2e: {  	s3 =	simm.s32 @!p0 $0x1082;
	s9 =	sld [smem:$0x3FA1]  }
0x2f: {  	lr =	sadd.s32 s0, s3;
	s0 =	sld [smem:$0x3F98]  }
0x30: {  	s3 =	sld [smem:$0x3F9B]  }
0x31: {  	[smem:$0x3FA4] =	sst s10  }
0x32: {  	s10 =	sld [smem:$0x3FA2];
	_ =	sdelay $0x3  }
0x33: {  	p0 =	seq.s32 s10, $0x1;
	s10 =	sld [smem:$0x3FA4];
	_ =	sdelay $0x3  }
0x34: {  	[smem:$0x3FA4] =	sst s10  }
0x35: {  	s10 =	sld [smem:$0x3FA3];
	_ =	sdelay $0x3  }
0x36: {  	p1 =	seq.s32 s10, $0x1;
	s10 =	sld [smem:$0x3FA4];
	_ =	sdelay $0x3  }
0x37: {  	[smem:$0x3FA4] =	sst s10  }
0x38: {  	s10 =	sld [smem:$0x3FA5]  }
0x39: {  	_ = 	snop;
	(pc) =	sbr.ind lr, $3  }
0x3a: {  	_ = 	snop  }
0x3b: {  	_ = 	snop  }
0x3c: {  	p2 =	seq.s32 s10, $0x1;
	s10 =	sld [smem:$0x3FA4]  }
0x3d: {  	_ =	shalt  }
0x3e: {  	_ =	shalt  }
0x3f: {  	_ =	shalt  }
0x40: {  	_ =	shalt  }
0x41: {  	_ =	shalt  }
0x42: {  	_ =	shalt  }
0x43: {  	_ =	shalt  }
0x44: {  	_ =	shalt  }
0x45: {  	_ =	shalt  }
0x46: {  	_ =	shalt  }
0x47: {  	_ =	shalt  }
0x48: {  	_ =	shalt  }
0x49: {  	_ =	shalt  }
0x4a: {  	_ =	shalt  }
0x4b: {  	_ =	shalt  }
0x4c: {  	_ =	shalt  }
0x4d: {  	_ =	shalt  }
0x4e: {  	_ =	shalt  }
0x4f: {  	_ =	shalt  }
0x50: {  	_ =	shalt  }
0x51: {  	_ =	shalt  }
0x52: {  	_ =	shalt  }
0x53: {  	_ =	shalt  }
0x54: {  	_ =	shalt  }
0x55: {  	_ =	shalt  }
0x56: {  	_ =	shalt  }
0x57: {  	_ =	shalt  }
0x58: {  	_ =	shalt  }
0x59: {  	_ =	shalt  }
0x5a: {  	_ =	shalt  }
0x5b: {  	_ =	shalt  }
0x5c: {  	_ =	shalt  }
0x5d: {  	_ =	shalt  }
0x5e: {  	_ =	shalt  }
0x5f: {  	_ =	shalt  }
0x60: {  	_ =	shalt  }
0x61: {  	_ =	shalt  }
0x62: {  	_ =	shalt  }
0x63: {  	_ =	shalt  }
0x64: {  	_ =	shalt  }
0x65: {  	_ =	shalt  }
0x66: {  	_ =	shalt  }
0x67: {  	_ =	shalt  }
0x68: {  	_ =	shalt  }
0x69: {  	_ =	shalt  }
0x6a: {  	_ =	shalt  }
0x6b: {  	_ =	shalt  }
0x6c: {  	_ =	shalt  }
0x6d: {  	_ =	shalt  }
0x6e: {  	_ =	shalt  }
0x6f: {  	_ =	shalt  }
0x70: {  	_ =	shalt  }
0x71: {  	_ =	shalt  }
0x72: {  	_ =	shalt  }
0x73: {  	_ =	shalt  }
0x74: {  	_ =	shalt  }
0x75: {  	_ =	shalt  }
0x76: {  	_ =	shalt  }
0x77: {  	_ =	shalt  }
0x78: {  	_ =	shalt  }
0x79: {  	_ =	shalt  }
0x7a: {  	_ =	shalt  }
0x7b: {  	_ =	shalt  }
0x7c: {  	_ =	shalt  }
0x7d: {  	_ =	shalt  }
0x7e: {  	_ =	shalt  }
0x7f: {  	_ =	shalt  }
0x80: {  	_ =	shalt  }
0x81: {  	_ =	shalt  }
0x82: {  	_ =	shalt  }
0x83: {  	_ =	shalt  }
0x84: {  	_ =	shalt  }
0x85: {  	_ =	shalt  }
0x86: {  	_ =	shalt  }
0x87: {  	_ =	shalt  }
.Lfunc_end0:
.L_simem_size_0:
called_computation.1_lowered:
.L_overlay_start_0:
0x88: {  	s2 =	sld [smem:$0x3FD9]  }
0x89: {  	s3 =	sld [smem:$0x3FFE];
	_ =	sdelay $0x1  }
0x8a: {  	s1 =	srdreg.scid  }
0x8b: {  	s0 =	sand.u32 $0x1, s1  }
0x8c: {  	s17 =	sshll.u32 s0, $0xA;
	s2 =	sadd.s32 s3, s2  }
0x8d: {  	s2 =	sadd.s32 s2, s17  }
0x8e: {  	[smem:$0x3FB0] =	sst s2  }
0x8f: {  	_ = 	snop  }
0x90: {  	s2 =	sld [smem:$0x3FD0];
	(tm) =	ssettm $0x1  }
0x91: {  	s18 =	sld [smem:$0x3FFB];
	_ =	sdelay $0x3  }
0x92: {  	_ =	strace s18  }
0x93: {  	s3 =	sld [smem:$0x3FFC];
	_ =	sdelay $0x3  }
0x94: {  	_ =	strace s3  }
0x95: {  	s3 =	sld [smem:$0x3FFD];
	_ =	sdelay $0x3  }
0x96: {  	_ =	strace s3  }
0x97: {  	_ =	strace $0x8FFFFFFF  }
0x98: {  	s19 =	sld [smem:$0x3FDB];
	_ =	sdelay $0x1  }
0x99: {  	s4 =	simm.s32 $_scs_section_size  }
0x9a: {  	s5 =	simm.s32 $_size__tile_overlayer_lowered;
	s6 =	simm.s32 $_tile_overlayer_lowered  }
0x9b: {  	s22 =	simm.s32 $0x1BFF;
	s21 =	sshll.u32 s6, $0x1;
	s3 =	sadd.s32 s4, s19  }
0x9c: {  	s7 =	simm.s32 $0x0;
	s20 =	sshll.u32 s5, $0x1;
	s5 =	sadd.s32 s21, s3  }
0x9d: {  	[timem:s7], [sflag:s22] =	dma.local [hbm:s5], s20  }
0x9e: {  	_ =	swait.ge [sflag:s22], s20  }
0x9f: {  	s4 =	ssub.s32 $0x0, s20;
	[sflag:s22] =	ssyncset.done $0x0  }
0xa0: {  	[sflag:s22] =	ssyncadd.s32 s4;
	_ =	sdelay $0x1  }
0xa1: {  	s23 =	simm.s32 $0x1B8B  }
0xa2: {  	_ =	swait.ge [sflag:s23], $0x1  }
0xa3: {  	[sflag:s23] =	ssyncset.done $0x0  }
0xa4: {  	s25 =	simm.s32 $0x1B8E;
	s24 =	sld [smem:$0x3FFE];
	[sflag:s23] =	ssyncadd.s32 $0xFFFFFFFF  }
0xa5: {  	s26 =	simm.s32 $execute0_lowered;
	[smem:$0x3FD2] =	sst s25  }
0xa6: {  	s5 =	sshll.u32 s26, $0x1;
	_ =	strace $0x80000049;
	[dreg:$0x1] =	wrdreg $0xFFFFFFFF  }
0xa7: {  	s28 =	simm.s32 $_size_execute0_lowered;
	s3 =	sadd.s32 s3, s5;
	[dreg:$0x0] =	wrdreg $0x0  }
0xa8: {  	s5 =	sshll.u32 s28, $0x1;
	[dreg:$0x2] =	wrdreg s3  }
0xa9: {  	[dreg:$0x3] =	wrdreg s5  }
0xaa: {  	[dreg:$0x4] =	wrdreg $0xC0  }
0xab: {  	_ =	task [dreg:s7], $0x5FFFF  }
0xac: {  	[dreg:$0x1] =	wrdreg $0xFFFFFFFF  }
0xad: {  	[dreg:$0x0] =	wrdreg $0x60  }
0xae: {  	[dreg:$0x2] =	wrdreg s2  }
0xaf: {  	[dreg:$0x3] =	wrdreg s24  }
0xb0: {  	[dreg:$0x4] =	wrdreg $0xA8000  }
0xb1: {  	[dreg:$0x5] =	wrdreg $0x9  }
0xb2: {  	_ =	task.clear_ibuf [dreg:s7], $0x6FFFF;
	_ =	strace $0x90000049  }
0xb3: {  	s29 =	simm.s32 $0x9;
	_ =	strace $0x8000004B  }
0xb4: {  	_ =	swait.ge [sflag:s29], $0x1  }
0xb5: {  	[sflag:s29] =	ssyncadd.s32 $0xFFFFFFFF  }
0xb6: {  	_ =	strace $0x9000004B  }
0xb7: {  	_ =	sfence  }
0xb8: {  	s30 =	sld [smem:$0x0];
	_ =	sdelay $0x2  }
0xb9: {  	s31 =	sshll.u32 s1, $0xD;
	s1 =	sshrl.u32 s1, $0x2  }
0xba: {  	s3 =	sand.u32 $0x4000, s31;
	s1 =	sadd.s32 s1, s30  }
0xbb: {  	s0 =	sor.u32 s3, s0;
	s1 =	sshll.u32 s1, $0x11  }
0xbc: {  	s0 =	sor.u32 s1, s0  }
0xbd: {  	s0 =	sadd.s32 $0x8F2B, s0  }
0xbe: {  	[sflag:s0] =	ssyncadd.remote.s32 $0x1  }
0xbf: {  	_ =	sfence.sel $0xFFFF  }
0xc0: {  	[dreg:$0x0] =	wrdreg $0xFFFFFFFF;
	(pc) =	sbr.abs _section_cstart, $3  }
0xc1: {  	[dreg:$0x1] =	wrdreg $0xFFFFFFFF  }
0xc2: {  	_ =	task.clear_ibuf [dreg:s7], $0x2FFFF;
	_ =	strace $0x9FFFFFFF  }
0xc3: {  	(tm) =	ssettm $0x7FFFFFFF  }
tec
execute0_lowered:
.L_overlay_start_1:
0x0: {  	(tag) =	ssettag $0x1  }
0x1: {  	s2 =	rddreg [dreg:$0x0]  }
0x2: {  	s0 =	srdreg.scid;
	s6 =	rddreg [dreg:$0x1]  }
0x3: {  	s18 =	stileid.u32;
	s3 =	rddreg [dreg:$0x2];
	s4 =	simm.s32 $0x0  }
0x4: {  	s20 =	simm.s32 $0x4;
	s21 =	simm.s32 $0x1400;
	s28 =	simm.s32 $0x2  }
0x5: {  	s29 =	simm.s32 $0x2700;
	s30 =	simm.s32 $0x2780;
	s31 =	simm.s32 $0x0  }
0x6: {  	s0 =	sand.u32 $0x1, s0;
	s1 =	sshll.u32 s18, $0x1;
	s7 =	smul.u32 $0x14000, s18  }
0x7: {  	[smem:$0x7FF] =	sst s4;
	s22 =	sadd.s32 $0x18C00, s6;
	s24 =	smul.u32 $0x50000, s18  }
0x8: {  	p1 =	sne.s32 s18, $0xF;
	p2 =	seq.s32 s18, $0xF;
	s26 =	smul.u32 $0x2800, s18  }
0x9: {  	s17 =	sadd.s32 $0x12C000, s3;
	s1 =	sor.u32 s0, s1;
	s5 =	smul.u32 $0x140000, s0  }
0xa: {  	_ =	strace $0x8000004A;
	[dreg:$0x4] =	wrdreg s22;
	s8 =	ssub.s32 $0x2, s0  }
0xb: {  	p0 =	seq.s32 s0, $0x0;
	s22 =	simm.s32 $0x7D;
	s1 =	smul.u32 $0x2800, s1  }
0xc: {  	s23 =	sshrl.u32 s8, $0x1;
	p1 =	por !p0, !p1;
	p2 =	por !p0, !p2  }
0xd: {  	s25 =	sshrl.u32 s24, $0x2;
	s24 =	simm.s32 $0x80;
	s7 =	sadd.s32 s7, s5  }
0xe: {  	s14 =	ssub.s32 s8, s23;
	p1 =	por !p1, !p1;
	p4 =	por !p2, !p2  }
0xf: {  	s8 =	sadd.s32 s2, s26;
	s23 =	simm.s32 $0x2800;
	s26 =	simm.s32 $0x1  }
0x10: {  	s1 =	sshrl.u32 s1, $0x3;
	s7 =	sshrl.u32 s7, $0x3;
	p2 =	por p4, p1  }
0x11: {  	s14 =	smax.u32 s14, $0x1;
	s1 =	sadd.s32 s1, s6;
	s13 =	sadd.s32 s7, s6  }
0x12: {  	s6 =	sadd.s32 s25, s3;
	s7 =	sadd.s32 $0x25800, s2;
	s5 =	simm.s32 @!p2 $0x0  }
0x13: {  	p5 =	seq.s32 @!p2 s0, $0x0;
	s25 =	simm.s32 $0x6800;
	s5 =	simm.s32 @p2 $0x1  }
0x14: {  	s9 =	sadd.s32 $0x4C00, s1;
	p3 =	por @!p1 p5, p4;
	s10 =	sadd.s32 $0xEC00, s1  }
0x15: {  	s11 =	sadd.s32 $0x4E80, s1;
	s12 =	sadd.s32 $0xEE80, s1;
	s13 =	sadd.s32 $0x1B400, s13  }
0x16: {  	p5 =	por @!p1 !p5, p4;
	p4 =	por !p4, p1;
	p3 =	por p3, p1  }
0x17: {  	s19 =	sshrl.u32 @p1 s6, $0x3;
	[smem:$0x7FD] =	sst s5;
	s0 =	sshll.u32 @!p3 s18, $0x6  }
0x18: {  	p5 =	por !p5, p1;
	s15 =	sor.u32 @!p3 $0x1C03, s0;
	s0 =	sshll.u32 @p1 s18, $0x6  }
0x19: {  	s17 =	sshrl.u32 @!p4 s17, $0x3;
	s16 =	sshrl.u32 @!p3 s6, $0x3;
	s18 =	sor.u32 @p1 $0x1C03, s0  }
.LBB2_1:
0x1a: {  	s0 =	rddreg [dreg:$0x4]  }
0x1b: {  	[spmem:s16], [sflag:s15] =	dma.local @!p3 [hbm:s0], $0x2800  }
0x1c: {  	s0 =	simm.s32 @!p4 $0x1FC3  }
0x1d: {  	[spmem:s17], [sflag:s0] =	dma.local @!p4 [hbm:s7], $0x1900  }
0x1e: {  	[spmem:s19], [sflag:s18] =	dma.local @p1 [hbm:s8], $0x2800  }
0x1f: {  	[tilespmem:s4], [sflag:$0x4] =	stream.linear.gather [hbm4b:s9+s4], $0x1400, $0x38;
	[tilespmem:$0x1E800] =	vst v63  }
0x20: {  	_ =	swait.ge [sflag:s20], $0x1400  }
0x21: {  	[sflag:s20] =	ssyncset.done $0x0  }
0x22: {  	[sflag:s20] =	ssyncadd.s32 $0xFFFFEC00  }
0x23: {  	[tilespmem:s21], [sflag:$0x4] =	stream.linear.gather [hbm4b:s10+s4], $0x1400, $0x38;
	[tilespmem:$0x1E800] =	vst v63  }
0x24: {  	_ =	swait.ge [sflag:s20], $0x1400  }
0x25: {  	[sflag:s20] =	ssyncset.done $0x0;
	s1 =	sld [smem:$0x7FD]  }
0x26: {  	[sflag:s20] =	ssyncadd.s32 $0xFFFFEC00  }
0x27: {  	[tilespmem:s23], [sflag:$0x1] =	stream.indirect.gather [hbm4b:s2+s22], $0x80, s4, s22, $0xb8;
	[tilespmem:$0x1E800] =	vst v63  }
0x28: {  	p2 =	seq.s32 s1, $0x1  }
0x29: {  	p6 =	por @!p2 $0x0, $0x0;
	p2 =	por @!p3 $0x0, $0x0  }
0x2a: {  	[tilespmem:s25], [sflag:$0x2] =	stream.indirect.gather [hbm4b:s2+s22], $0x80, s24, s22, $0xb8;
	[tilespmem:$0x1E800] =	vst v63  }
0x2b: {  	s0 =	simm.s32 @p1 $0x3;
	p6 =	por @!p5 p2, p2;
	p2 =	por @!p4 $0x1, $0x1  }
0x2c: {  	_ =	swait.ge @p1 [sflag:s0], $0x2800;
	p6 =	por @!p4 p2, p2;
	p2 =	por @p1 $0x0, $0x0  }
0x2d: {  	[sflag:s0] =	ssyncset.done @p1 $0x0;
	p2 =	por @!p1 p6, p6  }
0x2e: {  	[sflag:s0] =	ssyncadd.s32 @p1 $0xFFFFD800;
	s0 =	simm.s32 @p2 $0x3  }
0x2f: {  	_ =	swait.ge @p2 [sflag:s0], $0x1900  }
0x30: {  	[sflag:s0] =	ssyncset.done @p2 $0x0  }
0x31: {  	[sflag:s0] =	ssyncadd.s32 @p2 $0xFFFFE700;
	s0 =	simm.s32 @!p0 $0x3  }
0x32: {  	_ =	swait.ge @!p0 [sflag:s0], $0x2800  }
0x33: {  	[sflag:s0] =	ssyncset.done @!p0 $0x0  }
0x34: {  	[sflag:s0] =	ssyncadd.s32 @!p0 $0xFFFFD800  }
0x35: {  	[bflag:$0x0] =	sbarrier.arrive $0xFFFF  }
0x36: {  	_ =	swait.ge [sflag:s26], $0x3E80  }
0x37: {  	[sflag:s26] =	ssyncset.done $0x0  }
0x38: {  	s5 =	simm.s32 $0x1400;
	[sflag:s26] =	ssyncadd.s32 $0xFFFFC180  }
0x39: {  	[spmem:s3] =	stream.indirect.scatter.add.f32 [tilespmem:s23], [sflag:$0x4], $0x80, s5, s22, $0xb8;
	[tilespmem:$0x1E800] =	vst v63  }
0x3a: {  	_ =	swait.ge [sflag:s20], $0x3E80  }
0x3b: {  	[sflag:s20] =	ssyncset.done $0x0  }
0x3c: {  	s1 =	simm.s32 $0x100;
	[sflag:s20] =	ssyncadd.s32 $0xFFFFC180  }
0x3d: {  	[tilespmem:s23], [sflag:$0x1] =	stream.indirect.gather [hbm4b:s2+s22], $0x80, s1, s22, $0xb8;
	[tilespmem:$0x1E800] =	vst v63  }
0x3e: {  	_ =	swait.ge [sflag:s28], $0x3E80  }
0x3f: {  	[sflag:s28] =	ssyncset.done $0x0  }
0x40: {  	s5 =	simm.s32 $0x1480;
	[sflag:s28] =	ssyncadd.s32 $0xFFFFC180  }
0x41: {  	[spmem:s3] =	stream.indirect.scatter.add.f32 [tilespmem:s25], [sflag:$0x4], $0x80, s5, s22, $0xb8;
	[tilespmem:$0x1E800] =	vst v63  }
0x42: {  	_ =	swait.ge [sflag:s20], $0x3E80  }
0x43: {  	[sflag:s20] =	ssyncset.done $0x0  }
0x44: {  	s0 =	simm.s32 $0x180;
	s1 =	simm.s32 $0x400;
	[sflag:s20] =	ssyncadd.s32 $0xFFFFC180  }
.LBB2_2:
0x45: {  	[tilespmem:s25], [sflag:$0x2] =	stream.indirect.gather [hbm4b:s2+s22], $0x80, s0, s22, $0xb8;
	[tilespmem:$0x1E800] =	vst v63  }
0x46: {  	s0 =	smov.u32 s1  }
0x47: {  	p6 =	sne.s32 s1, $0x4800;
	s1 =	sadd.s32 $0x400, s1;
	_ =	swait.ge [sflag:s26], $0x3E80  }
0x48: {  	s0 =	sshra.s32 s0, $0x2;
	[sflag:s26] =	ssyncset.done $0x0  }
0x49: {  	s5 =	sadd.s32 $0x1400, s0;
	[sflag:s26] =	ssyncadd.s32 $0xFFFFC180  }
0x4a: {  	[spmem:s3] =	stream.indirect.scatter.add.f32 [tilespmem:s23], [sflag:$0x4], $0x80, s5, s22, $0xb8;
	[tilespmem:$0x1E800] =	vst v63  }
0x4b: {  	_ =	swait.ge [sflag:s20], $0x3E80  }
0x4c: {  	[sflag:s20] =	ssyncset.done $0x0  }
0x4d: {  	s5 =	sadd.s32 $0x100, s0;
	[sflag:s20] =	ssyncadd.s32 $0xFFFFC180  }
0x4e: {  	[tilespmem:s23], [sflag:$0x1] =	stream.indirect.gather [hbm4b:s2+s22], $0x80, s5, s22, $0xb8;
	[tilespmem:$0x1E800] =	vst v63  }
0x4f: {  	_ =	swait.ge [sflag:s28], $0x3E80  }
0x50: {  	[sflag:s28] =	ssyncset.done $0x0  }
.Ltmp0:
0x51: {  	s5 =	sadd.s32 $0x1480, s0;
	[sflag:s28] =	ssyncadd.s32 $0xFFFFC180;
	(pc) =	sbr.rel @p6 .LBB2_2-.Ltmp0, $4  }
0x52: {  	[spmem:s3] =	stream.indirect.scatter.add.f32 [tilespmem:s25], [sflag:$0x4], $0x80, s5, s22, $0xb8;
	[tilespmem:$0x1E800] =	vst v63  }
0x53: {  	_ =	swait.ge [sflag:s20], $0x3E80  }
0x54: {  	[sflag:s20] =	ssyncset.done $0x0  }
0x55: {  	s0 =	sadd.s32 $0x180, s0;
	[sflag:s20] =	ssyncadd.s32 $0xFFFFC180  }
0x56: {  	[tilespmem:s25], [sflag:$0x2] =	stream.indirect.gather [hbm4b:s2+s22], $0x80, s0, s22, $0xb8;
	[tilespmem:$0x1E800] =	vst v63  }
0x57: {  	_ =	swait.ge [sflag:s26], $0x3E80  }
0x58: {  	[sflag:s26] =	ssyncset.done $0x0  }
0x59: {  	[sflag:s26] =	ssyncadd.s32 $0xFFFFC180  }
0x5a: {  	[spmem:s3] =	stream.indirect.scatter.add.f32 [tilespmem:s23], [sflag:$0x4], $0x80, s29, s22, $0xb8;
	[tilespmem:$0x1E800] =	vst v63  }
0x5b: {  	_ =	swait.ge [sflag:s20], $0x3E80  }
0x5c: {  	[sflag:s20] =	ssyncset.done $0x0  }
0x5d: {  	[sflag:s20] =	ssyncadd.s32 $0xFFFFC180  }
0x5e: {  	_ =	swait.ge [sflag:s28], $0x3E80  }
0x5f: {  	[sflag:s28] =	ssyncset.done $0x0  }
0x60: {  	[sflag:s28] =	ssyncadd.s32 $0xFFFFC180  }
0x61: {  	[spmem:s3] =	stream.indirect.scatter.add.f32 [tilespmem:s25], [sflag:$0x4], $0x80, s30, s22, $0xb8;
	[tilespmem:$0x1E800] =	vst v63  }
0x62: {  	_ =	swait.ge [sflag:s20], $0x3E80  }
0x63: {  	[sflag:s20] =	ssyncset.done $0x0  }
0x64: {  	s1 =	simm.s32 $0x0;
	[sflag:s20] =	ssyncadd.s32 $0xFFFFC180  }
0x65: {  	[tilespmem:s1], [sflag:$0x4] =	stream.linear.gather [hbm4b:s11+s1], $0x1400, $0x38;
	[tilespmem:$0x1E800] =	vst v63  }
0x66: {  	_ =	swait.ge [sflag:s20], $0x1400  }
0x67: {  	[sflag:s20] =	ssyncset.done $0x0  }
0x68: {  	[sflag:s20] =	ssyncadd.s32 $0xFFFFEC00  }
0x69: {  	[tilespmem:s21], [sflag:$0x4] =	stream.linear.gather [hbm4b:s12+s1], $0x1400, $0x38;
	[tilespmem:$0x1E800] =	vst v63  }
0x6a: {  	_ =	swait.ge [sflag:s20], $0x1400  }
0x6b: {  	[sflag:s20] =	ssyncset.done $0x0  }
0x6c: {  	[sflag:s20] =	ssyncadd.s32 $0xFFFFEC00  }
0x6d: {  	[tilespmem:s23], [sflag:$0x1] =	stream.indirect.gather [hbm4b:s2+s22], $0x80, s1, s22, $0xb8;
	[tilespmem:$0x1E800] =	vst v63  }
0x6e: {  	_ = 	snop  }
0x6f: {  	[tilespmem:s25], [sflag:$0x2] =	stream.indirect.gather [hbm4b:s2+s22], $0x80, s24, s22, $0xb8;
	[tilespmem:$0x1E800] =	vst v63  }
0x70: {  	_ =	swait.ge [sflag:s26], $0x3E80  }
0x71: {  	[sflag:s26] =	ssyncset.done $0x0  }
0x72: {  	s5 =	simm.s32 $0x1400;
	[sflag:s26] =	ssyncadd.s32 $0xFFFFC180  }
0x73: {  	[spmem:s3] =	stream.indirect.scatter.add.f32 [tilespmem:s23], [sflag:$0x4], $0x80, s5, s22, $0xb8;
	[tilespmem:$0x1E800] =	vst v63  }
0x74: {  	_ =	swait.ge [sflag:s20], $0x3E80  }
0x75: {  	[sflag:s20] =	ssyncset.done $0x0  }
0x76: {  	s1 =	simm.s32 $0x100;
	[sflag:s20] =	ssyncadd.s32 $0xFFFFC180  }
0x77: {  	[tilespmem:s23], [sflag:$0x1] =	stream.indirect.gather [hbm4b:s2+s22], $0x80, s1, s22, $0xb8;
	[tilespmem:$0x1E800] =	vst v63  }
0x78: {  	_ =	swait.ge [sflag:s28], $0x3E80  }
0x79: {  	[sflag:s28] =	ssyncset.done $0x0  }
0x7a: {  	s5 =	simm.s32 $0x1480;
	[sflag:s28] =	ssyncadd.s32 $0xFFFFC180  }
0x7b: {  	[spmem:s3] =	stream.indirect.scatter.add.f32 [tilespmem:s25], [sflag:$0x4], $0x80, s5, s22, $0xb8;
	[tilespmem:$0x1E800] =	vst v63  }
0x7c: {  	_ =	swait.ge [sflag:s20], $0x3E80  }
0x7d: {  	[sflag:s20] =	ssyncset.done $0x0  }
0x7e: {  	s0 =	simm.s32 $0x180;
	s1 =	simm.s32 $0x400;
	[sflag:s20] =	ssyncadd.s32 $0xFFFFC180  }
.LBB2_4:
0x7f: {  	[tilespmem:s25], [sflag:$0x2] =	stream.indirect.gather [hbm4b:s2+s22], $0x80, s0, s22, $0xb8;
	[tilespmem:$0x1E800] =	vst v63  }
0x80: {  	s0 =	smov.u32 s1  }
0x81: {  	p6 =	sne.s32 s1, $0x4800;
	s1 =	sadd.s32 $0x400, s1;
	_ =	swait.ge [sflag:s26], $0x3E80  }
0x82: {  	s0 =	sshra.s32 s0, $0x2;
	[sflag:s26] =	ssyncset.done $0x0  }
0x83: {  	s5 =	sadd.s32 $0x1400, s0;
	[sflag:s26] =	ssyncadd.s32 $0xFFFFC180  }
0x84: {  	[spmem:s3] =	stream.indirect.scatter.add.f32 [tilespmem:s23], [sflag:$0x4], $0x80, s5, s22, $0xb8;
	[tilespmem:$0x1E800] =	vst v63  }
0x85: {  	_ =	swait.ge [sflag:s20], $0x3E80  }
0x86: {  	[sflag:s20] =	ssyncset.done $0x0  }
0x87: {  	s5 =	sadd.s32 $0x100, s0;
	[sflag:s20] =	ssyncadd.s32 $0xFFFFC180  }
0x88: {  	[tilespmem:s23], [sflag:$0x1] =	stream.indirect.gather [hbm4b:s2+s22], $0x80, s5, s22, $0xb8;
	[tilespmem:$0x1E800] =	vst v63  }
0x89: {  	_ =	swait.ge [sflag:s28], $0x3E80  }
0x8a: {  	[sflag:s28] =	ssyncset.done $0x0  }
.Ltmp1:
0x8b: {  	s5 =	sadd.s32 $0x1480, s0;
	[sflag:s28] =	ssyncadd.s32 $0xFFFFC180;
	(pc) =	sbr.rel @p6 .LBB2_4-.Ltmp1, $4  }
0x8c: {  	[spmem:s3] =	stream.indirect.scatter.add.f32 [tilespmem:s25], [sflag:$0x4], $0x80, s5, s22, $0xb8;
	[tilespmem:$0x1E800] =	vst v63  }
0x8d: {  	_ =	swait.ge [sflag:s20], $0x3E80  }
0x8e: {  	[sflag:s20] =	ssyncset.done $0x0  }
0x8f: {  	s0 =	sadd.s32 $0x180, s0;
	[sflag:s20] =	ssyncadd.s32 $0xFFFFC180  }
0x90: {  	[tilespmem:s25], [sflag:$0x2] =	stream.indirect.gather [hbm4b:s2+s22], $0x80, s0, s22, $0xb8;
	[tilespmem:$0x1E800] =	vst v63  }
0x91: {  	_ =	swait.ge [sflag:s26], $0x3E80  }
0x92: {  	[sflag:s26] =	ssyncset.done $0x0  }
0x93: {  	[sflag:s26] =	ssyncadd.s32 $0xFFFFC180  }
0x94: {  	[spmem:s3] =	stream.indirect.scatter.add.f32 [tilespmem:s23], [sflag:$0x4], $0x80, s29, s22, $0xb8;
	[tilespmem:$0x1E800] =	vst v63  }
0x95: {  	_ =	swait.ge [sflag:s20], $0x3E80  }
0x96: {  	[sflag:s20] =	ssyncset.done $0x0  }
0x97: {  	[sflag:s20] =	ssyncadd.s32 $0xFFFFC180  }
0x98: {  	_ =	swait.ge [sflag:s28], $0x3E80  }
0x99: {  	[sflag:s28] =	ssyncset.done $0x0  }
0x9a: {  	[sflag:s28] =	ssyncadd.s32 $0xFFFFC180  }
0x9b: {  	[spmem:s3] =	stream.indirect.scatter.add.f32 [tilespmem:s25], [sflag:$0x4], $0x80, s30, s22, $0xb8;
	[tilespmem:$0x1E800] =	vst v63  }
0x9c: {  	s5 =	stileid.u32;
	_ =	swait.ge [sflag:s20], $0x3E80  }
0x9d: {  	s1 =	sshrl.u32 s6, $0x3;
	s31 =	sadd.s32 $0x1, s31;
	[sflag:s20] =	ssyncset.done $0x0  }
0x9e: {  	s0 =	sshll.u32 s5, $0x6;
	p2 =	sne.s32 s31, s14;
	[sflag:s20] =	ssyncadd.s32 $0xFFFFC180  }
.Ltmp2:
0x9f: {  	s0 =	sor.u32 $0x1C04, s0;
	[bflag:$0x0] =	sbarrier.arrive $0xFFFF;
	(pc) =	sbr.rel @p2 .LBB2_1-.Ltmp2, $4  }
0xa0: {  	[hbm:s13], [sflag:s0] =	dma.local [spmem:s1], $0x2800  }
0xa1: {  	_ =	swait.ge [sflag:s20], $0x2800  }
0xa2: {  	[sflag:s20] =	ssyncset.done $0x0  }
0xa3: {  	[sflag:s20] =	ssyncadd.s32 $0xFFFFD800  }
0xa4: {  	_ =	sfence.sel $0x180000  }
0xa5: {  	[bflag:$0x0] =	sbarrier.arrive $0xFFFF  }
0xa6: {  	_ =	strace $0x9000004A  }
0xa7: {  	s0 =	stileid.u32;
	[bflag:$0x2] =	sbarrier.arrive $0xFFFF  }
0xa8: {  	p0 =	sne.s32 s0, $0x0;
	s0 =	rddreg [dreg:$0x3]  }
0xa9: {  	s0 =	sadd.s32 @!p0 $0x100000, s0  }
0xaa: {  	[sflag:s0] =	ssyncadd.tile.s32 @!p0 $0x1;
	_ =	shalt  }
.Lfunc_end2:
_tile_overlayer_lowered:
.L_overlay_start_2:
0xab: {  	(tag) =	ssettag $0x2  }
0xac: {  	s0 =	rddreg [dreg:$0x0];
	s2 =	stileid.u32  }
0xad: {  	s1 =	rddreg [dreg:$0x1];
	p0 =	sne.s32 s2, $0x0  }
0xae: {  	s3 =	rddreg [dreg:$0x2];
	[bflag:$0x3] =	sbarrier.arrive $0xFFFF;
	s2 =	simm.s32 @!p0 $0x1C04  }
0xaf: {  	[timem:s3], [sflag:s2] =	dma.local @!p0 [hbm:s0], s1  }
0xb0: {  	s0 =	simm.s32 @!p0 $0x4  }
0xb1: {  	_ =	swait.ge @!p0 [sflag:s0], s1  }
0xb2: {  	s1 =	ssub.s32 @!p0 $0x0, s1;
	[sflag:s0] =	ssyncset.done @!p0 $0x0  }
0xb3: {  	[sflag:s0] =	ssyncadd.s32 @!p0 s1  }
0xb4: {  	[bflag:$0x3] =	sbarrier.arrive $0xFFFF  }
0xb5: {  	_ =	shalt  }

// kernel: kernel.14.cloned.1.call-start
scs
__scs_entry_jumppad:
0x0: {  	(pc) =	sbr.rel $0x88, $3  }
0x1: {  	(tag) =	ssettag $0x0;
	lr =	simm.s32 $0x1  }
0x2: {  	[smem:$0x3F89] =	sst lr;
	_ =	strace $0xD0000000  }
0x3: {  	_ = 	snop  }
0x4: {  	_ = 	snop  }
0x5: {  	_ = 	snop  }
0x6: {  	_ = 	snop  }
0x7: {  	_ = 	snop  }
__scs_overlays_trampoline_lowered:
0x8: {  	[smem:$0x3F98] =	sst s0  }
0x9: {  	[smem:$0x3F99] =	sst s1  }
0xa: {  	[smem:$0x3F9A] =	sst s2  }
0xb: {  	[smem:$0x3F9B] =	sst s3  }
0xc: {  	[smem:$0x3F9C] =	sst s4  }
0xd: {  	[smem:$0x3F9D] =	sst s5  }
0xe: {  	[smem:$0x3F9E] =	sst s6  }
0xf: {  	[smem:$0x3F9F] =	sst s7  }
0x10: {  	[smem:$0x3FA0] =	sst s8  }
0x11: {  	[smem:$0x3FA1] =	sst s9;
	s0 =	simm.s32 @!p0 $0x0  }
0x12: {  	s1 =	sld [smem:$0x3F87];
	s0 =	simm.s32 @p0 $0x1  }
0x13: {  	[smem:$0x3FA2] =	sst s0;
	s0 =	simm.s32 @!p1 $0x0  }
0x14: {  	s2 =	sld [smem:$0x3F86];
	s0 =	simm.s32 @p1 $0x1  }
0x15: {  	[smem:$0x3FA3] =	sst s0;
	s0 =	simm.s32 @!p2 $0x0  }
0x16: {  	s3 =	sld [smem:$0x3FDB];
	s0 =	simm.s32 @p2 $0x1  }
0x17: {  	s4 =	simm.s32 $0x1BF5;
	[smem:$0x3FA5] =	sst s0  }
0x18: {  	s0 =	sld [smem:$0x3F88];
	_ =	swait.ge [sflag:s4], $0x0  }
0x19: {  	s7 =	sld [smem:$0x3F89]  }
0x1a: {  	s8 =	sadd.s32 $0xFFFFE003, lr  }
0x1b: {  	s9 =	sadd.s32 $0xFFFFFEF7, lr;
	s5 =	simm.s32 $0xFFFFFFFF;
	p2 =	slt.u32 s8, $0xFFFFF086  }
0x1c: {  	p1 =	slt.u32 s9, $0xF7A;
	s5 =	simm.s32 @!p2 $0x0  }
0x1d: {  	s5 =	simm.s32 @p1 $0x1;
	p0 =	seq.s32 s7, s2  }
0x1e: {  	s7 =	smul.u32 @!p0 $0xF7A, s2;
	p2 =	seq.s32 @!p0 s5, $0x0  }
0x1f: {  	s9 =	smul.u32 $0xF7A, s1;
	s8 =	simm.s32 @!p0 $0x1BF5;
	p2 =	por !p2, p0  }
0x20: {  	[sflag:s8] =	ssyncset.s32 @!p0 $0xFFFFF086;
	s6 =	sadd.s32 @!p0 s3, s7;
	s7 =	simm.s32 @!p0 $0x108  }
0x21: {  	s3 =	sadd.s32 s3, s9;
	s6 =	sadd.s32 @!p0 $0x88, s6;
	s7 =	simm.s32 @p2 $0x1082  }
0x22: {  	[simem:s7], [sflag:s8] =	dma.local @!p0 [hbm:s6], $0xF7A  }
0x23: {  	s9 =	sor.u32 $0xD0000000, s2;
	s6 =	simm.s32 $0x108;
	_ =	swait.ge @!p0 [sflag:s8], $0x0  }
0x24: {  	s3 =	sadd.s32 $0x88, s3;
	s6 =	simm.s32 @!p1 $0x1082;
	[sflag:s4] =	ssyncset.s32 $0xFFFFF086  }
0x25: {  	[simem:s6], [sflag:s4] =	dma.local [hbm:s3], $0xF7A  }
0x26: {  	[smem:$0x3F89] =	sst s1;
	(tag) =	ssettag s2;
	_ =	strace s9  }
0x27: {  	s1 =	sld [smem:$0x3F99]  }
0x28: {  	s2 =	sld [smem:$0x3F9A]  }
0x29: {  	s4 =	sld [smem:$0x3F9C]  }
0x2a: {  	p0 =	seq.s32 s5, $0x0;
	s5 =	sld [smem:$0x3F9D]  }
0x2b: {  	s6 =	sld [smem:$0x3F9E]  }
0x2c: {  	s7 =	sld [smem:$0x3F9F]  }
0x2d: {  	s3 =	simm.s32 $0x108;
	s8 =	sld [smem:$0x3FA0]  }
0x2e: {  	s3 =	simm.s32 @!p0 $0x1082;
	s9 =	sld [smem:$0x3FA1]  }
0x2f: {  	lr =	sadd.s32 s0, s3;
	s0 =	sld [smem:$0x3F98]  }
0x30: {  	s3 =	sld [smem:$0x3F9B]  }
0x31: {  	[smem:$0x3FA4] =	sst s10  }
0x32: {  	s10 =	sld [smem:$0x3FA2];
	_ =	sdelay $0x3  }
0x33: {  	p0 =	seq.s32 s10, $0x1;
	s10 =	sld [smem:$0x3FA4];
	_ =	sdelay $0x3  }
0x34: {  	[smem:$0x3FA4] =	sst s10  }
0x35: {  	s10 =	sld [smem:$0x3FA3];
	_ =	sdelay $0x3  }
0x36: {  	p1 =	seq.s32 s10, $0x1;
	s10 =	sld [smem:$0x3FA4];
	_ =	sdelay $0x3  }
0x37: {  	[smem:$0x3FA4] =	sst s10  }
0x38: {  	s10 =	sld [smem:$0x3FA5]  }
0x39: {  	_ = 	snop;
	(pc) =	sbr.ind lr, $3  }
0x3a: {  	_ = 	snop  }
0x3b: {  	_ = 	snop  }
0x3c: {  	p2 =	seq.s32 s10, $0x1;
	s10 =	sld [smem:$0x3FA4]  }
0x3d: {  	_ =	shalt  }
0x3e: {  	_ =	shalt  }
0x3f: {  	_ =	shalt  }
0x40: {  	_ =	shalt  }
0x41: {  	_ =	shalt  }
0x42: {  	_ =	shalt  }
0x43: {  	_ =	shalt  }
0x44: {  	_ =	shalt  }
0x45: {  	_ =	shalt  }
0x46: {  	_ =	shalt  }
0x47: {  	_ =	shalt  }
0x48: {  	_ =	shalt  }
0x49: {  	_ =	shalt  }
0x4a: {  	_ =	shalt  }
0x4b: {  	_ =	shalt  }
0x4c: {  	_ =	shalt  }
0x4d: {  	_ =	shalt  }
0x4e: {  	_ =	shalt  }
0x4f: {  	_ =	shalt  }
0x50: {  	_ =	shalt  }
0x51: {  	_ =	shalt  }
0x52: {  	_ =	shalt  }
0x53: {  	_ =	shalt  }
0x54: {  	_ =	shalt  }
0x55: {  	_ =	shalt  }
0x56: {  	_ =	shalt  }
0x57: {  	_ =	shalt  }
0x58: {  	_ =	shalt  }
0x59: {  	_ =	shalt  }
0x5a: {  	_ =	shalt  }
0x5b: {  	_ =	shalt  }
0x5c: {  	_ =	shalt  }
0x5d: {  	_ =	shalt  }
0x5e: {  	_ =	shalt  }
0x5f: {  	_ =	shalt  }
0x60: {  	_ =	shalt  }
0x61: {  	_ =	shalt  }
0x62: {  	_ =	shalt  }
0x63: {  	_ =	shalt  }
0x64: {  	_ =	shalt  }
0x65: {  	_ =	shalt  }
0x66: {  	_ =	shalt  }
0x67: {  	_ =	shalt  }
0x68: {  	_ =	shalt  }
0x69: {  	_ =	shalt  }
0x6a: {  	_ =	shalt  }
0x6b: {  	_ =	shalt  }
0x6c: {  	_ =	shalt  }
0x6d: {  	_ =	shalt  }
0x6e: {  	_ =	shalt  }
0x6f: {  	_ =	shalt  }
0x70: {  	_ =	shalt  }
0x71: {  	_ =	shalt  }
0x72: {  	_ =	shalt  }
0x73: {  	_ =	shalt  }
0x74: {  	_ =	shalt  }
0x75: {  	_ =	shalt  }
0x76: {  	_ =	shalt  }
0x77: {  	_ =	shalt  }
0x78: {  	_ =	shalt  }
0x79: {  	_ =	shalt  }
0x7a: {  	_ =	shalt  }
0x7b: {  	_ =	shalt  }
0x7c: {  	_ =	shalt  }
0x7d: {  	_ =	shalt  }
0x7e: {  	_ =	shalt  }
0x7f: {  	_ =	shalt  }
0x80: {  	_ =	shalt  }
0x81: {  	_ =	shalt  }
0x82: {  	_ =	shalt  }
0x83: {  	_ =	shalt  }
0x84: {  	_ =	shalt  }
0x85: {  	_ =	shalt  }
0x86: {  	_ =	shalt  }
0x87: {  	_ =	shalt  }
.Lfunc_end0:
.L_simem_size_0:
called_computation.2_lowered:
.L_overlay_start_0:
0x88: {  	s2 =	sld [smem:$0x3FD9]  }
0x89: {  	s3 =	sld [smem:$0x3FFE];
	_ =	sdelay $0x1  }
0x8a: {  	s1 =	srdreg.scid  }
0x8b: {  	s0 =	sand.u32 $0x1, s1  }
0x8c: {  	s16 =	sshll.u32 s0, $0xA;
	s2 =	sadd.s32 s3, s2  }
0x8d: {  	s2 =	sadd.s32 s2, s16  }
0x8e: {  	[smem:$0x3FB0] =	sst s2  }
0x8f: {  	_ = 	snop  }
0x90: {  	(tm) =	ssettm $0x1  }
0x91: {  	s17 =	sld [smem:$0x3FFB];
	_ =	sdelay $0x3  }
0x92: {  	_ =	strace s17  }
0x93: {  	s2 =	sld [smem:$0x3FFC];
	_ =	sdelay $0x3  }
0x94: {  	_ =	strace s2  }
0x95: {  	s2 =	sld [smem:$0x3FFD];
	_ =	sdelay $0x3  }
0x96: {  	_ =	strace s2  }
0x97: {  	_ =	strace $0x8FFFFFFF  }
0x98: {  	s18 =	sld [smem:$0x3FDB];
	_ =	sdelay $0x1  }
0x99: {  	s19 =	simm.s32 $_scs_section_size  }
0x9a: {  	s4 =	simm.s32 $_size__tile_overlayer_lowered;
	s5 =	simm.s32 $_tile_overlayer_lowered  }
0x9b: {  	s22 =	simm.s32 $0x1BFF;
	s21 =	sshll.u32 s5, $0x1;
	s2 =	sadd.s32 s19, s18  }
0x9c: {  	s6 =	simm.s32 $0x0;
	s20 =	sshll.u32 s4, $0x1;
	s4 =	sadd.s32 s21, s2  }
0x9d: {  	[timem:s6], [sflag:s22] =	dma.local [hbm:s4], s20  }
0x9e: {  	_ =	swait.ge [sflag:s22], s20  }
0x9f: {  	s3 =	ssub.s32 $0x0, s20;
	[sflag:s22] =	ssyncset.done $0x0  }
0xa0: {  	[sflag:s22] =	ssyncadd.s32 s3;
	_ =	sdelay $0x1  }
0xa1: {  	s23 =	simm.s32 $0x1B8B  }
0xa2: {  	_ =	swait.ge [sflag:s23], $0x1  }
0xa3: {  	[sflag:s23] =	ssyncset.done $0x0  }
0xa4: {  	s25 =	simm.s32 $0x1B8E;
	s24 =	sld [smem:$0x3FFE];
	[sflag:s23] =	ssyncadd.s32 $0xFFFFFFFF  }
0xa5: {  	s26 =	simm.s32 $execute0_lowered;
	[smem:$0x3FD2] =	sst s25  }
0xa6: {  	s4 =	sshll.u32 s26, $0x1;
	_ =	strace $0x8000004C;
	[dreg:$0x1] =	wrdreg $0xFFFFFFFF  }
0xa7: {  	s28 =	simm.s32 $_size_execute0_lowered;
	s2 =	sadd.s32 s2, s4;
	[dreg:$0x0] =	wrdreg $0x0  }
0xa8: {  	s4 =	sshll.u32 s28, $0x1;
	[dreg:$0x2] =	wrdreg s2  }
0xa9: {  	[dreg:$0x3] =	wrdreg s4  }
0xaa: {  	[dreg:$0x4] =	wrdreg $0xC0  }
0xab: {  	_ =	task [dreg:s6], $0x5FFFF  }
0xac: {  	[dreg:$0x1] =	wrdreg $0xFFFFFFFF  }
0xad: {  	[dreg:$0x0] =	wrdreg $0x60  }
0xae: {  	[dreg:$0x2] =	wrdreg s24  }
0xaf: {  	[dreg:$0x3] =	wrdreg $0xA8000  }
0xb0: {  	[dreg:$0x4] =	wrdreg $0x9  }
0xb1: {  	_ =	task.clear_ibuf [dreg:s6], $0x5FFFF;
	_ =	strace $0x9000004C  }
0xb2: {  	s29 =	simm.s32 $0x9;
	_ =	strace $0x8000004E  }
0xb3: {  	_ =	swait.ge [sflag:s29], $0x1  }
0xb4: {  	[sflag:s29] =	ssyncadd.s32 $0xFFFFFFFF  }
0xb5: {  	_ =	strace $0x9000004E  }
0xb6: {  	_ =	sfence  }
0xb7: {  	s30 =	sld [smem:$0x0];
	_ =	sdelay $0x2  }
0xb8: {  	s31 =	sshll.u32 s1, $0xD;
	s1 =	sshrl.u32 s1, $0x2  }
0xb9: {  	s3 =	sand.u32 $0x4000, s31;
	s1 =	sadd.s32 s1, s30  }
0xba: {  	s0 =	sor.u32 s3, s0;
	s1 =	sshll.u32 s1, $0x11  }
0xbb: {  	s0 =	sor.u32 s1, s0  }
0xbc: {  	s0 =	sadd.s32 $0x8F2B, s0  }
0xbd: {  	[sflag:s0] =	ssyncadd.remote.s32 $0x1  }
0xbe: {  	_ =	sfence.sel $0xFFFF  }
0xbf: {  	[dreg:$0x0] =	wrdreg $0xFFFFFFFF;
	(pc) =	sbr.abs _section_cstart, $3  }
0xc0: {  	[dreg:$0x1] =	wrdreg $0xFFFFFFFF  }
0xc1: {  	_ =	task.clear_ibuf [dreg:s6], $0x2FFFF;
	_ =	strace $0x9FFFFFFF  }
0xc2: {  	(tm) =	ssettm $0x7FFFFFFF  }
0xc3: {  	_ =	shalt  }
tec
execute0_lowered:
.L_overlay_start_1:
0x0: {  	(tag) =	ssettag $0x1  }
0x1: {  	s0 =	srdreg.scid  }
0x2: {  	s18 =	stileid.u32;
	s7 =	rddreg [dreg:$0x0]  }
0x3: {  	s2 =	rddreg [dreg:$0x1];
	s3 =	simm.s32 $0x0;
	s20 =	simm.s32 $0x4  }
0x4: {  	s21 =	simm.s32 $0x1400;
	s22 =	simm.s32 $0x7D;
	s28 =	simm.s32 $0x2  }
0x5: {  	s29 =	simm.s32 $0x2700;
	s30 =	simm.s32 $0x2780;
	s31 =	simm.s32 $0x0  }
0x6: {  	s0 =	sand.u32 $0x1, s0;
	s1 =	sshll.u32 s18, $0x1;
	[smem:$0x7FF] =	sst s3  }
0x7: {  	s6 =	smul.u32 $0x14000, s18;
	s4 =	sadd.s32 $0x1B400, s7;
	s23 =	sadd.s32 $0x18C00, s7  }
0x8: {  	p1 =	sne.s32 s18, $0xF;
	p2 =	seq.s32 s18, $0xF;
	s9 =	smul.u32 $0x50000, s18  }
0x9: {  	s26 =	smul.u32 $0x2800, s18;
	s17 =	sadd.s32 $0x12C000, s2;
	s1 =	sor.u32 s0, s1  }
0xa: {  	s5 =	smul.u32 $0x140000, s0;
	_ =	strace $0x8000004D;
	[dreg:$0x3] =	wrdreg s23  }
0xb: {  	s8 =	ssub.s32 $0x2, s0;
	p0 =	seq.s32 s0, $0x0;
	s23 =	simm.s32 $0x2800  }
0xc: {  	s1 =	smul.u32 $0x2800, s1;
	s24 =	sshrl.u32 s8, $0x1;
	p1 =	por !p0, !p1  }
0xd: {  	p2 =	por !p0, !p2;
	s25 =	sshrl.u32 s9, $0x2;
	s6 =	sadd.s32 s6, s5  }
0xe: {  	s14 =	ssub.s32 s8, s24;
	p1 =	por !p1, !p1;
	p4 =	por !p2, !p2  }
0xf: {  	s8 =	sadd.s32 s4, s26;
	s24 =	simm.s32 $0x80;
	s26 =	simm.s32 $0x1  }
0x10: {  	s1 =	sshrl.u32 s1, $0x3;
	s6 =	sshrl.u32 s6, $0x3;
	p2 =	por p4, p1  }
0x11: {  	s14 =	smax.u32 s14, $0x1;
	s1 =	sadd.s32 s1, s7;
	s13 =	sadd.s32 s6, s7  }
0x12: {  	s6 =	sadd.s32 s25, s2;
	s7 =	sadd.s32 $0x40C00, s7;
	s5 =	simm.s32 @!p2 $0x0  }
0x13: {  	p5 =	seq.s32 @!p2 s0, $0x0;
	s25 =	simm.s32 $0x6800;
	s5 =	simm.s32 @p2 $0x1  }
0x14: {  	s9 =	sadd.s32 $0x4C00, s1;
	p3 =	por @!p1 p5, p4;
	s10 =	sadd.s32 $0xEC00, s1  }
0x15: {  	s11 =	sadd.s32 $0x4E80, s1;
	s12 =	sadd.s32 $0xEE80, s1;
	s13 =	sadd.s32 $0x42600, s13  }
0x16: {  	p5 =	por @!p1 !p5, p4;
	p4 =	por !p4, p1;
	p3 =	por p3, p1  }
0x17: {  	s19 =	sshrl.u32 @p1 s6, $0x3;
	[smem:$0x7FD] =	sst s5;
	s0 =	sshll.u32 @!p3 s18, $0x6  }
0x18: {  	p5 =	por !p5, p1;
	s15 =	sor.u32 @!p3 $0x1C03, s0;
	s0 =	sshll.u32 @p1 s18, $0x6  }
0x19: {  	s17 =	sshrl.u32 @!p4 s17, $0x3;
	s16 =	sshrl.u32 @!p3 s6, $0x3;
	s18 =	sor.u32 @p1 $0x1C03, s0  }
.LBB2_1:
0x1a: {  	s0 =	rddreg [dreg:$0x3]  }
0x1b: {  	[spmem:s16], [sflag:s15] =	dma.local @!p3 [hbm:s0], $0x2800  }
0x1c: {  	s0 =	simm.s32 @!p4 $0x1FC3  }
0x1d: {  	[spmem:s17], [sflag:s0] =	dma.local @!p4 [hbm:s7], $0x1900  }
0x1e: {  	[spmem:s19], [sflag:s18] =	dma.local @p1 [hbm:s8], $0x2800  }
0x1f: {  	[tilespmem:s3], [sflag:$0x4] =	stream.linear.gather [hbm4b:s9+s3], $0x1400, $0x38;
	[tilespmem:$0x1E800] =	vst v63  }
0x20: {  	_ =	swait.ge [sflag:s20], $0x1400  }
0x21: {  	[sflag:s20] =	ssyncset.done $0x0  }
0x22: {  	[sflag:s20] =	ssyncadd.s32 $0xFFFFEC00  }
0x23: {  	[tilespmem:s21], [sflag:$0x4] =	stream.linear.gather [hbm4b:s10+s3], $0x1400, $0x38;
	[tilespmem:$0x1E800] =	vst v63  }
0x24: {  	_ =	swait.ge [sflag:s20], $0x1400  }
0x25: {  	[sflag:s20] =	ssyncset.done $0x0;
	s1 =	sld [smem:$0x7FD]  }
0x26: {  	[sflag:s20] =	ssyncadd.s32 $0xFFFFEC00  }
0x27: {  	[tilespmem:s23], [sflag:$0x1] =	stream.indirect.gather [hbm4b:s4+s22], $0x80, s3, s22, $0xb8;
	[tilespmem:$0x1E800] =	vst v63  }
0x28: {  	p2 =	seq.s32 s1, $0x1  }
0x29: {  	p6 =	por @!p2 $0x0, $0x0;
	p2 =	por @!p3 $0x0, $0x0  }
0x2a: {  	[tilespmem:s25], [sflag:$0x2] =	stream.indirect.gather [hbm4b:s4+s22], $0x80, s24, s22, $0xb8;
	[tilespmem:$0x1E800] =	vst v63  }
0x2b: {  	s0 =	simm.s32 @p1 $0x3;
	p6 =	por @!p5 p2, p2;
	p2 =	por @!p4 $0x1, $0x1  }
0x2c: {  	_ =	swait.ge @p1 [sflag:s0], $0x2800;
	p6 =	por @!p4 p2, p2;
	p2 =	por @p1 $0x0, $0x0  }
0x2d: {  	[sflag:s0] =	ssyncset.done @p1 $0x0;
	p2 =	por @!p1 p6, p6  }
0x2e: {  	[sflag:s0] =	ssyncadd.s32 @p1 $0xFFFFD800;
	s0 =	simm.s32 @p2 $0x3  }
0x2f: {  	_ =	swait.ge @p2 [sflag:s0], $0x1900  }
0x30: {  	[sflag:s0] =	ssyncset.done @p2 $0x0  }
0x31: {  	[sflag:s0] =	ssyncadd.s32 @p2 $0xFFFFE700;
	s0 =	simm.s32 @!p0 $0x3  }
0x32: {  	_ =	swait.ge @!p0 [sflag:s0], $0x2800  }
0x33: {  	[sflag:s0] =	ssyncset.done @!p0 $0x0  }
0x34: {  	[sflag:s0] =	ssyncadd.s32 @!p0 $0xFFFFD800  }
0x35: {  	[bflag:$0x0] =	sbarrier.arrive $0xFFFF  }
0x36: {  	_ =	swait.ge [sflag:s26], $0x3E80  }
0x37: {  	[sflag:s26] =	ssyncset.done $0x0  }
0x38: {  	s5 =	simm.s32 $0x1400;
	[sflag:s26] =	ssyncadd.s32 $0xFFFFC180  }
0x39: {  	[spmem:s2] =	stream.indirect.scatter.add.f32 [tilespmem:s23], [sflag:$0x4], $0x80, s5, s22, $0xb8;
	[tilespmem:$0x1E800] =	vst v63  }
0x3a: {  	_ =	swait.ge [sflag:s20], $0x3E80  }
0x3b: {  	[sflag:s20] =	ssyncset.done $0x0  }
0x3c: {  	s1 =	simm.s32 $0x100;
	[sflag:s20] =	ssyncadd.s32 $0xFFFFC180  }
0x3d: {  	[tilespmem:s23], [sflag:$0x1] =	stream.indirect.gather [hbm4b:s4+s22], $0x80, s1, s22, $0xb8;
	[tilespmem:$0x1E800] =	vst v63  }
0x3e: {  	_ =	swait.ge [sflag:s28], $0x3E80  }
0x3f: {  	[sflag:s28] =	ssyncset.done $0x0  }
0x40: {  	s5 =	simm.s32 $0x1480;
	[sflag:s28] =	ssyncadd.s32 $0xFFFFC180  }
0x41: {  	[spmem:s2] =	stream.indirect.scatter.add.f32 [tilespmem:s25], [sflag:$0x4], $0x80, s5, s22, $0xb8;
	[tilespmem:$0x1E800] =	vst v63  }
0x42: {  	_ =	swait.ge [sflag:s20], $0x3E80  }
0x43: {  	[sflag:s20] =	ssyncset.done $0x0  }
0x44: {  	s0 =	simm.s32 $0x180;
	s1 =	simm.s32 $0x400;
	[sflag:s20] =	ssyncadd.s32 $0xFFFFC180  }
.LBB2_2:
0x45: {  	[tilespmem:s25], [sflag:$0x2] =	stream.indirect.gather [hbm4b:s4+s22], $0x80, s0, s22, $0xb8;
	[tilespmem:$0x1E800] =	vst v63  }
0x46: {  	s0 =	smov.u32 s1  }
0x47: {  	p6 =	sne.s32 s1, $0x4800;
	s1 =	sadd.s32 $0x400, s1;
	_ =	swait.ge [sflag:s26], $0x3E80  }
0x48: {  	s0 =	sshra.s32 s0, $0x2;
	[sflag:s26] =	ssyncset.done $0x0  }
0x49: {  	s5 =	sadd.s32 $0x1400, s0;
	[sflag:s26] =	ssyncadd.s32 $0xFFFFC180  }
0x4a: {  	[spmem:s2] =	stream.indirect.scatter.add.f32 [tilespmem:s23], [sflag:$0x4], $0x80, s5, s22, $0xb8;
	[tilespmem:$0x1E800] =	vst v63  }
0x4b: {  	_ =	swait.ge [sflag:s20], $0x3E80  }
0x4c: {  	[sflag:s20] =	ssyncset.done $0x0  }
0x4d: {  	s5 =	sadd.s32 $0x100, s0;
	[sflag:s20] =	ssyncadd.s32 $0xFFFFC180  }
0x4e: {  	[tilespmem:s23], [sflag:$0x1] =	stream.indirect.gather [hbm4b:s4+s22], $0x80, s5, s22, $0xb8;
	[tilespmem:$0x1E800] =	vst v63  }
0x4f: {  	_ =	swait.ge [sflag:s28], $0x3E80  }
0x50: {  	[sflag:s28] =	ssyncset.done $0x0  }
.Ltmp0:
0x51: {  	s5 =	sadd.s32 $0x1480, s0;
	[sflag:s28] =	ssyncadd.s32 $0xFFFFC180;
	(pc) =	sbr.rel @p6 .LBB2_2-.Ltmp0, $4  }
0x52: {  	[spmem:s2] =	stream.indirect.scatter.add.f32 [tilespmem:s25], [sflag:$0x4], $0x80, s5, s22, $0xb8;
	[tilespmem:$0x1E800] =	vst v63  }
0x53: {  	_ =	swait.ge [sflag:s20], $0x3E80  }
0x54: {  	[sflag:s20] =	ssyncset.done $0x0  }
0x55: {  	s0 =	sadd.s32 $0x180, s0;
	[sflag:s20] =	ssyncadd.s32 $0xFFFFC180  }
0x56: {  	[tilespmem:s25], [sflag:$0x2] =	stream.indirect.gather [hbm4b:s4+s22], $0x80, s0, s22, $0xb8;
	[tilespmem:$0x1E800] =	vst v63  }
0x57: {  	_ =	swait.ge [sflag:s26], $0x3E80  }
0x58: {  	[sflag:s26] =	ssyncset.done $0x0  }
0x59: {  	[sflag:s26] =	ssyncadd.s32 $0xFFFFC180  }
0x5a: {  	[spmem:s2] =	stream.indirect.scatter.add.f32 [tilespmem:s23], [sflag:$0x4], $0x80, s29, s22, $0xb8;
	[tilespmem:$0x1E800] =	vst v63  }
0x5b: {  	_ =	swait.ge [sflag:s20], $0x3E80  }
0x5c: {  	[sflag:s20] =	ssyncset.done $0x0  }
0x5d: {  	[sflag:s20] =	ssyncadd.s32 $0xFFFFC180  }
0x5e: {  	_ =	swait.ge [sflag:s28], $0x3E80  }
0x5f: {  	[sflag:s28] =	ssyncset.done $0x0  }
0x60: {  	[sflag:s28] =	ssyncadd.s32 $0xFFFFC180  }
0x61: {  	[spmem:s2] =	stream.indirect.scatter.add.f32 [tilespmem:s25], [sflag:$0x4], $0x80, s30, s22, $0xb8;
	[tilespmem:$0x1E800] =	vst v63  }
0x62: {  	_ =	swait.ge [sflag:s20], $0x3E80  }
0x63: {  	[sflag:s20] =	ssyncset.done $0x0  }
0x64: {  	s1 =	simm.s32 $0x0;
	[sflag:s20] =	ssyncadd.s32 $0xFFFFC180  }
0x65: {  	[tilespmem:s1], [sflag:$0x4] =	stream.linear.gather [hbm4b:s11+s1], $0x1400, $0x38;
	[tilespmem:$0x1E800] =	vst v63  }
0x66: {  	_ =	swait.ge [sflag:s20], $0x1400  }
0x67: {  	[sflag:s20] =	ssyncset.done $0x0  }
0x68: {  	[sflag:s20] =	ssyncadd.s32 $0xFFFFEC00  }
0x69: {  	[tilespmem:s21], [sflag:$0x4] =	stream.linear.gather [hbm4b:s12+s1], $0x1400, $0x38;
	[tilespmem:$0x1E800] =	vst v63  }
0x6a: {  	_ =	swait.ge [sflag:s20], $0x1400  }
0x6b: {  	[sflag:s20] =	ssyncset.done $0x0  }
0x6c: {  	[sflag:s20] =	ssyncadd.s32 $0xFFFFEC00  }
0x6d: {  	[tilespmem:s23], [sflag:$0x1] =	stream.indirect.gather [hbm4b:s4+s22], $0x80, s1, s22, $0xb8;
	[tilespmem:$0x1E800] =	vst v63  }
0x6e: {  	_ = 	snop  }
0x6f: {  	[tilespmem:s25], [sflag:$0x2] =	stream.indirect.gather [hbm4b:s4+s22], $0x80, s24, s22, $0xb8;
	[tilespmem:$0x1E800] =	vst v63  }
0x70: {  	_ =	swait.ge [sflag:s26], $0x3E80  }
0x71: {  	[sflag:s26] =	ssyncset.done $0x0  }
0x72: {  	s5 =	simm.s32 $0x1400;
	[sflag:s26] =	ssyncadd.s32 $0xFFFFC180  }
0x73: {  	[spmem:s2] =	stream.indirect.scatter.add.f32 [tilespmem:s23], [sflag:$0x4], $0x80, s5, s22, $0xb8;
	[tilespmem:$0x1E800] =	vst v63  }
0x74: {  	_ =	swait.ge [sflag:s20], $0x3E80  }
0x75: {  	[sflag:s20] =	ssyncset.done $0x0  }
0x76: {  	s1 =	simm.s32 $0x100;
	[sflag:s20] =	ssyncadd.s32 $0xFFFFC180  }
0x77: {  	[tilespmem:s23], [sflag:$0x1] =	stream.indirect.gather [hbm4b:s4+s22], $0x80, s1, s22, $0xb8;
	[tilespmem:$0x1E800] =	vst v63  }
0x78: {  	_ =	swait.ge [sflag:s28], $0x3E80  }
0x79: {  	[sflag:s28] =	ssyncset.done $0x0  }
0x7a: {  	s5 =	simm.s32 $0x1480;
	[sflag:s28] =	ssyncadd.s32 $0xFFFFC180  }
0x7b: {  	[spmem:s2] =	stream.indirect.scatter.add.f32 [tilespmem:s25], [sflag:$0x4], $0x80, s5, s22, $0xb8;
	[tilespmem:$0x1E800] =	vst v63  }
0x7c: {  	_ =	swait.ge [sflag:s20], $0x3E80  }
0x7d: {  	[sflag:s20] =	ssyncset.done $0x0  }
0x7e: {  	s0 =	simm.s32 $0x180;
	s1 =	simm.s32 $0x400;
	[sflag:s20] =	ssyncadd.s32 $0xFFFFC180  }
.LBB2_4:
0x7f: {  	[tilespmem:s25], [sflag:$0x2] =	stream.indirect.gather [hbm4b:s4+s22], $0x80, s0, s22, $0xb8;
	[tilespmem:$0x1E800] =	vst v63  }
0x80: {  	s0 =	smov.u32 s1  }
0x81: {  	p6 =	sne.s32 s1, $0x4800;
	s1 =	sadd.s32 $0x400, s1;
	_ =	swait.ge [sflag:s26], $0x3E80  }
0x82: {  	s0 =	sshra.s32 s0, $0x2;
	[sflag:s26] =	ssyncset.done $0x0  }
0x83: {  	s5 =	sadd.s32 $0x1400, s0;
	[sflag:s26] =	ssyncadd.s32 $0xFFFFC180  }
0x84: {  	[spmem:s2] =	stream.indirect.scatter.add.f32 [tilespmem:s23], [sflag:$0x4], $0x80, s5, s22, $0xb8;
	[tilespmem:$0x1E800] =	vst v63  }
0x85: {  	_ =	swait.ge [sflag:s20], $0x3E80  }
0x86: {  	[sflag:s20] =	ssyncset.done $0x0  }
0x87: {  	s5 =	sadd.s32 $0x100, s0;
	[sflag:s20] =	ssyncadd.s32 $0xFFFFC180  }
0x88: {  	[tilespmem:s23], [sflag:$0x1] =	stream.indirect.gather [hbm4b:s4+s22], $0x80, s5, s22, $0xb8;
	[tilespmem:$0x1E800] =	vst v63  }
0x89: {  	_ =	swait.ge [sflag:s28], $0x3E80  }
0x8a: {  	[sflag:s28] =	ssyncset.done $0x0  }
.Ltmp1:
0x8b: {  	s5 =	sadd.s32 $0x1480, s0;
	[sflag:s28] =	ssyncadd.s32 $0xFFFFC180;
	(pc) =	sbr.rel @p6 .LBB2_4-.Ltmp1, $4  }
0x8c: {  	[spmem:s2] =	stream.indirect.scatter.add.f32 [tilespmem:s25], [sflag:$0x4], $0x80, s5, s22, $0xb8;
	[tilespmem:$0x1E800] =	vst v63  }
0x8d: {  	_ =	swait.ge [sflag:s20], $0x3E80  }
0x8e: {  	[sflag:s20] =	ssyncset.done $0x0  }
0x8f: {  	s0 =	sadd.s32 $0x180, s0;
	[sflag:s20] =	ssyncadd.s32 $0xFFFFC180  }
0x90: {  	[tilespmem:s25], [sflag:$0x2] =	stream.indirect.gather [hbm4b:s4+s22], $0x80, s0, s22, $0xb8;
	[tilespmem:$0x1E800] =	vst v63  }
0x91: {  	_ =	swait.ge [sflag:s26], $0x3E80  }
0x92: {  	[sflag:s26] =	ssyncset.done $0x0  }
0x93: {  	[sflag:s26] =	ssyncadd.s32 $0xFFFFC180  }
0x94: {  	[spmem:s2] =	stream.indirect.scatter.add.f32 [tilespmem:s23], [sflag:$0x4], $0x80, s29, s22, $0xb8;
	[tilespmem:$0x1E800] =	vst v63  }
0x95: {  	_ =	swait.ge [sflag:s20], $0x3E80  }
0x96: {  	[sflag:s20] =	ssyncset.done $0x0  }
0x97: {  	[sflag:s20] =	ssyncadd.s32 $0xFFFFC180  }
0x98: {  	_ =	swait.ge [sflag:s28], $0x3E80  }
0x99: {  	[sflag:s28] =	ssyncset.done $0x0  }
0x9a: {  	[sflag:s28] =	ssyncadd.s32 $0xFFFFC180  }
0x9b: {  	[spmem:s2] =	stream.indirect.scatter.add.f32 [tilespmem:s25], [sflag:$0x4], $0x80, s30, s22, $0xb8;
	[tilespmem:$0x1E800] =	vst v63  }
0x9c: {  	s5 =	stileid.u32;
	_ =	swait.ge [sflag:s20], $0x3E80  }
0x9d: {  	s1 =	sshrl.u32 s6, $0x3;
	s31 =	sadd.s32 $0x1, s31;
	[sflag:s20] =	ssyncset.done $0x0  }
0x9e: {  	s0 =	sshll.u32 s5, $0x6;
	p2 =	sne.s32 s31, s14;
	[sflag:s20] =	ssyncadd.s32 $0xFFFFC180  }
.Ltmp2:
0x9f: {  	s0 =	sor.u32 $0x1C04, s0;
	[bflag:$0x0] =	sbarrier.arrive $0xFFFF;
	(pc) =	sbr.rel @p2 .LBB2_1-.Ltmp2, $4  }
0xa0: {  	[hbm:s13], [sflag:s0] =	dma.local [spmem:s1], $0x2800  }
0xa1: {  	_ =	swait.ge [sflag:s20], $0x2800  }
0xa2: {  	[sflag:s20] =	ssyncset.done $0x0  }
0xa3: {  	[sflag:s20] =	ssyncadd.s32 $0xFFFFD800  }
0xa4: {  	_ =	sfence.sel $0x180000  }
0xa5: {  	[bflag:$0x0] =	sbarrier.arrive $0xFFFF  }
0xa6: {  	_ =	strace $0x9000004D  }
0xa7: {  	s0 =	stileid.u32;
	[bflag:$0x2] =	sbarrier.arrive $0xFFFF  }
0xa8: {  	p0 =	sne.s32 s0, $0x0;
	s0 =	rddreg [dreg:$0x2]  }
0xa9: {  	s0 =	sadd.s32 @!p0 $0x100000, s0  }
0xaa: {  	[sflag:s0] =	ssyncadd.tile.s32 @!p0 $0x1;
	_ =	shalt  }
.Lfunc_end2:
_tile_overlayer_lowered:
.L_overlay_start_2:
0xab: {  	(tag) =	ssettag $0x2  }
0xac: {  	s0 =	rddreg [dreg:$0x0];
	s2 =	stileid.u32  }
0xad: {  	s1 =	rddreg [dreg:$0x1];
	p0 =	sne.s32 s2, $0x0  }
0xae: {  	s3 =	rddreg [dreg:$0x2];
	[bflag:$0x3] =	sbarrier.arrive $0xFFFF;
	s2 =	simm.s32 @!p0 $0x1C04  }
0xaf: {  	[timem:s3], [sflag:s2] =	dma.local @!p0 [hbm:s0], s1  }
0xb0: {  	s0 =	simm.s32 @!p0 $0x4  }
0xb1: {  	_ =	swait.ge @!p0 [sflag:s0], s1  }
0xb2: {  	s1 =	ssub.s32 @!p0 $0x0, s1;
	[sflag:s0] =	ssyncset.done @!p0 $0x0  }
0xb3: {  	[sflag:s0] =	ssyncadd.s32 @!p0 s1  }
0xb4: {  	[bflag:$0x3] =	sbarrier.arrive $0xFFFF  }
0xb5: {  	_ =	shalt  }

// kernel: kernel.8.cloned.1.call-start
scs
__scs_entry_jumppad:
0x0: {  	(pc) =	sbr.rel $0x88, $3  }
0x1: {  	(tag) =	ssettag $0x0;
	lr =	simm.s32 $0x1  }
0x2: {  	[smem:$0x3F89] =	sst lr;
	_ =	strace $0xD0000000  }
0x3: {  	_ = 	snop  }
0x4: {  	_ = 	snop  }
0x5: {  	_ = 	snop  }
0x6: {  	_ = 	snop  }
0x7: {  	_ = 	snop  }
__scs_overlays_trampoline_lowered:
0x8: {  	[smem:$0x3F98] =	sst s0  }
0x9: {  	[smem:$0x3F99] =	sst s1  }
0xa: {  	[smem:$0x3F9A] =	sst s2  }
0xb: {  	[smem:$0x3F9B] =	sst s3  }
0xc: {  	[smem:$0x3F9C] =	sst s4  }
0xd: {  	[smem:$0x3F9D] =	sst s5  }
0xe: {  	[smem:$0x3F9E] =	sst s6  }
0xf: {  	[smem:$0x3F9F] =	sst s7  }
0x10: {  	[smem:$0x3FA0] =	sst s8  }
0x11: {  	[smem:$0x3FA1] =	sst s9;
	s0 =	simm.s32 @!p0 $0x0  }
0x12: {  	s1 =	sld [smem:$0x3F87];
	s0 =	simm.s32 @p0 $0x1  }
0x13: {  	[smem:$0x3FA2] =	sst s0;
	s0 =	simm.s32 @!p1 $0x0  }
0x14: {  	s2 =	sld [smem:$0x3F86];
	s0 =	simm.s32 @p1 $0x1  }
0x15: {  	[smem:$0x3FA3] =	sst s0;
	s0 =	simm.s32 @!p2 $0x0  }
0x16: {  	s3 =	sld [smem:$0x3FDB];
	s0 =	simm.s32 @p2 $0x1  }
0x17: {  	s4 =	simm.s32 $0x1BF5;
	[smem:$0x3FA5] =	sst s0  }
0x18: {  	s0 =	sld [smem:$0x3F88];
	_ =	swait.ge [sflag:s4], $0x0  }
0x19: {  	s7 =	sld [smem:$0x3F89]  }
0x1a: {  	s8 =	sadd.s32 $0xFFFFE003, lr  }
0x1b: {  	s9 =	sadd.s32 $0xFFFFFEF7, lr;
	s5 =	simm.s32 $0xFFFFFFFF;
	p2 =	slt.u32 s8, $0xFFFFF086  }
0x1c: {  	p1 =	slt.u32 s9, $0xF7A;
	s5 =	simm.s32 @!p2 $0x0  }
0x1d: {  	s5 =	simm.s32 @p1 $0x1;
	p0 =	seq.s32 s7, s2  }
0x1e: {  	s7 =	smul.u32 @!p0 $0xF7A, s2;
	p2 =	seq.s32 @!p0 s5, $0x0  }
0x1f: {  	s9 =	smul.u32 $0xF7A, s1;
	s8 =	simm.s32 @!p0 $0x1BF5;
	p2 =	por !p2, p0  }
0x20: {  	[sflag:s8] =	ssyncset.s32 @!p0 $0xFFFFF086;
	s6 =	sadd.s32 @!p0 s3, s7;
	s7 =	simm.s32 @!p0 $0x108  }
0x21: {  	s3 =	sadd.s32 s3, s9;
	s6 =	sadd.s32 @!p0 $0x88, s6;
	s7 =	simm.s32 @p2 $0x1082  }
0x22: {  	[simem:s7], [sflag:s8] =	dma.local @!p0 [hbm:s6], $0xF7A  }
0x23: {  	s9 =	sor.u32 $0xD0000000, s2;
	s6 =	simm.s32 $0x108;
	_ =	swait.ge @!p0 [sflag:s8], $0x0  }
0x24: {  	s3 =	sadd.s32 $0x88, s3;
	s6 =	simm.s32 @!p1 $0x1082;
	[sflag:s4] =	ssyncset.s32 $0xFFFFF086  }
0x25: {  	[simem:s6], [sflag:s4] =	dma.local [hbm:s3], $0xF7A  }
0x26: {  	[smem:$0x3F89] =	sst s1;
	(tag) =	ssettag s2;
	_ =	strace s9  }
0x27: {  	s1 =	sld [smem:$0x3F99]  }
0x28: {  	s2 =	sld [smem:$0x3F9A]  }
0x29: {  	s4 =	sld [smem:$0x3F9C]  }
0x2a: {  	p0 =	seq.s32 s5, $0x0;
	s5 =	sld [smem:$0x3F9D]  }
0x2b: {  	s6 =	sld [smem:$0x3F9E]  }
0x2c: {  	s7 =	sld [smem:$0x3F9F]  }
0x2d: {  	s3 =	simm.s32 $0x108;
	s8 =	sld [smem:$0x3FA0]  }
0x2e: {  	s3 =	simm.s32 @!p0 $0x1082;
	s9 =	sld [smem:$0x3FA1]  }
0x2f: {  	lr =	sadd.s32 s0, s3;
	s0 =	sld [smem:$0x3F98]  }
0x30: {  	s3 =	sld [smem:$0x3F9B]  }
0x31: {  	[smem:$0x3FA4] =	sst s10  }
0x32: {  	s10 =	sld [smem:$0x3FA2];
	_ =	sdelay $0x3  }
0x33: {  	p0 =	seq.s32 s10, $0x1;
	s10 =	sld [smem:$0x3FA4];
	_ =	sdelay $0x3  }
0x34: {  	[smem:$0x3FA4] =	sst s10  }
0x35: {  	s10 =	sld [smem:$0x3FA3];
	_ =	sdelay $0x3  }
0x36: {  	p1 =	seq.s32 s10, $0x1;
	s10 =	sld [smem:$0x3FA4];
	_ =	sdelay $0x3  }
0x37: {  	[smem:$0x3FA4] =	sst s10  }
0x38: {  	s10 =	sld [smem:$0x3FA5]  }
0x39: {  	_ = 	snop;
	(pc) =	sbr.ind lr, $3  }
0x3a: {  	_ = 	snop  }
0x3b: {  	_ = 	snop  }
0x3c: {  	p2 =	seq.s32 s10, $0x1;
	s10 =	sld [smem:$0x3FA4]  }
0x3d: {  	_ =	shalt  }
0x3e: {  	_ =	shalt  }
0x3f: {  	_ =	shalt  }
0x40: {  	_ =	shalt  }
0x41: {  	_ =	shalt  }
0x42: {  	_ =	shalt  }
0x43: {  	_ =	shalt  }
0x44: {  	_ =	shalt  }
0x45: {  	_ =	shalt  }
0x46: {  	_ =	shalt  }
0x47: {  	_ =	shalt  }
0x48: {  	_ =	shalt  }
0x49: {  	_ =	shalt  }
0x4a: {  	_ =	shalt  }
0x4b: {  	_ =	shalt  }
0x4c: {  	_ =	shalt  }
0x4d: {  	_ =	shalt  }
0x4e: {  	_ =	shalt  }
0x4f: {  	_ =	shalt  }
0x50: {  	_ =	shalt  }
0x51: {  	_ =	shalt  }
0x52: {  	_ =	shalt  }
0x53: {  	_ =	shalt  }
0x54: {  	_ =	shalt  }
0x55: {  	_ =	shalt  }
0x56: {  	_ =	shalt  }
0x57: {  	_ =	shalt  }
0x58: {  	_ =	shalt  }
0x59: {  	_ =	shalt  }
0x5a: {  	_ =	shalt  }
0x5b: {  	_ =	shalt  }
0x5c: {  	_ =	shalt  }
0x5d: {  	_ =	shalt  }
0x5e: {  	_ =	shalt  }
0x5f: {  	_ =	shalt  }
0x60: {  	_ =	shalt  }
0x61: {  	_ =	shalt  }
0x62: {  	_ =	shalt  }
0x63: {  	_ =	shalt  }
0x64: {  	_ =	shalt  }
0x65: {  	_ =	shalt  }
0x66: {  	_ =	shalt  }
0x67: {  	_ =	shalt  }
0x68: {  	_ =	shalt  }
0x69: {  	_ =	shalt  }
0x6a: {  	_ =	shalt  }
0x6b: {  	_ =	shalt  }
0x6c: {  	_ =	shalt  }
0x6d: {  	_ =	shalt  }
0x6e: {  	_ =	shalt  }
0x6f: {  	_ =	shalt  }
0x70: {  	_ =	shalt  }
0x71: {  	_ =	shalt  }
0x72: {  	_ =	shalt  }
0x73: {  	_ =	shalt  }
0x74: {  	_ =	shalt  }
0x75: {  	_ =	shalt  }
0x76: {  	_ =	shalt  }
0x77: {  	_ =	shalt  }
0x78: {  	_ =	shalt  }
0x79: {  	_ =	shalt  }
0x7a: {  	_ =	shalt  }
0x7b: {  	_ =	shalt  }
0x7c: {  	_ =	shalt  }
0x7d: {  	_ =	shalt  }
0x7e: {  	_ =	shalt  }
0x7f: {  	_ =	shalt  }
0x80: {  	_ =	shalt  }
0x81: {  	_ =	shalt  }
0x82: {  	_ =	shalt  }
0x83: {  	_ =	shalt  }
0x84: {  	_ =	shalt  }
0x85: {  	_ =	shalt  }
0x86: {  	_ =	shalt  }
0x87: {  	_ =	shalt  }
.Lfunc_end0:
.L_simem_size_0:
called_computation_lowered:
.L_overlay_start_0:
0x88: {  	s2 =	sld [smem:$0x3FD9]  }
0x89: {  	s3 =	sld [smem:$0x3FFE];
	_ =	sdelay $0x1  }
0x8a: {  	s1 =	srdreg.scid  }
0x8b: {  	s0 =	sand.u32 $0x1, s1  }
0x8c: {  	s17 =	sshll.u32 s0, $0xA;
	s2 =	sadd.s32 s3, s2  }
0x8d: {  	s2 =	sadd.s32 s2, s17  }
0x8e: {  	[smem:$0x3FB0] =	sst s2  }
0x8f: {  	_ = 	snop  }
0x90: {  	s2 =	sld [smem:$0x3FC9];
	(tm) =	ssettm $0x1  }
0x91: {  	s18 =	sld [smem:$0x3FFB];
	_ =	sdelay $0x3  }
0x92: {  	_ =	strace s18  }
0x93: {  	s3 =	sld [smem:$0x3FFC];
	_ =	sdelay $0x3  }
0x94: {  	_ =	strace s3  }
0x95: {  	s3 =	sld [smem:$0x3FFD];
	_ =	sdelay $0x3  }
0x96: {  	_ =	strace s3  }
0x97: {  	_ =	strace $0x8FFFFFFF  }
0x98: {  	s19 =	sld [smem:$0x3FDB];
	_ =	sdelay $0x1  }
0x99: {  	s4 =	simm.s32 $_scs_section_size  }
0x9a: {  	s5 =	simm.s32 $_size__tile_overlayer_lowered;
	s6 =	simm.s32 $_tile_overlayer_lowered  }
0x9b: {  	s22 =	simm.s32 $0x1BFF;
	s21 =	sshll.u32 s6, $0x1;
	s3 =	sadd.s32 s4, s19  }
0x9c: {  	s7 =	simm.s32 $0x0;
	s20 =	sshll.u32 s5, $0x1;
	s5 =	sadd.s32 s21, s3  }
0x9d: {  	[timem:s7], [sflag:s22] =	dma.local [hbm:s5], s20  }
0x9e: {  	_ =	swait.ge [sflag:s22], s20  }
0x9f: {  	s4 =	ssub.s32 $0x0, s20;
	[sflag:s22] =	ssyncset.done $0x0  }
0xa0: {  	[sflag:s22] =	ssyncadd.s32 s4;
	_ =	sdelay $0x1  }
0xa1: {  	s23 =	simm.s32 $0x1B8B  }
0xa2: {  	_ =	swait.ge [sflag:s23], $0x1  }
0xa3: {  	[sflag:s23] =	ssyncset.done $0x0  }
0xa4: {  	s25 =	simm.s32 $0x1B8E;
	s24 =	sld [smem:$0x3FFE];
	[sflag:s23] =	ssyncadd.s32 $0xFFFFFFFF  }
0xa5: {  	s26 =	simm.s32 $execute0_lowered;
	[smem:$0x3FD2] =	sst s25  }
0xa6: {  	s5 =	sshll.u32 s26, $0x1;
	_ =	strace $0x80000046;
	[dreg:$0x1] =	wrdreg $0xFFFFFFFF  }
0xa7: {  	s28 =	simm.s32 $_size_execute0_lowered;
	s3 =	sadd.s32 s3, s5;
	[dreg:$0x0] =	wrdreg $0x0  }
0xa8: {  	s5 =	sshll.u32 s28, $0x1;
	[dreg:$0x2] =	wrdreg s3  }
0xa9: {  	[dreg:$0x3] =	wrdreg s5  }
0xaa: {  	[dreg:$0x4] =	wrdreg $0xC0  }
0xab: {  	_ =	task [dreg:s7], $0x5FFFF  }
0xac: {  	[dreg:$0x1] =	wrdreg $0xFFFFFFFF  }
0xad: {  	[dreg:$0x0] =	wrdreg $0x60  }
0xae: {  	[dreg:$0x2] =	wrdreg s2  }
0xaf: {  	[dreg:$0x3] =	wrdreg s24  }
0xb0: {  	[dreg:$0x4] =	wrdreg $0xA8000  }
0xb1: {  	[dreg:$0x5] =	wrdreg $0x9  }
0xb2: {  	_ =	task.clear_ibuf [dreg:s7], $0x6FFFF;
	_ =	strace $0x90000046  }
0xb3: {  	s29 =	simm.s32 $0x9;
	_ =	strace $0x80000048  }
0xb4: {  	_ =	swait.ge [sflag:s29], $0x1  }
0xb5: {  	[sflag:s29] =	ssyncadd.s32 $0xFFFFFFFF  }
0xb6: {  	_ =	strace $0x90000048  }
0xb7: {  	_ =	sfence  }
0xb8: {  	s30 =	sld [smem:$0x0];
	_ =	sdelay $0x2  }
0xb9: {  	s31 =	sshll.u32 s1, $0xD;
	s1 =	sshrl.u32 s1, $0x2  }
0xba: {  	s3 =	sand.u32 $0x4000, s31;
	s1 =	sadd.s32 s1, s30  }
0xbb: {  	s0 =	sor.u32 s3, s0;
	s1 =	sshll.u32 s1, $0x11  }
0xbc: {  	s0 =	sor.u32 s1, s0  }
0xbd: {  	s0 =	sadd.s32 $0x8F2B, s0  }
0xbe: {  	[sflag:s0] =	ssyncadd.remote.s32 $0x1  }
0xbf: {  	_ =	sfence.sel $0xFFFF  }
0xc0: {  	[dreg:$0x0] =	wrdreg $0xFFFFFFFF;
	(pc) =	sbr.abs _section_cstart, $3  }
0xc1: {  	[dreg:$0x1] =	wrdreg $0xFFFFFFFF  }
0xc2: {  	_ =	task.clear_ibuf [dreg:s7], $0x2FFFF;
	_ =	strace $0x9FFFFFFF  }
0xc3: {  	(tm) =	ssettm $0x7FFFFFFF  }
tec
execute0_lowered:
.L_overlay_start_1:
0x0: {  	(tag) =	ssettag $0x1  }
0x1: {  	s2 =	rddreg [dreg:$0x0]  }
0x2: {  	s0 =	srdreg.scid;
	s6 =	rddreg [dreg:$0x1]  }
0x3: {  	s18 =	stileid.u32;
	s3 =	rddreg [dreg:$0x2];
	s4 =	simm.s32 $0x0  }
0x4: {  	s20 =	simm.s32 $0x4;
	s21 =	simm.s32 $0x1400;
	s28 =	simm.s32 $0x2  }
0x5: {  	s29 =	simm.s32 $0x2700;
	s30 =	simm.s32 $0x2780;
	s31 =	simm.s32 $0x0  }
0x6: {  	s0 =	sand.u32 $0x1, s0;
	s1 =	sshll.u32 s18, $0x1;
	s7 =	smul.u32 $0x14000, s18  }
0x7: {  	[smem:$0x7FF] =	sst s4;
	s22 =	sadd.s32 $0x18C00, s6;
	s24 =	smul.u32 $0x50000, s18  }
0x8: {  	p1 =	sne.s32 s18, $0xF;
	p2 =	seq.s32 s18, $0xF;
	s26 =	smul.u32 $0x2800, s18  }
0x9: {  	s17 =	sadd.s32 $0x12C000, s3;
	s1 =	sor.u32 s0, s1;
	s5 =	smul.u32 $0x140000, s0  }
0xa: {  	_ =	strace $0x80000047;
	[dreg:$0x4] =	wrdreg s22;
	s8 =	ssub.s32 $0x2, s0  }
0xb: {  	p0 =	seq.s32 s0, $0x0;
	s22 =	simm.s32 $0x7D;
	s1 =	smul.u32 $0x2800, s1  }
0xc: {  	s23 =	sshrl.u32 s8, $0x1;
	p1 =	por !p0, !p1;
	p2 =	por !p0, !p2  }
0xd: {  	s25 =	sshrl.u32 s24, $0x2;
	s24 =	simm.s32 $0x80;
	s7 =	sadd.s32 s7, s5  }
0xe: {  	s14 =	ssub.s32 s8, s23;
	p1 =	por !p1, !p1;
	p4 =	por !p2, !p2  }
0xf: {  	s8 =	sadd.s32 s2, s26;
	s23 =	simm.s32 $0x2800;
	s26 =	simm.s32 $0x1  }
0x10: {  	s1 =	sshrl.u32 s1, $0x3;
	s7 =	sshrl.u32 s7, $0x3;
	p2 =	por p4, p1  }
0x11: {  	s14 =	smax.u32 s14, $0x1;
	s1 =	sadd.s32 s1, s6;
	s13 =	sadd.s32 s7, s6  }
0x12: {  	s6 =	sadd.s32 s25, s3;
	s7 =	sadd.s32 $0x25800, s2;
	s5 =	simm.s32 @!p2 $0x0  }
0x13: {  	p5 =	seq.s32 @!p2 s0, $0x0;
	s25 =	simm.s32 $0x6800;
	s5 =	simm.s32 @p2 $0x1  }
0x14: {  	s9 =	sadd.s32 $0x4C00, s1;
	p3 =	por @!p1 p5, p4;
	s10 =	sadd.s32 $0xEC00, s1  }
0x15: {  	s11 =	sadd.s32 $0x4E80, s1;
	s12 =	sadd.s32 $0xEE80, s1;
	s13 =	sadd.s32 $0x1B400, s13  }
0x16: {  	p5 =	por @!p1 !p5, p4;
	p4 =	por !p4, p1;
	p3 =	por p3, p1  }
0x17: {  	s19 =	sshrl.u32 @p1 s6, $0x3;
	[smem:$0x7FD] =	sst s5;
	s0 =	sshll.u32 @!p3 s18, $0x6  }
0x18: {  	p5 =	por !p5, p1;
	s15 =	sor.u32 @!p3 $0x1C03, s0;
	s0 =	sshll.u32 @p1 s18, $0x6  }
0x19: {  	s17 =	sshrl.u32 @!p4 s17, $0x3;
	s16 =	sshrl.u32 @!p3 s6, $0x3;
	s18 =	sor.u32 @p1 $0x1C03, s0  }
.LBB2_1:
0x1a: {  	s0 =	rddreg [dreg:$0x4]  }
0x1b: {  	[spmem:s16], [sflag:s15] =	dma.local @!p3 [hbm:s0], $0x2800  }
0x1c: {  	s0 =	simm.s32 @!p4 $0x1FC3  }
0x1d: {  	[spmem:s17], [sflag:s0] =	dma.local @!p4 [hbm:s7], $0x1900  }
0x1e: {  	[spmem:s19], [sflag:s18] =	dma.local @p1 [hbm:s8], $0x2800  }
0x1f: {  	[tilespmem:s4], [sflag:$0x4] =	stream.linear.gather [hbm4b:s9+s4], $0x1400, $0x38;
	[tilespmem:$0x1E800] =	vst v63  }
0x20: {  	_ =	swait.ge [sflag:s20], $0x1400  }
0x21: {  	[sflag:s20] =	ssyncset.done $0x0  }
0x22: {  	[sflag:s20] =	ssyncadd.s32 $0xFFFFEC00  }
0x23: {  	[tilespmem:s21], [sflag:$0x4] =	stream.linear.gather [hbm4b:s10+s4], $0x1400, $0x38;
	[tilespmem:$0x1E800] =	vst v63  }
0x24: {  	_ =	swait.ge [sflag:s20], $0x1400  }
0x25: {  	[sflag:s20] =	ssyncset.done $0x0;
	s1 =	sld [smem:$0x7FD]  }
0x26: {  	[sflag:s20] =	ssyncadd.s32 $0xFFFFEC00  }
0x27: {  	[tilespmem:s23], [sflag:$0x1] =	stream.indirect.gather [hbm4b:s2+s22], $0x80, s4, s22, $0xb8;
	[tilespmem:$0x1E800] =	vst v63  }
0x28: {  	p2 =	seq.s32 s1, $0x1  }
0x29: {  	p6 =	por @!p2 $0x0, $0x0;
	p2 =	por @!p3 $0x0, $0x0  }
0x2a: {  	[tilespmem:s25], [sflag:$0x2] =	stream.indirect.gather [hbm4b:s2+s22], $0x80, s24, s22, $0xb8;
	[tilespmem:$0x1E800] =	vst v63  }
0x2b: {  	s0 =	simm.s32 @p1 $0x3;
	p6 =	por @!p5 p2, p2;
	p2 =	por @!p4 $0x1, $0x1  }
0x2c: {  	_ =	swait.ge @p1 [sflag:s0], $0x2800;
	p6 =	por @!p4 p2, p2;
	p2 =	por @p1 $0x0, $0x0  }
0x2d: {  	[sflag:s0] =	ssyncset.done @p1 $0x0;
	p2 =	por @!p1 p6, p6  }
0x2e: {  	[sflag:s0] =	ssyncadd.s32 @p1 $0xFFFFD800;
	s0 =	simm.s32 @p2 $0x3  }
0x2f: {  	_ =	swait.ge @p2 [sflag:s0], $0x1900  }
0x30: {  	[sflag:s0] =	ssyncset.done @p2 $0x0  }
0x31: {  	[sflag:s0] =	ssyncadd.s32 @p2 $0xFFFFE700;
	s0 =	simm.s32 @!p0 $0x3  }
0x32: {  	_ =	swait.ge @!p0 [sflag:s0], $0x2800  }
0x33: {  	[sflag:s0] =	ssyncset.done @!p0 $0x0  }
0x34: {  	[sflag:s0] =	ssyncadd.s32 @!p0 $0xFFFFD800  }
0x35: {  	[bflag:$0x0] =	sbarrier.arrive $0xFFFF  }
0x36: {  	_ =	swait.ge [sflag:s26], $0x3E80  }
0x37: {  	[sflag:s26] =	ssyncset.done $0x0  }
0x38: {  	s5 =	simm.s32 $0x1400;
	[sflag:s26] =	ssyncadd.s32 $0xFFFFC180  }
0x39: {  	[spmem:s3] =	stream.indirect.scatter.add.f32 [tilespmem:s23], [sflag:$0x4], $0x80, s5, s22, $0xb8;
	[tilespmem:$0x1E800] =	vst v63  }
0x3a: {  	_ =	swait.ge [sflag:s20], $0x3E80  }
0x3b: {  	[sflag:s20] =	ssyncset.done $0x0  }
0x3c: {  	s1 =	simm.s32 $0x100;
	[sflag:s20] =	ssyncadd.s32 $0xFFFFC180  }
0x3d: {  	[tilespmem:s23], [sflag:$0x1] =	stream.indirect.gather [hbm4b:s2+s22], $0x80, s1, s22, $0xb8;
	[tilespmem:$0x1E800] =	vst v63  }
0x3e: {  	_ =	swait.ge [sflag:s28], $0x3E80  }
0x3f: {  	[sflag:s28] =	ssyncset.done $0x0  }
0x40: {  	s5 =	simm.s32 $0x1480;
	[sflag:s28] =	ssyncadd.s32 $0xFFFFC180  }
0x41: {  	[spmem:s3] =	stream.indirect.scatter.add.f32 [tilespmem:s25], [sflag:$0x4], $0x80, s5, s22, $0xb8;
	[tilespmem:$0x1E800] =	vst v63  }
0x42: {  	_ =	swait.ge [sflag:s20], $0x3E80  }
0x43: {  	[sflag:s20] =	ssyncset.done $0x0  }
0x44: {  	s0 =	simm.s32 $0x180;
	s1 =	simm.s32 $0x400;
	[sflag:s20] =	ssyncadd.s32 $0xFFFFC180  }
.LBB2_2:
0x45: {  	[tilespmem:s25], [sflag:$0x2] =	stream.indirect.gather [hbm4b:s2+s22], $0x80, s0, s22, $0xb8;
	[tilespmem:$0x1E800] =	vst v63  }
0x46: {  	s0 =	smov.u32 s1  }
0x47: {  	p6 =	sne.s32 s1, $0x4800;
	s1 =	sadd.s32 $0x400, s1;
	_ =	swait.ge [sflag:s26], $0x3E80  }
0x48: {  	s0 =	sshra.s32 s0, $0x2;
	[sflag:s26] =	ssyncset.done $0x0  }
0x49: {  	s5 =	sadd.s32 $0x1400, s0;
	[sflag:s26] =	ssyncadd.s32 $0xFFFFC180  }
0x4a: {  	[spmem:s3] =	stream.indirect.scatter.add.f32 [tilespmem:s23], [sflag:$0x4], $0x80, s5, s22, $0xb8;
	[tilespmem:$0x1E800] =	vst v63  }
0x4b: {  	_ =	swait.ge [sflag:s20], $0x3E80  }
0x4c: {  	[sflag:s20] =	ssyncset.done $0x0  }
0x4d: {  	s5 =	sadd.s32 $0x100, s0;
	[sflag:s20] =	ssyncadd.s32 $0xFFFFC180  }
0x4e: {  	[tilespmem:s23], [sflag:$0x1] =	stream.indirect.gather [hbm4b:s2+s22], $0x80, s5, s22, $0xb8;
	[tilespmem:$0x1E800] =	vst v63  }
0x4f: {  	_ =	swait.ge [sflag:s28], $0x3E80  }
0x50: {  	[sflag:s28] =	ssyncset.done $0x0  }
.Ltmp0:
0x51: {  	s5 =	sadd.s32 $0x1480, s0;
	[sflag:s28] =	ssyncadd.s32 $0xFFFFC180;
	(pc) =	sbr.rel @p6 .LBB2_2-.Ltmp0, $4  }
0x52: {  	[spmem:s3] =	stream.indirect.scatter.add.f32 [tilespmem:s25], [sflag:$0x4], $0x80, s5, s22, $0xb8;
	[tilespmem:$0x1E800] =	vst v63  }
0x53: {  	_ =	swait.ge [sflag:s20], $0x3E80  }
0x54: {  	[sflag:s20] =	ssyncset.done $0x0  }
0x55: {  	s0 =	sadd.s32 $0x180, s0;
	[sflag:s20] =	ssyncadd.s32 $0xFFFFC180  }
0x56: {  	[tilespmem:s25], [sflag:$0x2] =	stream.indirect.gather [hbm4b:s2+s22], $0x80, s0, s22, $0xb8;
	[tilespmem:$0x1E800] =	vst v63  }
0x57: {  	_ =	swait.ge [sflag:s26], $0x3E80  }
0x58: {  	[sflag:s26] =	ssyncset.done $0x0  }
0x59: {  	[sflag:s26] =	ssyncadd.s32 $0xFFFFC180  }
0x5a: {  	[spmem:s3] =	stream.indirect.scatter.add.f32 [tilespmem:s23], [sflag:$0x4], $0x80, s29, s22, $0xb8;
	[tilespmem:$0x1E800] =	vst v63  }
0x5b: {  	_ =	swait.ge [sflag:s20], $0x3E80  }
0x5c: {  	[sflag:s20] =	ssyncset.done $0x0  }
0x5d: {  	[sflag:s20] =	ssyncadd.s32 $0xFFFFC180  }
0x5e: {  	_ =	swait.ge [sflag:s28], $0x3E80  }
0x5f: {  	[sflag:s28] =	ssyncset.done $0x0  }
0x60: {  	[sflag:s28] =	ssyncadd.s32 $0xFFFFC180  }
0x61: {  	[spmem:s3] =	stream.indirect.scatter.add.f32 [tilespmem:s25], [sflag:$0x4], $0x80, s30, s22, $0xb8;
	[tilespmem:$0x1E800] =	vst v63  }
0x62: {  	_ =	swait.ge [sflag:s20], $0x3E80  }
0x63: {  	[sflag:s20] =	ssyncset.done $0x0  }
0x64: {  	s1 =	simm.s32 $0x0;
	[sflag:s20] =	ssyncadd.s32 $0xFFFFC180  }
0x65: {  	[tilespmem:s1], [sflag:$0x4] =	stream.linear.gather [hbm4b:s11+s1], $0x1400, $0x38;
	[tilespmem:$0x1E800] =	vst v63  }
0x66: {  	_ =	swait.ge [sflag:s20], $0x1400  }
0x67: {  	[sflag:s20] =	ssyncset.done $0x0  }
0x68: {  	[sflag:s20] =	ssyncadd.s32 $0xFFFFEC00  }
0x69: {  	[tilespmem:s21], [sflag:$0x4] =	stream.linear.gather [hbm4b:s12+s1], $0x1400, $0x38;
	[tilespmem:$0x1E800] =	vst v63  }
0x6a: {  	_ =	swait.ge [sflag:s20], $0x1400  }
0x6b: {  	[sflag:s20] =	ssyncset.done $0x0  }
0x6c: {  	[sflag:s20] =	ssyncadd.s32 $0xFFFFEC00  }
0x6d: {  	[tilespmem:s23], [sflag:$0x1] =	stream.indirect.gather [hbm4b:s2+s22], $0x80, s1, s22, $0xb8;
	[tilespmem:$0x1E800] =	vst v63  }
0x6e: {  	_ = 	snop  }
0x6f: {  	[tilespmem:s25], [sflag:$0x2] =	stream.indirect.gather [hbm4b:s2+s22], $0x80, s24, s22, $0xb8;
	[tilespmem:$0x1E800] =	vst v63  }
0x70: {  	_ =	swait.ge [sflag:s26], $0x3E80  }
0x71: {  	[sflag:s26] =	ssyncset.done $0x0  }
0x72: {  	s5 =	simm.s32 $0x1400;
	[sflag:s26] =	ssyncadd.s32 $0xFFFFC180  }
0x73: {  	[spmem:s3] =	stream.indirect.scatter.add.f32 [tilespmem:s23], [sflag:$0x4], $0x80, s5, s22, $0xb8;
	[tilespmem:$0x1E800] =	vst v63  }
0x74: {  	_ =	swait.ge [sflag:s20], $0x3E80  }
0x75: {  	[sflag:s20] =	ssyncset.done $0x0  }
0x76: {  	s1 =	simm.s32 $0x100;
	[sflag:s20] =	ssyncadd.s32 $0xFFFFC180  }
0x77: {  	[tilespmem:s23], [sflag:$0x1] =	stream.indirect.gather [hbm4b:s2+s22], $0x80, s1, s22, $0xb8;
	[tilespmem:$0x1E800] =	vst v63  }
0x78: {  	_ =	swait.ge [sflag:s28], $0x3E80  }
0x79: {  	[sflag:s28] =	ssyncset.done $0x0  }
0x7a: {  	s5 =	simm.s32 $0x1480;
	[sflag:s28] =	ssyncadd.s32 $0xFFFFC180  }
0x7b: {  	[spmem:s3] =	stream.indirect.scatter.add.f32 [tilespmem:s25], [sflag:$0x4], $0x80, s5, s22, $0xb8;
	[tilespmem:$0x1E800] =	vst v63  }
0x7c: {  	_ =	swait.ge [sflag:s20], $0x3E80  }
0x7d: {  	[sflag:s20] =	ssyncset.done $0x0  }
0x7e: {  	s0 =	simm.s32 $0x180;
	s1 =	simm.s32 $0x400;
	[sflag:s20] =	ssyncadd.s32 $0xFFFFC180  }
.LBB2_4:
0x7f: {  	[tilespmem:s25], [sflag:$0x2] =	stream.indirect.gather [hbm4b:s2+s22], $0x80, s0, s22, $0xb8;
	[tilespmem:$0x1E800] =	vst v63  }
0x80: {  	s0 =	smov.u32 s1  }
0x81: {  	p6 =	sne.s32 s1, $0x4800;
	s1 =	sadd.s32 $0x400, s1;
	_ =	swait.ge [sflag:s26], $0x3E80  }
0x82: {  	s0 =	sshra.s32 s0, $0x2;
	[sflag:s26] =	ssyncset.done $0x0  }
0x83: {  	s5 =	sadd.s32 $0x1400, s0;
	[sflag:s26] =	ssyncadd.s32 $0xFFFFC180  }
0x84: {  	[spmem:s3] =	stream.indirect.scatter.add.f32 [tilespmem:s23], [sflag:$0x4], $0x80, s5, s22, $0xb8;
	[tilespmem:$0x1E800] =	vst v63  }
0x85: {  	_ =	swait.ge [sflag:s20], $0x3E80  }
0x86: {  	[sflag:s20] =	ssyncset.done $0x0  }
0x87: {  	s5 =	sadd.s32 $0x100, s0;
	[sflag:s20] =	ssyncadd.s32 $0xFFFFC180  }
0x88: {  	[tilespmem:s23], [sflag:$0x1] =	stream.indirect.gather [hbm4b:s2+s22], $0x80, s5, s22, $0xb8;
	[tilespmem:$0x1E800] =	vst v63  }
0x89: {  	_ =	swait.ge [sflag:s28], $0x3E80  }
0x8a: {  	[sflag:s28] =	ssyncset.done $0x0  }
.Ltmp1:
0x8b: {  	s5 =	sadd.s32 $0x1480, s0;
	[sflag:s28] =	ssyncadd.s32 $0xFFFFC180;
	(pc) =	sbr.rel @p6 .LBB2_4-.Ltmp1, $4  }
0x8c: {  	[spmem:s3] =	stream.indirect.scatter.add.f32 [tilespmem:s25], [sflag:$0x4], $0x80, s5, s22, $0xb8;
	[tilespmem:$0x1E800] =	vst v63  }
0x8d: {  	_ =	swait.ge [sflag:s20], $0x3E80  }
0x8e: {  	[sflag:s20] =	ssyncset.done $0x0  }
0x8f: {  	s0 =	sadd.s32 $0x180, s0;
	[sflag:s20] =	ssyncadd.s32 $0xFFFFC180  }
0x90: {  	[tilespmem:s25], [sflag:$0x2] =	stream.indirect.gather [hbm4b:s2+s22], $0x80, s0, s22, $0xb8;
	[tilespmem:$0x1E800] =	vst v63  }
0x91: {  	_ =	swait.ge [sflag:s26], $0x3E80  }
0x92: {  	[sflag:s26] =	ssyncset.done $0x0  }
0x93: {  	[sflag:s26] =	ssyncadd.s32 $0xFFFFC180  }
0x94: {  	[spmem:s3] =	stream.indirect.scatter.add.f32 [tilespmem:s23], [sflag:$0x4], $0x80, s29, s22, $0xb8;
	[tilespmem:$0x1E800] =	vst v63  }
0x95: {  	_ =	swait.ge [sflag:s20], $0x3E80  }
0x96: {  	[sflag:s20] =	ssyncset.done $0x0  }
0x97: {  	[sflag:s20] =	ssyncadd.s32 $0xFFFFC180  }
0x98: {  	_ =	swait.ge [sflag:s28], $0x3E80  }
0x99: {  	[sflag:s28] =	ssyncset.done $0x0  }
0x9a: {  	[sflag:s28] =	ssyncadd.s32 $0xFFFFC180  }
0x9b: {  	[spmem:s3] =	stream.indirect.scatter.add.f32 [tilespmem:s25], [sflag:$0x4], $0x80, s30, s22, $0xb8;
	[tilespmem:$0x1E800] =	vst v63  }
0x9c: {  	s5 =	stileid.u32;
	_ =	swait.ge [sflag:s20], $0x3E80  }
0x9d: {  	s1 =	sshrl.u32 s6, $0x3;
	s31 =	sadd.s32 $0x1, s31;
	[sflag:s20] =	ssyncset.done $0x0  }
0x9e: {  	s0 =	sshll.u32 s5, $0x6;
	p2 =	sne.s32 s31, s14;
	[sflag:s20] =	ssyncadd.s32 $0xFFFFC180  }
.Ltmp2:
0x9f: {  	s0 =	sor.u32 $0x1C04, s0;
	[bflag:$0x0] =	sbarrier.arrive $0xFFFF;
	(pc) =	sbr.rel @p2 .LBB2_1-.Ltmp2, $4  }
0xa0: {  	[hbm:s13], [sflag:s0] =	dma.local [spmem:s1], $0x2800  }
0xa1: {  	_ =	swait.ge [sflag:s20], $0x2800  }
0xa2: {  	[sflag:s20] =	ssyncset.done $0x0  }
0xa3: {  	[sflag:s20] =	ssyncadd.s32 $0xFFFFD800  }
0xa4: {  	_ =	sfence.sel $0x180000  }
0xa5: {  	[bflag:$0x0] =	sbarrier.arrive $0xFFFF  }
0xa6: {  	_ =	strace $0x90000047  }
0xa7: {  	s0 =	stileid.u32;
	[bflag:$0x2] =	sbarrier.arrive $0xFFFF  }
0xa8: {  	p0 =	sne.s32 s0, $0x0;
	s0 =	rddreg [dreg:$0x3]  }
0xa9: {  	s0 =	sadd.s32 @!p0 $0x100000, s0  }
0xaa: {  	[sflag:s0] =	ssyncadd.tile.s32 @!p0 $0x1;
	_ =	shalt  }
.Lfunc_end2:
_tile_overlayer_lowered:
.L_overlay_start_2:
0xab: {  	(tag) =	ssettag $0x2  }
0xac: {  	s0 =	rddreg [dreg:$0x0];
	s2 =	stileid.u32  }
0xad: {  	s1 =	rddreg [dreg:$0x1];
	p0 =	sne.s32 s2, $0x0  }
0xae: {  	s3 =	rddreg [dreg:$0x2];
	[bflag:$0x3] =	sbarrier.arrive $0xFFFF;
	s2 =	simm.s32 @!p0 $0x1C04  }
0xaf: {  	[timem:s3], [sflag:s2] =	dma.local @!p0 [hbm:s0], s1  }
0xb0: {  	s0 =	simm.s32 @!p0 $0x4  }
0xb1: {  	_ =	swait.ge @!p0 [sflag:s0], s1  }
0xb2: {  	s1 =	ssub.s32 @!p0 $0x0, s1;
	[sflag:s0] =	ssyncset.done @!p0 $0x0  }
0xb3: {  	[sflag:s0] =	ssyncadd.s32 @!p0 s1  }
0xb4: {  	[bflag:$0x3] =	sbarrier.arrive $0xFFFF  }
0xb5: {  	_ =	shalt  }

</sc_bundles>
